<compile_context>
chip_gen: v7x
topology: tpu7x:2x2x1
jax: 0.10.2.dev20260603
libtpu: 0.0.44.dev20260713+nightly
codegen_flags: <defaults>
</compile_context>

<pallas_src>
import jax
import jax.numpy as jnp
from jax import lax
from jax.experimental import pallas as pl
from jax.experimental.pallas import tpu as pltpu
from jax.experimental.pallas import tpu_sc as plsc

_ROWS = 100000
_KD = 128
_H2 = 64
_BIG = 3.0e38
_IMAX = 2**31 - 1

_CROWS = _ROWS // 2
_CH = 128
_TILE_ROWS = 3136
_NCH = 25
_NBUF = 3

_TBLK = 10000
_TN = _ROWS // _TBLK


def _sc_scan2(cue, keys2):
  mesh = plsc.VectorSubcoreMesh(core_axis_name="c", subcore_axis_name="s",
                                num_cores=2, num_subcores=16)

  def body(cue_hbm, keys_hbm, cd_hbm, ci_hbm,
           b0, b1, b2, cue_v, stage_d, stage_i, alld, alli,
           shd, shi, sem0, sem1, sem2):
    cid = lax.axis_index("c")
    tid = lax.axis_index("s")
    iota16 = lax.iota(jnp.int32, 16)
    bufs = (b0, b1, b2)
    sems = (sem0, sem1, sem2)

    pltpu.sync_copy(cue_hbm.at[0], cue_v.at[pl.ds(0, _KD)])
    cue_v[pl.ds(_KD, 16)] = cue_v[pl.ds(0, 16)]

    cb = cid * _CROWS
    base = cb + tid * _TILE_ROWS
    clamp = cb + _CROWS - _CH
    rows_g = tuple(iota16 + g * 16 for g in range(8))

    def start_chunk(k, b):
      st = jnp.minimum(base + k * _CH, clamp)
      pltpu.make_async_copy(
          keys_hbm.at[pl.ds(st, _CH)], bufs[b], sems[b]).start()

    def wait_chunk(b):
      pltpu.make_async_copy(
          keys_hbm.at[pl.ds(0, _CH)], bufs[b], sems[b]).wait()

    for b in range(_NBUF):
      start_chunk(jnp.int32(b), b)

    def do_chunk(k, b, minv, mini):
      wait_chunk(b)
      st = jnp.minimum(base + k * _CH, clamp)
      accs = tuple(jnp.zeros((16,), jnp.float32) for _ in range(8))

      def s_body(s, carry, b=b):
        jpos = (iota16 + s) & (_KD - 1)
        cv = cue_v[pl.ds(s, 16)]
        accs_t = carry
        out = []
        for g in range(8):
          kv = plsc.load_gather(bufs[b], (rows_g[g], jpos))
          t = kv - cv
          out.append(accs_t[g] + t * t)
        return tuple(out)

      accs = plsc.parallel_loop(0, _KD, unroll=4, carry=accs)(s_body)
      for g in range(8):
        rows = st + g * 16 + iota16
        d = accs[g]
        better = (d < minv) | ((d == minv) & (rows < mini))
        minv = jnp.where(better, d, minv)
        mini = jnp.where(better, rows, mini)
      return minv, mini

    minv = jnp.full((16,), _BIG, jnp.float32)
    mini = jnp.zeros((16,), jnp.int32)

    def outer(c, carry):
      mv, mi = carry
      for b in range(_NBUF):
        k = c * _NBUF + b
        mv, mi = do_chunk(k, b, mv, mi)

        @pl.when(k + _NBUF < _NCH)
        def _(k=k, b=b):
          start_chunk(k + _NBUF, b)
      return mv, mi

    minv, mini = lax.fori_loop(0, (_NCH - 1) // _NBUF, outer, (minv, mini))
    minv, mini = do_chunk(jnp.int32(_NCH - 1), 0, minv, mini)

    stage_d[...] = minv
    stage_i[...] = mini
    pltpu.sync_copy(stage_d, shd.at[pl.ds(tid * 16, 16)])
    pltpu.sync_copy(stage_i, shi.at[pl.ds(tid * 16, 16)])
    plsc.subcore_barrier()

    @pl.when(tid == 0)
    def _():
      pltpu.sync_copy(shd, alld)
      pltpu.sync_copy(shi, alli)
      mv = jnp.full((16,), _BIG, jnp.float32)
      mi = jnp.full((16,), _IMAX, jnp.int32)
      for t in range(16):
        d = alld[pl.ds(t * 16, 16)]
        ii = alli[pl.ds(t * 16, 16)]
        better = (d < mv) | ((d == mv) & (ii < mi))
        mv = jnp.where(better, d, mv)
        mi = jnp.where(better, ii, mi)
      m = jnp.min(mv)
      cand = jnp.where(mv == m, mi, jnp.full((16,), _IMAX, jnp.int32))
      bi = jnp.min(cand)
      stage_d[...] = jnp.full((16,), m, jnp.float32)
      stage_i[...] = jnp.full((16,), bi, jnp.int32)
      pltpu.sync_copy(stage_d, cd_hbm.at[cid])
      pltpu.sync_copy(stage_i, ci_hbm.at[cid])

  f = pl.kernel(
      body,
      out_type=(jax.ShapeDtypeStruct((2, 16), jnp.float32),
                jax.ShapeDtypeStruct((2, 16), jnp.int32)),
      mesh=mesh,
      compiler_params=pltpu.CompilerParams(needs_layout_passes=False,
                                           use_tc_tiling_on_sc=True),
      scratch_types=[
          pltpu.VMEM((_CH, _KD), jnp.float32),
          pltpu.VMEM((_CH, _KD), jnp.float32),
          pltpu.VMEM((_CH, _KD), jnp.float32),
          pltpu.VMEM((_KD + 16,), jnp.float32),
          pltpu.VMEM((16,), jnp.float32),
          pltpu.VMEM((16,), jnp.int32),
          pltpu.VMEM((256,), jnp.float32),
          pltpu.VMEM((256,), jnp.int32),
          pltpu.VMEM_SHARED((256,), jnp.float32),
          pltpu.VMEM_SHARED((256,), jnp.int32),
          pltpu.SemaphoreType.DMA,
          pltpu.SemaphoreType.DMA,
          pltpu.SemaphoreType.DMA,
      ],
  )
  return f(cue, keys2)


def _tc_scan1_body(keys_r, cue_r, out_r, best_d, best_i):
  i = pl.program_id(0)

  @pl.when(i == 0)
  def _():
    best_d[0] = _BIG
    best_i[0] = 0

  kb = keys_r[...]
  def mvT(x, w):
    return lax.dot_general(x, w, (((1,), (1,)), ((), ())),
                           preferred_element_type=jnp.float32)
  norms = mvT(jnp.ones((1, _KD), jnp.float32), kb * kb)
  sims = mvT(cue_r[...], kb)
  d = norms - 2.0 * sims
  m = jnp.min(d)

  @pl.when(m < best_d[0])
  def _():
    rowid = lax.broadcasted_iota(jnp.int32, (1, _TBLK), 1)
    li = jnp.min(jnp.where(d == m, rowid, _IMAX))
    best_d[0] = m
    best_i[0] = i * _TBLK + li

  @pl.when(i == _TN - 1)
  def _():
    out_r[0, 0] = best_i[0]


def _tc_scan1(cue, keys1):
  return pl.pallas_call(
      _tc_scan1_body,
      grid=(_TN,),
      in_specs=[
          pl.BlockSpec((_TBLK, _KD), lambda i: (i, 0)),
          pl.BlockSpec((1, _KD), lambda i: (0, 0)),
      ],
      out_specs=pl.BlockSpec(memory_space=pltpu.SMEM),
      out_shape=jax.ShapeDtypeStruct((1, 1), jnp.int32),
      scratch_shapes=[
          pltpu.SMEM((1,), jnp.float32),
          pltpu.SMEM((1,), jnp.int32),
      ],
  )(keys1, cue)


def _sig(x):
  return 1.0 / (1.0 + jnp.exp(-x))


def _dense_body(idx_r, m1b_r, m2b_r,
                obs_r, pa_r, pr_r, h1_r, c1_r, h2_r, c2_r,
                w1_r, be1_r, w2_r, be2_r,
                wih1_r, whh1_r, bi1_r, bh1_r,
                wih2_r, whh2_r, bi2_r, bh2_r,
                aw_r, ab_r, cw_r, cb_r,
                lo_r, vo_r, h1o_r, c1o_r, h2o_r, c2o_r):
  def mmT(x, w):
    return lax.dot_general(x, w, (((1,), (1,)), ((), ())),
                           preferred_element_type=jnp.float32)

  def mmN(x, w):
    return lax.dot_general(x, w, (((1,), (0,)), ((), ())),
                           preferred_element_type=jnp.float32)

  rsel1 = lax.broadcasted_iota(jnp.int32, (8, _KD), 0) == idx_r[1]
  m1 = jnp.sum(jnp.where(rsel1, m1b_r[...], 0.0), axis=0, keepdims=True)
  m2t = jnp.transpose(m2b_r[...])
  rsel2 = lax.broadcasted_iota(jnp.int32, (128, _H2), 0) == idx_r[3]
  m2 = jnp.sum(jnp.where(rsel2, m2t, 0.0), axis=0, keepdims=True)

  obs_v = obs_r[...]
  f1 = jnp.maximum(mmN(obs_v, w1_r[...]) + be1_r[...], 0.0)
  feats = jnp.maximum(mmN(f1, w2_r[...]) + be2_r[...], 0.0)

  wih1 = wih1_r[...]
  h1v = h1_r[...]
  c1v = c1_r[...]
  g = (mmN(feats, wih1[0:128, :]) + mmN(pr_r[...], wih1[128:129, :]) +
       mmT(h1v, whh1_r[...]) + bi1_r[...] + bh1_r[...])
  i_g = g[:, 0:128]
  f_g = g[:, 128:256]
  g_g = g[:, 256:384]
  o_g = g[:, 384:512]
  r_g = g[:, 512:640]
  c1n = _sig(f_g) * c1v + _sig(i_g) * jnp.tanh(g_g) + _sig(r_g) * m1
  h1n = _sig(o_g) * jnp.tanh(c1n)

  wih2 = wih2_r[...]
  h2v = h2_r[...]
  c2v = c2_r[...]
  g2 = (mmN(h1n, wih2[0:128, :]) + mmN(feats, wih2[128:256, :]) +
        mmN(pa_r[...], wih2[256:262, :]) + mmN(h2v, whh2_r[...]) +
        bi2_r[...] + bh2_r[...])
  i2g = g2[:, 0:64]
  f2g = g2[:, 64:128]
  g2g = g2[:, 128:192]
  o2g = g2[:, 192:256]
  r2g = g2[:, 256:320]
  c2n = _sig(f2g) * c2v + _sig(i2g) * jnp.tanh(g2g) + _sig(r2g) * m2
  h2n = _sig(o2g) * jnp.tanh(c2n)

  lo_r[0] = mmT(h2n, aw_r[...]) + ab_r[...]
  vo_r[0] = jnp.sum(h2n * cw_r[...], axis=1, keepdims=True) + cb_r[...]
  h1o_r[0] = h1n
  c1o_r[0] = c1n
  h2o_r[0] = h2n
  c2o_r[0] = c2n


def _dense(idx2, vals1, vals2,
           obs, p_action, p_reward, h1, c1, h2, c2,
           enc_W1, enc_b1, enc_W2, enc_b2,
           Wih1, Whh1, bih1, bhh1, Wih2, Whh2, bih2, bhh2,
           actor_W, actor_b, critic_W, critic_b):
  out_shape = (
      jax.ShapeDtypeStruct((1, 1, 6), jnp.float32),
      jax.ShapeDtypeStruct((1, 1, 1), jnp.float32),
      jax.ShapeDtypeStruct((1, 1, 128), jnp.float32),
      jax.ShapeDtypeStruct((1, 1, 128), jnp.float32),
      jax.ShapeDtypeStruct((1, 1, 64), jnp.float32),
      jax.ShapeDtypeStruct((1, 1, 64), jnp.float32),
  )
  vmem = pl.BlockSpec(memory_space=pltpu.VMEM)
  in_specs = [
      pl.BlockSpec((8, _KD), lambda i, idx_r: (idx_r[0], 0)),
      pl.BlockSpec((_H2, 128), lambda i, idx_r: (0, idx_r[2])),
  ] + [vmem] * 23
  grid_spec = pltpu.PrefetchScalarGridSpec(
      num_scalar_prefetch=1, grid=(1,), in_specs=in_specs)
  return pl.pallas_call(
      _dense_body,
      grid_spec=grid_spec,
      out_shape=out_shape,
  )(idx2, vals1, vals2.T,
    obs, p_action, p_reward, h1, c1, h2, c2,
    enc_W1.T, enc_b1.reshape(1, -1), enc_W2.T, enc_b2.reshape(1, -1),
    Wih1.T, Whh1, bih1.reshape(1, -1), bhh1.reshape(1, -1),
    Wih2.T, Whh2.T, bih2.reshape(1, -1), bhh2.reshape(1, -1),
    actor_W, actor_b.reshape(1, -1), critic_W, critic_b.reshape(1, -1))


def kernel(obs, p_action, p_reward, h1, c1, h2, c2, cue,
           enc_W1, enc_b1, enc_W2, enc_b2, keys1, vals1, keys2, vals2,
           Wih1, Whh1, bih1, bhh1, Wih2, Whh2, bih2, bhh2,
           actor_W, actor_b, critic_W, critic_b):
  cand2_d, cand2_i = _sc_scan2(cue, keys2)
  idx1 = _tc_scan1(cue, keys1)
  d20 = cand2_d[0, 0]
  d21 = cand2_d[1, 0]
  i20 = cand2_i[0, 0]
  i21 = cand2_i[1, 0]
  use1 = (d21 < d20) | ((d21 == d20) & (i21 < i20))
  i2 = jnp.where(use1, i21, i20)
  i1 = idx1[0, 0]
  idx2 = jnp.stack([i1 >> 3, i1 & 7, i2 >> 7, i2 & 127])
  return _dense(
      idx2, vals1, vals2,
      obs, p_action, p_reward, h1[0], c1[0], h2[0], c2[0],
      enc_W1, enc_b1, enc_W2, enc_b2,
      Wih1, Whh1, bih1, bhh1, Wih2, Whh2, bih2, bhh2,
      actor_W, actor_b, critic_W, critic_b)

# --- scband reference (transcript-rebuilt; emitter-appended) ---
"""Pipeline reference for scband-a3-c-dnd-stacked-lstm-14869176778797 (READ-ONLY COPY).

The authoritative reference and input builder live on the scoring server;
editing this copy changes nothing except your own understanding.
"""

import jax, jax.numpy as jnp
import numpy as np

DICT_LEN = 100000
KEY_DIM = 128
HIDDEN = 128
NUM_ACTIONS = 6
FEAT = 128


def _lin(k, out_d, in_d):
    s = 1.0 / np.sqrt(in_d)
    return jax.random.uniform(k, (out_d, in_d), jnp.float32, -s, s)


def setup_inputs(seed: int = 0):
    key = jax.random.key(seed)
    ks = jax.random.split(key, 20)
    inp = {}
    inp['obs'] = jax.random.normal(ks[0], (1, 9), dtype=jnp.float32)
    inp['p_action'] = jax.random.normal(ks[1], (1, NUM_ACTIONS), dtype=jnp.float32)
    inp['p_reward'] = jax.random.normal(ks[2], (1, 1), dtype=jnp.float32)
    inp['h1'] = jnp.zeros((1, 1, HIDDEN), jnp.float32)
    inp['c1'] = jnp.zeros((1, 1, HIDDEN), jnp.float32)
    inp['h2'] = jnp.zeros((1, 1, HIDDEN // 2), jnp.float32)
    inp['c2'] = jnp.zeros((1, 1, HIDDEN // 2), jnp.float32)
    inp['cue'] = jax.random.normal(ks[3], (1, KEY_DIM), jnp.float32)
    inp['enc_W1'] = _lin(ks[4], 64, 9)
    inp['enc_b1'] = jnp.zeros((64,), jnp.float32)
    inp['enc_W2'] = _lin(ks[5], FEAT, 64)
    inp['enc_b2'] = jnp.zeros((FEAT,), jnp.float32)
    inp['keys1'] = jax.random.normal(ks[6], (DICT_LEN, KEY_DIM), jnp.float32)
    inp['vals1'] = jax.random.normal(ks[7], (DICT_LEN, HIDDEN), jnp.float32)
    inp['keys2'] = jax.random.normal(ks[8], (DICT_LEN, KEY_DIM), jnp.float32)
    inp['vals2'] = jax.random.normal(ks[9], (DICT_LEN, HIDDEN // 2), jnp.float32)
    in1 = FEAT + 1
    inp['Wih1'] = _lin(ks[10], 5 * HIDDEN, in1)
    inp['Whh1'] = _lin(ks[11], 5 * HIDDEN, HIDDEN)
    inp['bih1'] = jnp.zeros((5 * HIDDEN,), jnp.float32)
    inp['bhh1'] = jnp.zeros((5 * HIDDEN,), jnp.float32)
    H2 = HIDDEN // 2
    in2 = FEAT + NUM_ACTIONS + HIDDEN
    inp['Wih2'] = _lin(ks[12], 5 * H2, in2)
    inp['Whh2'] = _lin(ks[13], 5 * H2, H2)
    inp['bih2'] = jnp.zeros((5 * H2,), jnp.float32)
    inp['bhh2'] = jnp.zeros((5 * H2,), jnp.float32)
    inp['actor_W'] = _lin(ks[14], NUM_ACTIONS, H2)
    inp['actor_b'] = jnp.zeros((NUM_ACTIONS,), jnp.float32)
    inp['critic_W'] = _lin(ks[15], 1, H2)
    inp['critic_b'] = jnp.zeros((1,), jnp.float32)
    return inp


def _dnd_retrieve(cue, keys, vals):
    # l2 kernel: similarity = -||q - k||_2, computed via expansion to avoid [Q, N, D] blowup
    sq = jnp.sum(cue * cue, axis=1, keepdims=True) + jnp.sum(keys * keys, axis=1)[None, :] - 2.0 * (cue @ keys.T)
    sims = -jnp.sqrt(jnp.maximum(sq, 0.0))
    idx = jnp.argmax(sims, axis=1)  # 1-NN retrieval
    return jnp.take(vals, idx, axis=0)


def _ep_lstm(x, m, h0, c0, Wih, Whh, bih, bhh):
    # Episodic LSTM: standard LSTM + reinstatement gate r injecting retrieved memory m_t into cell state.
    # x: [T, 1, D], m: [T, 1, H], h0/c0: [1, 1, H]
    def step(carry, xm):
        h, c = carry
        xt, mt = xm
        g = xt @ Wih.T + h @ Whh.T + bih + bhh
        i_g, f_g, g_g, o_g, r_g = jnp.split(g, 5, axis=-1)
        c_new = jax.nn.sigmoid(f_g) * c + jax.nn.sigmoid(i_g) * jnp.tanh(g_g) + jax.nn.sigmoid(r_g) * mt
        h_new = jax.nn.sigmoid(o_g) * jnp.tanh(c_new)
        return (h_new, c_new), h_new
    (hT, cT), hs = jax.lax.scan(step, (h0[0], c0[0]), (x, m))
    return hs, hT[None, :, :], cT[None, :, :]


def reference(obs, p_action, p_reward, h1, c1, h2, c2, cue, enc_W1, enc_b1, enc_W2, enc_b2, keys1, vals1, keys2, vals2, Wih1, Whh1, bih1, bhh1, Wih2, Whh2, bih2, bhh2, actor_W, actor_b, critic_W, critic_b):
    feats = jax.nn.relu(jax.nn.relu(obs @ enc_W1.T + enc_b1) @ enc_W2.T + enc_b2)
    x_t1 = jnp.concatenate([feats, p_reward], axis=-1)[:, None, :]
    m_t1 = _dnd_retrieve(cue, keys1, vals1)[:, None, :]
    m_t2 = _dnd_retrieve(cue, keys2, vals2)[:, None, :]
    _, h_t1, c_t1 = _ep_lstm(x_t1, m_t1, h1, c1, Wih1, Whh1, bih1, bhh1)
    x_t2 = jnp.concatenate([h_t1[0], feats, p_action], axis=-1)[:, None, :]
    _, h_t2, c_t2 = _ep_lstm(x_t2, m_t2, h2, c2, Wih2, Whh2, bih2, bhh2)
    action_logits = h_t2 @ actor_W.T + actor_b
    value_estimate = h_t2 @ critic_W.T + critic_b
    return (action_logits, value_estimate, h_t1, c_t1, h_t2, c_t2)

if __name__ == "__main__":
    import jax
    _d = setup_inputs()
    print(jax.jit(kernel)(*tuple(_d.values())))

</pallas_src>

<mosaic_0001>
#map = affine_map<(d0, d1) -> (0, 0)>
module attributes {stable_mosaic.version = 14 : i64} {
  func.func @body(%arg0: i32, %arg1: i32, %arg2: memref<1x128xf32, #tpu.memory_space<hbm>>, %arg3: memref<100000x128xf32, #tpu.memory_space<hbm>>, %arg4: memref<2x16xf32, #tpu.memory_space<hbm>>, %arg5: memref<2x16xi32, #tpu.memory_space<hbm>>, %arg6: memref<128x128xf32, #tpu.memory_space<vmem>>, %arg7: memref<128x128xf32, #tpu.memory_space<vmem>>, %arg8: memref<128x128xf32, #tpu.memory_space<vmem>>, %arg9: memref<144xf32, #tpu.memory_space<vmem>>, %arg10: memref<16xf32, #tpu.memory_space<vmem>>, %arg11: memref<16xi32, #tpu.memory_space<vmem>>, %arg12: memref<256xf32, #tpu.memory_space<vmem>>, %arg13: memref<256xi32, #tpu.memory_space<vmem>>, %arg14: memref<256xf32, #tpu.memory_space<vmem_shared>>, %arg15: memref<256xi32, #tpu.memory_space<vmem_shared>>, %arg16: memref<!tpu.dma_semaphore, #tpu.memory_space<semaphore_mem>>, %arg17: memref<!tpu.dma_semaphore, #tpu.memory_space<semaphore_mem>>, %arg18: memref<!tpu.dma_semaphore, #tpu.memory_space<semaphore_mem>>) attributes {dimension_semantics = [#tpu.dimension_semantics<core_parallel>, #tpu.dimension_semantics<subcore_parallel>], iteration_bounds = array<i64: 2, 16>, scalar_prefetch = 0 : i64, scratch_operands = 13 : i64, tpu.core_type = #tpu.core_type<sc_vector_subcore>, window_params = [{transform_indices = #map}, {transform_indices = #map}, {transform_indices = #map}, {transform_indices = #map}]} {
    %iota3A = tpu.iota {dimensions = array<i32: 0>} : vector<16xi32>
    %run_scoped3A = arith.constant 0 : i32
    "tpu.region"() ({
      %run_scoped3A_188 = tpu.sem_alloc : memref<!tpu.dma_semaphore, #tpu.memory_space<semaphore_mem>>
      %dma_start3A_189 = arith.constant 0 : i32
      %dma_start3A_190 = tpu.memref_slice %arg9[%dma_start3A_189] : memref<144xf32, #tpu.memory_space<vmem>> -> memref<128xf32, #tpu.memory_space<vmem>>
      %dma_start3A_191 = arith.constant 0 : i32
      %dma_start3A_192 = tpu.memref_slice %arg2[%run_scoped3A, %dma_start3A_191] : memref<1x128xf32, #tpu.memory_space<hbm>> -> memref<1x128xf32, #tpu.memory_space<hbm>>
      %dma_start3A_193 = tpu.memref_squeeze %dma_start3A_192 : memref<1x128xf32, #tpu.memory_space<hbm>> -> memref<128xf32, #tpu.memory_space<hbm>>
      %dma_start3A_194 = arith.constant 0 : i32
      %dma_start3A_195 = tpu.memref_slice %arg9[%dma_start3A_194] : memref<144xf32, #tpu.memory_space<vmem>> -> memref<128xf32, #tpu.memory_space<vmem>>
      %dma_start3A_196 = arith.constant 0 : i32
      %dma_start3A_197 = tpu.memref_slice %arg2[%run_scoped3A, %dma_start3A_196] : memref<1x128xf32, #tpu.memory_space<hbm>> -> memref<1x128xf32, #tpu.memory_space<hbm>>
      %dma_start3A_198 = tpu.memref_squeeze %dma_start3A_197 : memref<1x128xf32, #tpu.memory_space<hbm>> -> memref<128xf32, #tpu.memory_space<hbm>>
      tpu.enqueue_dma source(%dma_start3A_198 : memref<128xf32, #tpu.memory_space<hbm>>) target(%dma_start3A_195 : memref<128xf32, #tpu.memory_space<vmem>>) target_semaphore(%run_scoped3A_188 : memref<!tpu.dma_semaphore, #tpu.memory_space<semaphore_mem>>)
      %dma_wait3A_199 = arith.constant 0 : i32
      %dma_wait3A_200 = tpu.memref_slice %arg9[%dma_wait3A_199] : memref<144xf32, #tpu.memory_space<vmem>> -> memref<128xf32, #tpu.memory_space<vmem>>
      %dma_wait3A_201 = arith.constant 0 : i32
      %dma_wait3A_202 = tpu.memref_slice %arg2[%run_scoped3A, %dma_wait3A_201] : memref<1x128xf32, #tpu.memory_space<hbm>> -> memref<1x128xf32, #tpu.memory_space<hbm>>
      %dma_wait3A_203 = tpu.memref_squeeze %dma_wait3A_202 : memref<1x128xf32, #tpu.memory_space<hbm>> -> memref<128xf32, #tpu.memory_space<hbm>>
      %dma_wait3A_204 = arith.constant 0 : i32
      %dma_wait3A_205 = tpu.memref_slice %arg9[%dma_wait3A_204] : memref<144xf32, #tpu.memory_space<vmem>> -> memref<128xf32, #tpu.memory_space<vmem>>
      %dma_wait3A_206 = arith.constant 0 : i32
      %dma_wait3A_207 = tpu.memref_slice %arg2[%run_scoped3A, %dma_wait3A_206] : memref<1x128xf32, #tpu.memory_space<hbm>> -> memref<1x128xf32, #tpu.memory_space<hbm>>
      %dma_wait3A_208 = tpu.memref_squeeze %dma_wait3A_207 : memref<1x128xf32, #tpu.memory_space<hbm>> -> memref<128xf32, #tpu.memory_space<hbm>>
      tpu.wait_dma2 semaphore(%run_scoped3A_188 : memref<!tpu.dma_semaphore, #tpu.memory_space<semaphore_mem>>) src(%dma_wait3A_208 : memref<128xf32, #tpu.memory_space<hbm>>) dst(%dma_wait3A_205 : memref<128xf32, #tpu.memory_space<vmem>>)
      tpu.yield
    }) : () -> ()
    %get3A = arith.constant 0 : index
    %get3A_0 = tpu.vector_load %arg9[%get3A] {strides = array<i32>} : memref<144xf32, #tpu.memory_space<vmem>>, vector<16xf32>,
    %swap3A = arith.constant 128 : index
    %swap3A_1 = tpu.vector_load %arg9[%swap3A] {strides = array<i32>} : memref<144xf32, #tpu.memory_space<vmem>>, vector<16xf32>,
    tpu.vector_store %arg9[%swap3A], %get3A_0 {strides = array<i32>} : memref<144xf32, #tpu.memory_space<vmem>>, vector<16xf32>,
    %mul3A = arith.constant 50000 : i32
    %mul3A_2 = arith.muli %arg0, %mul3A : i32
    %mul3A_3 = arith.constant 3136 : i32
    %mul3A_4 = arith.muli %arg1, %mul3A_3 : i32
    %add3A = arith.addi %mul3A_2, %mul3A_4 : i32
    %add3A_5 = arith.constant 50000 : i32
    %add3A_6 = arith.addi %mul3A_2, %add3A_5 : i32
    %sub3A = arith.constant 128 : i32
    %sub3A_7 = arith.subi %add3A_6, %sub3A : i32
    %add3A_8 = arith.constant 0 : i32
    %add3A_9 = vector.broadcast %add3A_8 : i32 to vector<16xi32>
    %add3A_10 = arith.addi %iota3A, %add3A_9 : vector<16xi32>
    %add3A_11 = arith.constant 16 : i32
    %add3A_12 = vector.broadcast %add3A_11 : i32 to vector<16xi32>
    %add3A_13 = arith.addi %iota3A, %add3A_12 : vector<16xi32>
    %add3A_14 = arith.constant 32 : i32
    %add3A_15 = vector.broadcast %add3A_14 : i32 to vector<16xi32>
    %add3A_16 = arith.addi %iota3A, %add3A_15 : vector<16xi32>
    %add3A_17 = arith.constant 48 : i32
    %add3A_18 = vector.broadcast %add3A_17 : i32 to vector<16xi32>
    %add3A_19 = arith.addi %iota3A, %add3A_18 : vector<16xi32>
    %add3A_20 = arith.constant 64 : i32
    %add3A_21 = vector.broadcast %add3A_20 : i32 to vector<16xi32>
    %add3A_22 = arith.addi %iota3A, %add3A_21 : vector<16xi32>
    %add3A_23 = arith.constant 80 : i32
    %add3A_24 = vector.broadcast %add3A_23 : i32 to vector<16xi32>
    %add3A_25 = arith.addi %iota3A, %add3A_24 : vector<16xi32>
    %add3A_26 = arith.constant 96 : i32
    %add3A_27 = vector.broadcast %add3A_26 : i32 to vector<16xi32>
    %add3A_28 = arith.addi %iota3A, %add3A_27 : vector<16xi32>
    %add3A_29 = arith.constant 112 : i32
    %add3A_30 = vector.broadcast %add3A_29 : i32 to vector<16xi32>
    %add3A_31 = arith.addi %iota3A, %add3A_30 : vector<16xi32>
    %mul3A_32 = arith.constant 0 : i32
    %mul3A_33 = arith.constant 128 : i32
    %mul3A_34 = arith.muli %mul3A_32, %mul3A_33 : i32
    %add3A_35 = arith.addi %add3A, %mul3A_34 : i32
    %min3A = arith.minsi %add3A_35, %sub3A_7 : i32
    %dma_start3A = arith.constant 0 : i32
    %dma_start3A_36 = tpu.memref_slice %arg3[%min3A, %dma_start3A] : memref<100000x128xf32, #tpu.memory_space<hbm>> -> memref<128x128xf32, #tpu.memory_space<hbm>>
    %dma_start3A_37 = arith.constant 0 : i32
    %dma_start3A_38 = tpu.memref_slice %arg3[%min3A, %dma_start3A_37] : memref<100000x128xf32, #tpu.memory_space<hbm>> -> memref<128x128xf32, #tpu.memory_space<hbm>>
    tpu.enqueue_dma source(%dma_start3A_38 : memref<128x128xf32, #tpu.memory_space<hbm>>) target(%arg6 : memref<128x128xf32, #tpu.memory_space<vmem>>) target_semaphore(%arg16 : memref<!tpu.dma_semaphore, #tpu.memory_space<semaphore_mem>>)
    %mul3A_39 = arith.constant 1 : i32
    %mul3A_40 = arith.constant 128 : i32
    %mul3A_41 = arith.muli %mul3A_39, %mul3A_40 : i32
    %add3A_42 = arith.addi %add3A, %mul3A_41 : i32
    %min3A_43 = arith.minsi %add3A_42, %sub3A_7 : i32
    %dma_start3A_44 = arith.constant 0 : i32
    %dma_start3A_45 = tpu.memref_slice %arg3[%min3A_43, %dma_start3A_44] : memref<100000x128xf32, #tpu.memory_space<hbm>> -> memref<128x128xf32, #tpu.memory_space<hbm>>
    %dma_start3A_46 = arith.constant 0 : i32
    %dma_start3A_47 = tpu.memref_slice %arg3[%min3A_43, %dma_start3A_46] : memref<100000x128xf32, #tpu.memory_space<hbm>> -> memref<128x128xf32, #tpu.memory_space<hbm>>
    tpu.enqueue_dma source(%dma_start3A_47 : memref<128x128xf32, #tpu.memory_space<hbm>>) target(%arg7 : memref<128x128xf32, #tpu.memory_space<vmem>>) target_semaphore(%arg17 : memref<!tpu.dma_semaphore, #tpu.memory_space<semaphore_mem>>)
    %mul3A_48 = arith.constant 2 : i32
    %mul3A_49 = arith.constant 128 : i32
    %mul3A_50 = arith.muli %mul3A_48, %mul3A_49 : i32
    %add3A_51 = arith.addi %add3A, %mul3A_50 : i32
    %min3A_52 = arith.minsi %add3A_51, %sub3A_7 : i32
    %dma_start3A_53 = arith.constant 0 : i32
    %dma_start3A_54 = tpu.memref_slice %arg3[%min3A_52, %dma_start3A_53] : memref<100000x128xf32, #tpu.memory_space<hbm>> -> memref<128x128xf32, #tpu.memory_space<hbm>>
    %dma_start3A_55 = arith.constant 0 : i32
    %dma_start3A_56 = tpu.memref_slice %arg3[%min3A_52, %dma_start3A_55] : memref<100000x128xf32, #tpu.memory_space<hbm>> -> memref<128x128xf32, #tpu.memory_space<hbm>>
    tpu.enqueue_dma source(%dma_start3A_56 : memref<128x128xf32, #tpu.memory_space<hbm>>) target(%arg8 : memref<128x128xf32, #tpu.memory_space<vmem>>) target_semaphore(%arg18 : memref<!tpu.dma_semaphore, #tpu.memory_space<semaphore_mem>>)
    %broadcast_in_dim3A = arith.constant 3.000000e+38 : f32
    %broadcast_in_dim3A_57 = vector.broadcast %broadcast_in_dim3A : f32 to vector<16xf32>
    %broadcast_in_dim3A_58 = arith.constant 0 : i32
    %broadcast_in_dim3A_59 = vector.broadcast %broadcast_in_dim3A_58 : i32 to vector<16xi32>
    %scan3A = arith.constant 0 : i32
    %scan3A_60 = arith.constant 8 : i32
    %scan3A_61 = arith.addi %scan3A, %scan3A_60 : i32
    %scan3A_62 = arith.constant 1 : i32
    %scan3A_63:2 = scf.for %scan3A_188 = %scan3A to %scan3A_61 step %scan3A_62 iter_args(%scan3A_189 = %broadcast_in_dim3A_57, %scan3A_190 = %broadcast_in_dim3A_59) -> (vector<16xf32>, vector<16xi32>)  : i32 {
      %mul3A_191 = arith.constant 3 : i32
      %mul3A_192 = arith.muli %scan3A_188, %mul3A_191 : i32
      %add3A_193 = arith.constant 0 : i32
      %add3A_194 = arith.addi %mul3A_192, %add3A_193 : i32
      %dma_wait3A_195 = arith.constant 0 : i32
      %dma_wait3A_196 = arith.constant 0 : i32
      %dma_wait3A_197 = tpu.memref_slice %arg3[%dma_wait3A_195, %dma_wait3A_196] : memref<100000x128xf32, #tpu.memory_space<hbm>> -> memref<128x128xf32, #tpu.memory_space<hbm>>
      %dma_wait3A_198 = arith.constant 0 : i32
      %dma_wait3A_199 = arith.constant 0 : i32
      %dma_wait3A_200 = tpu.memref_slice %arg3[%dma_wait3A_198, %dma_wait3A_199] : memref<100000x128xf32, #tpu.memory_space<hbm>> -> memref<128x128xf32, #tpu.memory_space<hbm>>
      tpu.wait_dma2 semaphore(%arg16 : memref<!tpu.dma_semaphore, #tpu.memory_space<semaphore_mem>>) src(%dma_wait3A_200 : memref<128x128xf32, #tpu.memory_space<hbm>>) dst(%arg6 : memref<128x128xf32, #tpu.memory_space<vmem>>)
      %mul3A_201 = arith.constant 128 : i32
      %mul3A_202 = arith.muli %add3A_194, %mul3A_201 : i32
      %add3A_203 = arith.addi %add3A, %mul3A_202 : i32
      %min3A_204 = arith.minsi %add3A_203, %sub3A_7 : i32
      %broadcast_in_dim3A_205 = arith.constant 0.000000e+00 : f32
      %broadcast_in_dim3A_206 = vector.broadcast %broadcast_in_dim3A_205 : f32 to vector<16xf32>
      %broadcast_in_dim3A_207 = arith.constant 0.000000e+00 : f32
      %broadcast_in_dim3A_208 = vector.broadcast %broadcast_in_dim3A_207 : f32 to vector<16xf32>
      %broadcast_in_dim3A_209 = arith.constant 0.000000e+00 : f32
      %broadcast_in_dim3A_210 = vector.broadcast %broadcast_in_dim3A_209 : f32 to vector<16xf32>
      %broadcast_in_dim3A_211 = arith.constant 0.000000e+00 : f32
      %broadcast_in_dim3A_212 = vector.broadcast %broadcast_in_dim3A_211 : f32 to vector<16xf32>
      %broadcast_in_dim3A_213 = arith.constant 0.000000e+00 : f32
      %broadcast_in_dim3A_214 = vector.broadcast %broadcast_in_dim3A_213 : f32 to vector<16xf32>
      %broadcast_in_dim3A_215 = arith.constant 0.000000e+00 : f32
      %broadcast_in_dim3A_216 = vector.broadcast %broadcast_in_dim3A_215 : f32 to vector<16xf32>
      %broadcast_in_dim3A_217 = arith.constant 0.000000e+00 : f32
      %broadcast_in_dim3A_218 = vector.broadcast %broadcast_in_dim3A_217 : f32 to vector<16xf32>
      %broadcast_in_dim3A_219 = arith.constant 0.000000e+00 : f32
      %broadcast_in_dim3A_220 = vector.broadcast %broadcast_in_dim3A_219 : f32 to vector<16xf32>
      %parallel_loop3A_221 = arith.constant 0 : i32
      %parallel_loop3A_222 = arith.constant 128 : i32
      %parallel_loop3A_223 = arith.constant 1 : i32
      %parallel_loop3A_224:8 = scf.for %parallel_loop3A_578 = %parallel_loop3A_221 to %parallel_loop3A_222 step %parallel_loop3A_223 iter_args(%parallel_loop3A_579 = %broadcast_in_dim3A_206, %parallel_loop3A_580 = %broadcast_in_dim3A_208, %parallel_loop3A_581 = %broadcast_in_dim3A_210, %parallel_loop3A_582 = %broadcast_in_dim3A_212, %parallel_loop3A_583 = %broadcast_in_dim3A_214, %parallel_loop3A_584 = %broadcast_in_dim3A_216, %parallel_loop3A_585 = %broadcast_in_dim3A_218, %parallel_loop3A_586 = %broadcast_in_dim3A_220) -> (vector<16xf32>, vector<16xf32>, vector<16xf32>, vector<16xf32>, vector<16xf32>, vector<16xf32>, vector<16xf32>, vector<16xf32>)  : i32 {
        %parallel_loop3A_587 = vector.broadcast %parallel_loop3A_578 : i32 to vector<16xi32>
        %parallel_loop3A_588 = arith.addi %iota3A, %parallel_loop3A_587 : vector<16xi32>
        %parallel_loop3A_589 = arith.constant 127 : i32
        %parallel_loop3A_590 = vector.broadcast %parallel_loop3A_589 : i32 to vector<16xi32>
        %parallel_loop3A_591 = arith.andi %parallel_loop3A_588, %parallel_loop3A_590 : vector<16xi32>
        %parallel_loop3A_592 = arith.index_cast %parallel_loop3A_578 : i32 to index
        %parallel_loop3A_593 = tpu.vector_load %arg9[%parallel_loop3A_592] {strides = array<i32>} : memref<144xf32, #tpu.memory_space<vmem>>, vector<16xf32>,
        %parallel_loop3A_594 = tpu.vector_load_idx %arg6[%add3A_10, %parallel_loop3A_591] : memref<128x128xf32, #tpu.memory_space<vmem>>[vector<16xi32>, vector<16xi32>], vector<16xf32>,
        %parallel_loop3A_595 = arith.subf %parallel_loop3A_594, %parallel_loop3A_593 : vector<16xf32>
        %parallel_loop3A_596 = arith.mulf %parallel_loop3A_595, %parallel_loop3A_595 : vector<16xf32>
        %parallel_loop3A_597 = arith.addf %parallel_loop3A_579, %parallel_loop3A_596 : vector<16xf32>
        %parallel_loop3A_598 = tpu.vector_load_idx %arg6[%add3A_13, %parallel_loop3A_591] : memref<128x128xf32, #tpu.memory_space<vmem>>[vector<16xi32>, vector<16xi32>], vector<16xf32>,
        %parallel_loop3A_599 = arith.subf %parallel_loop3A_598, %parallel_loop3A_593 : vector<16xf32>
        %parallel_loop3A_600 = arith.mulf %parallel_loop3A_599, %parallel_loop3A_599 : vector<16xf32>
        %parallel_loop3A_601 = arith.addf %parallel_loop3A_580, %parallel_loop3A_600 : vector<16xf32>
        %parallel_loop3A_602 = tpu.vector_load_idx %arg6[%add3A_16, %parallel_loop3A_591] : memref<128x128xf32, #tpu.memory_space<vmem>>[vector<16xi32>, vector<16xi32>], vector<16xf32>,
        %parallel_loop3A_603 = arith.subf %parallel_loop3A_602, %parallel_loop3A_593 : vector<16xf32>
        %parallel_loop3A_604 = arith.mulf %parallel_loop3A_603, %parallel_loop3A_603 : vector<16xf32>
        %parallel_loop3A_605 = arith.addf %parallel_loop3A_581, %parallel_loop3A_604 : vector<16xf32>
        %parallel_loop3A_606 = tpu.vector_load_idx %arg6[%add3A_19, %parallel_loop3A_591] : memref<128x128xf32, #tpu.memory_space<vmem>>[vector<16xi32>, vector<16xi32>], vector<16xf32>,
        %parallel_loop3A_607 = arith.subf %parallel_loop3A_606, %parallel_loop3A_593 : vector<16xf32>
        %parallel_loop3A_608 = arith.mulf %parallel_loop3A_607, %parallel_loop3A_607 : vector<16xf32>
        %parallel_loop3A_609 = arith.addf %parallel_loop3A_582, %parallel_loop3A_608 : vector<16xf32>
        %parallel_loop3A_610 = tpu.vector_load_idx %arg6[%add3A_22, %parallel_loop3A_591] : memref<128x128xf32, #tpu.memory_space<vmem>>[vector<16xi32>, vector<16xi32>], vector<16xf32>,
        %parallel_loop3A_611 = arith.subf %parallel_loop3A_610, %parallel_loop3A_593 : vector<16xf32>
        %parallel_loop3A_612 = arith.mulf %parallel_loop3A_611, %parallel_loop3A_611 : vector<16xf32>
        %parallel_loop3A_613 = arith.addf %parallel_loop3A_583, %parallel_loop3A_612 : vector<16xf32>
        %parallel_loop3A_614 = tpu.vector_load_idx %arg6[%add3A_25, %parallel_loop3A_591] : memref<128x128xf32, #tpu.memory_space<vmem>>[vector<16xi32>, vector<16xi32>], vector<16xf32>,
        %parallel_loop3A_615 = arith.subf %parallel_loop3A_614, %parallel_loop3A_593 : vector<16xf32>
        %parallel_loop3A_616 = arith.mulf %parallel_loop3A_615, %parallel_loop3A_615 : vector<16xf32>
        %parallel_loop3A_617 = arith.addf %parallel_loop3A_584, %parallel_loop3A_616 : vector<16xf32>
        %parallel_loop3A_618 = tpu.vector_load_idx %arg6[%add3A_28, %parallel_loop3A_591] : memref<128x128xf32, #tpu.memory_space<vmem>>[vector<16xi32>, vector<16xi32>], vector<16xf32>,
        %parallel_loop3A_619 = arith.subf %parallel_loop3A_618, %parallel_loop3A_593 : vector<16xf32>
        %parallel_loop3A_620 = arith.mulf %parallel_loop3A_619, %parallel_loop3A_619 : vector<16xf32>
        %parallel_loop3A_621 = arith.addf %parallel_loop3A_585, %parallel_loop3A_620 : vector<16xf32>
        %parallel_loop3A_622 = tpu.vector_load_idx %arg6[%add3A_31, %parallel_loop3A_591] : memref<128x128xf32, #tpu.memory_space<vmem>>[vector<16xi32>, vector<16xi32>], vector<16xf32>,
        %parallel_loop3A_623 = arith.subf %parallel_loop3A_622, %parallel_loop3A_593 : vector<16xf32>
        %parallel_loop3A_624 = arith.mulf %parallel_loop3A_623, %parallel_loop3A_623 : vector<16xf32>
        %parallel_loop3A_625 = arith.addf %parallel_loop3A_586, %parallel_loop3A_624 : vector<16xf32>
        scf.yield %parallel_loop3A_597, %parallel_loop3A_601, %parallel_loop3A_605, %parallel_loop3A_609, %parallel_loop3A_613, %parallel_loop3A_617, %parallel_loop3A_621, %parallel_loop3A_625 : vector<16xf32>, vector<16xf32>, vector<16xf32>, vector<16xf32>, vector<16xf32>, vector<16xf32>, vector<16xf32>, vector<16xf32>
      } {sc.loop_unroll_factor = 4 : i64, sc.parallel_access}
      %add3A_225 = arith.constant 0 : i32
      %add3A_226 = arith.addi %min3A_204, %add3A_225 : i32
      %add3A_227 = vector.broadcast %add3A_226 : i32 to vector<16xi32>
      %add3A_228 = arith.addi %add3A_227, %iota3A : vector<16xi32>
      %lt3A_229 = arith.cmpf olt, %parallel_loop3A_224#0, %scan3A_189 : vector<16xf32>
      %eq3A_230 = arith.cmpf oeq, %parallel_loop3A_224#0, %scan3A_189 : vector<16xf32>
      %lt3A_231 = arith.cmpi slt, %add3A_228, %scan3A_190 : vector<16xi32>
      %and3A_232 = arith.andi %eq3A_230, %lt3A_231 : vector<16xi1>
      %or3A_233 = arith.ori %lt3A_229, %and3A_232 : vector<16xi1>
      %select_n3A_234 = arith.select %or3A_233, %parallel_loop3A_224#0, %scan3A_189 : vector<16xi1>, vector<16xf32>
      %select_n3A_235 = arith.select %or3A_233, %add3A_228, %scan3A_190 : vector<16xi1>, vector<16xi32>
      %add3A_236 = arith.constant 16 : i32
      %add3A_237 = arith.addi %min3A_204, %add3A_236 : i32
      %add3A_238 = vector.broadcast %add3A_237 : i32 to vector<16xi32>
      %add3A_239 = arith.addi %add3A_238, %iota3A : vector<16xi32>
      %lt3A_240 = arith.cmpf olt, %parallel_loop3A_224#1, %select_n3A_234 : vector<16xf32>
      %eq3A_241 = arith.cmpf oeq, %parallel_loop3A_224#1, %select_n3A_234 : vector<16xf32>
      %lt3A_242 = arith.cmpi slt, %add3A_239, %select_n3A_235 : vector<16xi32>
      %and3A_243 = arith.andi %eq3A_241, %lt3A_242 : vector<16xi1>
      %or3A_244 = arith.ori %lt3A_240, %and3A_243 : vector<16xi1>
      %select_n3A_245 = arith.select %or3A_244, %parallel_loop3A_224#1, %select_n3A_234 : vector<16xi1>, vector<16xf32>
      %select_n3A_246 = arith.select %or3A_244, %add3A_239, %select_n3A_235 : vector<16xi1>, vector<16xi32>
      %add3A_247 = arith.constant 32 : i32
      %add3A_248 = arith.addi %min3A_204, %add3A_247 : i32
      %add3A_249 = vector.broadcast %add3A_248 : i32 to vector<16xi32>
      %add3A_250 = arith.addi %add3A_249, %iota3A : vector<16xi32>
      %lt3A_251 = arith.cmpf olt, %parallel_loop3A_224#2, %select_n3A_245 : vector<16xf32>
      %eq3A_252 = arith.cmpf oeq, %parallel_loop3A_224#2, %select_n3A_245 : vector<16xf32>
      %lt3A_253 = arith.cmpi slt, %add3A_250, %select_n3A_246 : vector<16xi32>
      %and3A_254 = arith.andi %eq3A_252, %lt3A_253 : vector<16xi1>
      %or3A_255 = arith.ori %lt3A_251, %and3A_254 : vector<16xi1>
      %select_n3A_256 = arith.select %or3A_255, %parallel_loop3A_224#2, %select_n3A_245 : vector<16xi1>, vector<16xf32>
      %select_n3A_257 = arith.select %or3A_255, %add3A_250, %select_n3A_246 : vector<16xi1>, vector<16xi32>
      %add3A_258 = arith.constant 48 : i32
      %add3A_259 = arith.addi %min3A_204, %add3A_258 : i32
      %add3A_260 = vector.broadcast %add3A_259 : i32 to vector<16xi32>
      %add3A_261 = arith.addi %add3A_260, %iota3A : vector<16xi32>
      %lt3A_262 = arith.cmpf olt, %parallel_loop3A_224#3, %select_n3A_256 : vector<16xf32>
      %eq3A_263 = arith.cmpf oeq, %parallel_loop3A_224#3, %select_n3A_256 : vector<16xf32>
      %lt3A_264 = arith.cmpi slt, %add3A_261, %select_n3A_257 : vector<16xi32>
      %and3A_265 = arith.andi %eq3A_263, %lt3A_264 : vector<16xi1>
      %or3A_266 = arith.ori %lt3A_262, %and3A_265 : vector<16xi1>
      %select_n3A_267 = arith.select %or3A_266, %parallel_loop3A_224#3, %select_n3A_256 : vector<16xi1>, vector<16xf32>
      %select_n3A_268 = arith.select %or3A_266, %add3A_261, %select_n3A_257 : vector<16xi1>, vector<16xi32>
      %add3A_269 = arith.constant 64 : i32
      %add3A_270 = arith.addi %min3A_204, %add3A_269 : i32
      %add3A_271 = vector.broadcast %add3A_270 : i32 to vector<16xi32>
      %add3A_272 = arith.addi %add3A_271, %iota3A : vector<16xi32>
      %lt3A_273 = arith.cmpf olt, %parallel_loop3A_224#4, %select_n3A_267 : vector<16xf32>
      %eq3A_274 = arith.cmpf oeq, %parallel_loop3A_224#4, %select_n3A_267 : vector<16xf32>
      %lt3A_275 = arith.cmpi slt, %add3A_272, %select_n3A_268 : vector<16xi32>
      %and3A_276 = arith.andi %eq3A_274, %lt3A_275 : vector<16xi1>
      %or3A_277 = arith.ori %lt3A_273, %and3A_276 : vector<16xi1>
      %select_n3A_278 = arith.select %or3A_277, %parallel_loop3A_224#4, %select_n3A_267 : vector<16xi1>, vector<16xf32>
      %select_n3A_279 = arith.select %or3A_277, %add3A_272, %select_n3A_268 : vector<16xi1>, vector<16xi32>
      %add3A_280 = arith.constant 80 : i32
      %add3A_281 = arith.addi %min3A_204, %add3A_280 : i32
      %add3A_282 = vector.broadcast %add3A_281 : i32 to vector<16xi32>
      %add3A_283 = arith.addi %add3A_282, %iota3A : vector<16xi32>
      %lt3A_284 = arith.cmpf olt, %parallel_loop3A_224#5, %select_n3A_278 : vector<16xf32>
      %eq3A_285 = arith.cmpf oeq, %parallel_loop3A_224#5, %select_n3A_278 : vector<16xf32>
      %lt3A_286 = arith.cmpi slt, %add3A_283, %select_n3A_279 : vector<16xi32>
      %and3A_287 = arith.andi %eq3A_285, %lt3A_286 : vector<16xi1>
      %or3A_288 = arith.ori %lt3A_284, %and3A_287 : vector<16xi1>
      %select_n3A_289 = arith.select %or3A_288, %parallel_loop3A_224#5, %select_n3A_278 : vector<16xi1>, vector<16xf32>
      %select_n3A_290 = arith.select %or3A_288, %add3A_283, %select_n3A_279 : vector<16xi1>, vector<16xi32>
      %add3A_291 = arith.constant 96 : i32
      %add3A_292 = arith.addi %min3A_204, %add3A_291 : i32
      %add3A_293 = vector.broadcast %add3A_292 : i32 to vector<16xi32>
      %add3A_294 = arith.addi %add3A_293, %iota3A : vector<16xi32>
      %lt3A_295 = arith.cmpf olt, %parallel_loop3A_224#6, %select_n3A_289 : vector<16xf32>
      %eq3A_296 = arith.cmpf oeq, %parallel_loop3A_224#6, %select_n3A_289 : vector<16xf32>
      %lt3A_297 = arith.cmpi slt, %add3A_294, %select_n3A_290 : vector<16xi32>
      %and3A_298 = arith.andi %eq3A_296, %lt3A_297 : vector<16xi1>
      %or3A_299 = arith.ori %lt3A_295, %and3A_298 : vector<16xi1>
      %select_n3A_300 = arith.select %or3A_299, %parallel_loop3A_224#6, %select_n3A_289 : vector<16xi1>, vector<16xf32>
      %select_n3A_301 = arith.select %or3A_299, %add3A_294, %select_n3A_290 : vector<16xi1>, vector<16xi32>
      %add3A_302 = arith.constant 112 : i32
      %add3A_303 = arith.addi %min3A_204, %add3A_302 : i32
      %add3A_304 = vector.broadcast %add3A_303 : i32 to vector<16xi32>
      %add3A_305 = arith.addi %add3A_304, %iota3A : vector<16xi32>
      %lt3A_306 = arith.cmpf olt, %parallel_loop3A_224#7, %select_n3A_300 : vector<16xf32>
      %eq3A_307 = arith.cmpf oeq, %parallel_loop3A_224#7, %select_n3A_300 : vector<16xf32>
      %lt3A_308 = arith.cmpi slt, %add3A_305, %select_n3A_301 : vector<16xi32>
      %and3A_309 = arith.andi %eq3A_307, %lt3A_308 : vector<16xi1>
      %or3A_310 = arith.ori %lt3A_306, %and3A_309 : vector<16xi1>
      %select_n3A_311 = arith.select %or3A_310, %parallel_loop3A_224#7, %select_n3A_300 : vector<16xi1>, vector<16xf32>
      %select_n3A_312 = arith.select %or3A_310, %add3A_305, %select_n3A_301 : vector<16xi1>, vector<16xi32>
      %add3A_313 = arith.constant 3 : i32
      %add3A_314 = arith.addi %add3A_194, %add3A_313 : i32
      %lt3A_315 = arith.constant 25 : i32
      %lt3A_316 = arith.cmpi slt, %add3A_314, %lt3A_315 : i32
      %convert_element_type3A_317 = arith.extui %lt3A_316 : i1 to i32
      %cond3A_318 = arith.constant 0 : i32
      %cond3A_319 = arith.cmpi ne, %convert_element_type3A_317, %cond3A_318 : i32
      scf.if %cond3A_319 {
        %add3A_578 = arith.constant 3 : i32
        %add3A_579 = arith.addi %add3A_194, %add3A_578 : i32
        %mul3A_580 = arith.constant 128 : i32
        %mul3A_581 = arith.muli %add3A_579, %mul3A_580 : i32
        %add3A_582 = arith.addi %add3A, %mul3A_581 : i32
        %min3A_583 = arith.minsi %add3A_582, %sub3A_7 : i32
        %dma_start3A_584 = arith.constant 0 : i32
        %dma_start3A_585 = tpu.memref_slice %arg3[%min3A_583, %dma_start3A_584] : memref<100000x128xf32, #tpu.memory_space<hbm>> -> memref<128x128xf32, #tpu.memory_space<hbm>>
        %dma_start3A_586 = arith.constant 0 : i32
        %dma_start3A_587 = tpu.memref_slice %arg3[%min3A_583, %dma_start3A_586] : memref<100000x128xf32, #tpu.memory_space<hbm>> -> memref<128x128xf32, #tpu.memory_space<hbm>>
        tpu.enqueue_dma source(%dma_start3A_587 : memref<128x128xf32, #tpu.memory_space<hbm>>) target(%arg6 : memref<128x128xf32, #tpu.memory_space<vmem>>) target_semaphore(%arg16 : memref<!tpu.dma_semaphore, #tpu.memory_space<semaphore_mem>>)
      } else {
      }
      %mul3A_320 = arith.constant 3 : i32
      %mul3A_321 = arith.muli %scan3A_188, %mul3A_320 : i32
      %add3A_322 = arith.constant 1 : i32
      %add3A_323 = arith.addi %mul3A_321, %add3A_322 : i32
      %dma_wait3A_324 = arith.constant 0 : i32
      %dma_wait3A_325 = arith.constant 0 : i32
      %dma_wait3A_326 = tpu.memref_slice %arg3[%dma_wait3A_324, %dma_wait3A_325] : memref<100000x128xf32, #tpu.memory_space<hbm>> -> memref<128x128xf32, #tpu.memory_space<hbm>>
      %dma_wait3A_327 = arith.constant 0 : i32
      %dma_wait3A_328 = arith.constant 0 : i32
      %dma_wait3A_329 = tpu.memref_slice %arg3[%dma_wait3A_327, %dma_wait3A_328] : memref<100000x128xf32, #tpu.memory_space<hbm>> -> memref<128x128xf32, #tpu.memory_space<hbm>>
      tpu.wait_dma2 semaphore(%arg17 : memref<!tpu.dma_semaphore, #tpu.memory_space<semaphore_mem>>) src(%dma_wait3A_329 : memref<128x128xf32, #tpu.memory_space<hbm>>) dst(%arg7 : memref<128x128xf32, #tpu.memory_space<vmem>>)
      %mul3A_330 = arith.constant 128 : i32
      %mul3A_331 = arith.muli %add3A_323, %mul3A_330 : i32
      %add3A_332 = arith.addi %add3A, %mul3A_331 : i32
      %min3A_333 = arith.minsi %add3A_332, %sub3A_7 : i32
      %broadcast_in_dim3A_334 = arith.constant 0.000000e+00 : f32
      %broadcast_in_dim3A_335 = vector.broadcast %broadcast_in_dim3A_334 : f32 to vector<16xf32>
      %broadcast_in_dim3A_336 = arith.constant 0.000000e+00 : f32
      %broadcast_in_dim3A_337 = vector.broadcast %broadcast_in_dim3A_336 : f32 to vector<16xf32>
      %broadcast_in_dim3A_338 = arith.constant 0.000000e+00 : f32
      %broadcast_in_dim3A_339 = vector.broadcast %broadcast_in_dim3A_338 : f32 to vector<16xf32>
      %broadcast_in_dim3A_340 = arith.constant 0.000000e+00 : f32
      %broadcast_in_dim3A_341 = vector.broadcast %broadcast_in_dim3A_340 : f32 to vector<16xf32>
      %broadcast_in_dim3A_342 = arith.constant 0.000000e+00 : f32
      %broadcast_in_dim3A_343 = vector.broadcast %broadcast_in_dim3A_342 : f32 to vector<16xf32>
      %broadcast_in_dim3A_344 = arith.constant 0.000000e+00 : f32
      %broadcast_in_dim3A_345 = vector.broadcast %broadcast_in_dim3A_344 : f32 to vector<16xf32>
      %broadcast_in_dim3A_346 = arith.constant 0.000000e+00 : f32
      %broadcast_in_dim3A_347 = vector.broadcast %broadcast_in_dim3A_346 : f32 to vector<16xf32>
      %broadcast_in_dim3A_348 = arith.constant 0.000000e+00 : f32
      %broadcast_in_dim3A_349 = vector.broadcast %broadcast_in_dim3A_348 : f32 to vector<16xf32>
      %parallel_loop3A_350 = arith.constant 0 : i32
      %parallel_loop3A_351 = arith.constant 128 : i32
      %parallel_loop3A_352 = arith.constant 1 : i32
      %parallel_loop3A_353:8 = scf.for %parallel_loop3A_578 = %parallel_loop3A_350 to %parallel_loop3A_351 step %parallel_loop3A_352 iter_args(%parallel_loop3A_579 = %broadcast_in_dim3A_335, %parallel_loop3A_580 = %broadcast_in_dim3A_337, %parallel_loop3A_581 = %broadcast_in_dim3A_339, %parallel_loop3A_582 = %broadcast_in_dim3A_341, %parallel_loop3A_583 = %broadcast_in_dim3A_343, %parallel_loop3A_584 = %broadcast_in_dim3A_345, %parallel_loop3A_585 = %broadcast_in_dim3A_347, %parallel_loop3A_586 = %broadcast_in_dim3A_349) -> (vector<16xf32>, vector<16xf32>, vector<16xf32>, vector<16xf32>, vector<16xf32>, vector<16xf32>, vector<16xf32>, vector<16xf32>)  : i32 {
        %parallel_loop3A_587 = vector.broadcast %parallel_loop3A_578 : i32 to vector<16xi32>
        %parallel_loop3A_588 = arith.addi %iota3A, %parallel_loop3A_587 : vector<16xi32>
        %parallel_loop3A_589 = arith.constant 127 : i32
        %parallel_loop3A_590 = vector.broadcast %parallel_loop3A_589 : i32 to vector<16xi32>
        %parallel_loop3A_591 = arith.andi %parallel_loop3A_588, %parallel_loop3A_590 : vector<16xi32>
        %parallel_loop3A_592 = arith.index_cast %parallel_loop3A_578 : i32 to index
        %parallel_loop3A_593 = tpu.vector_load %arg9[%parallel_loop3A_592] {strides = array<i32>} : memref<144xf32, #tpu.memory_space<vmem>>, vector<16xf32>,
        %parallel_loop3A_594 = tpu.vector_load_idx %arg7[%add3A_10, %parallel_loop3A_591] : memref<128x128xf32, #tpu.memory_space<vmem>>[vector<16xi32>, vector<16xi32>], vector<16xf32>,
        %parallel_loop3A_595 = arith.subf %parallel_loop3A_594, %parallel_loop3A_593 : vector<16xf32>
        %parallel_loop3A_596 = arith.mulf %parallel_loop3A_595, %parallel_loop3A_595 : vector<16xf32>
        %parallel_loop3A_597 = arith.addf %parallel_loop3A_579, %parallel_loop3A_596 : vector<16xf32>
        %parallel_loop3A_598 = tpu.vector_load_idx %arg7[%add3A_13, %parallel_loop3A_591] : memref<128x128xf32, #tpu.memory_space<vmem>>[vector<16xi32>, vector<16xi32>], vector<16xf32>,
        %parallel_loop3A_599 = arith.subf %parallel_loop3A_598, %parallel_loop3A_593 : vector<16xf32>
        %parallel_loop3A_600 = arith.mulf %parallel_loop3A_599, %parallel_loop3A_599 : vector<16xf32>
        %parallel_loop3A_601 = arith.addf %parallel_loop3A_580, %parallel_loop3A_600 : vector<16xf32>
        %parallel_loop3A_602 = tpu.vector_load_idx %arg7[%add3A_16, %parallel_loop3A_591] : memref<128x128xf32, #tpu.memory_space<vmem>>[vector<16xi32>, vector<16xi32>], vector<16xf32>,
        %parallel_loop3A_603 = arith.subf %parallel_loop3A_602, %parallel_loop3A_593 : vector<16xf32>
        %parallel_loop3A_604 = arith.mulf %parallel_loop3A_603, %parallel_loop3A_603 : vector<16xf32>
        %parallel_loop3A_605 = arith.addf %parallel_loop3A_581, %parallel_loop3A_604 : vector<16xf32>
        %parallel_loop3A_606 = tpu.vector_load_idx %arg7[%add3A_19, %parallel_loop3A_591] : memref<128x128xf32, #tpu.memory_space<vmem>>[vector<16xi32>, vector<16xi32>], vector<16xf32>,
        %parallel_loop3A_607 = arith.subf %parallel_loop3A_606, %parallel_loop3A_593 : vector<16xf32>
        %parallel_loop3A_608 = arith.mulf %parallel_loop3A_607, %parallel_loop3A_607 : vector<16xf32>
        %parallel_loop3A_609 = arith.addf %parallel_loop3A_582, %parallel_loop3A_608 : vector<16xf32>
        %parallel_loop3A_610 = tpu.vector_load_idx %arg7[%add3A_22, %parallel_loop3A_591] : memref<128x128xf32, #tpu.memory_space<vmem>>[vector<16xi32>, vector<16xi32>], vector<16xf32>,
        %parallel_loop3A_611 = arith.subf %parallel_loop3A_610, %parallel_loop3A_593 : vector<16xf32>
        %parallel_loop3A_612 = arith.mulf %parallel_loop3A_611, %parallel_loop3A_611 : vector<16xf32>
        %parallel_loop3A_613 = arith.addf %parallel_loop3A_583, %parallel_loop3A_612 : vector<16xf32>
        %parallel_loop3A_614 = tpu.vector_load_idx %arg7[%add3A_25, %parallel_loop3A_591] : memref<128x128xf32, #tpu.memory_space<vmem>>[vector<16xi32>, vector<16xi32>], vector<16xf32>,
        %parallel_loop3A_615 = arith.subf %parallel_loop3A_614, %parallel_loop3A_593 : vector<16xf32>
        %parallel_loop3A_616 = arith.mulf %parallel_loop3A_615, %parallel_loop3A_615 : vector<16xf32>
        %parallel_loop3A_617 = arith.addf %parallel_loop3A_584, %parallel_loop3A_616 : vector<16xf32>
        %parallel_loop3A_618 = tpu.vector_load_idx %arg7[%add3A_28, %parallel_loop3A_591] : memref<128x128xf32, #tpu.memory_space<vmem>>[vector<16xi32>, vector<16xi32>], vector<16xf32>,
        %parallel_loop3A_619 = arith.subf %parallel_loop3A_618, %parallel_loop3A_593 : vector<16xf32>
        %parallel_loop3A_620 = arith.mulf %parallel_loop3A_619, %parallel_loop3A_619 : vector<16xf32>
        %parallel_loop3A_621 = arith.addf %parallel_loop3A_585, %parallel_loop3A_620 : vector<16xf32>
        %parallel_loop3A_622 = tpu.vector_load_idx %arg7[%add3A_31, %parallel_loop3A_591] : memref<128x128xf32, #tpu.memory_space<vmem>>[vector<16xi32>, vector<16xi32>], vector<16xf32>,
        %parallel_loop3A_623 = arith.subf %parallel_loop3A_622, %parallel_loop3A_593 : vector<16xf32>
        %parallel_loop3A_624 = arith.mulf %parallel_loop3A_623, %parallel_loop3A_623 : vector<16xf32>
        %parallel_loop3A_625 = arith.addf %parallel_loop3A_586, %parallel_loop3A_624 : vector<16xf32>
        scf.yield %parallel_loop3A_597, %parallel_loop3A_601, %parallel_loop3A_605, %parallel_loop3A_609, %parallel_loop3A_613, %parallel_loop3A_617, %parallel_loop3A_621, %parallel_loop3A_625 : vector<16xf32>, vector<16xf32>, vector<16xf32>, vector<16xf32>, vector<16xf32>, vector<16xf32>, vector<16xf32>, vector<16xf32>
      } {sc.loop_unroll_factor = 4 : i64, sc.parallel_access}
      %add3A_354 = arith.constant 0 : i32
      %add3A_355 = arith.addi %min3A_333, %add3A_354 : i32
      %add3A_356 = vector.broadcast %add3A_355 : i32 to vector<16xi32>
      %add3A_357 = arith.addi %add3A_356, %iota3A : vector<16xi32>
      %lt3A_358 = arith.cmpf olt, %parallel_loop3A_353#0, %select_n3A_311 : vector<16xf32>
      %eq3A_359 = arith.cmpf oeq, %parallel_loop3A_353#0, %select_n3A_311 : vector<16xf32>
      %lt3A_360 = arith.cmpi slt, %add3A_357, %select_n3A_312 : vector<16xi32>
      %and3A_361 = arith.andi %eq3A_359, %lt3A_360 : vector<16xi1>
      %or3A_362 = arith.ori %lt3A_358, %and3A_361 : vector<16xi1>
      %select_n3A_363 = arith.select %or3A_362, %parallel_loop3A_353#0, %select_n3A_311 : vector<16xi1>, vector<16xf32>
      %select_n3A_364 = arith.select %or3A_362, %add3A_357, %select_n3A_312 : vector<16xi1>, vector<16xi32>
      %add3A_365 = arith.constant 16 : i32
      %add3A_366 = arith.addi %min3A_333, %add3A_365 : i32
      %add3A_367 = vector.broadcast %add3A_366 : i32 to vector<16xi32>
      %add3A_368 = arith.addi %add3A_367, %iota3A : vector<16xi32>
      %lt3A_369 = arith.cmpf olt, %parallel_loop3A_353#1, %select_n3A_363 : vector<16xf32>
      %eq3A_370 = arith.cmpf oeq, %parallel_loop3A_353#1, %select_n3A_363 : vector<16xf32>
      %lt3A_371 = arith.cmpi slt, %add3A_368, %select_n3A_364 : vector<16xi32>
      %and3A_372 = arith.andi %eq3A_370, %lt3A_371 : vector<16xi1>
      %or3A_373 = arith.ori %lt3A_369, %and3A_372 : vector<16xi1>
      %select_n3A_374 = arith.select %or3A_373, %parallel_loop3A_353#1, %select_n3A_363 : vector<16xi1>, vector<16xf32>
      %select_n3A_375 = arith.select %or3A_373, %add3A_368, %select_n3A_364 : vector<16xi1>, vector<16xi32>
      %add3A_376 = arith.constant 32 : i32
      %add3A_377 = arith.addi %min3A_333, %add3A_376 : i32
      %add3A_378 = vector.broadcast %add3A_377 : i32 to vector<16xi32>
      %add3A_379 = arith.addi %add3A_378, %iota3A : vector<16xi32>
      %lt3A_380 = arith.cmpf olt, %parallel_loop3A_353#2, %select_n3A_374 : vector<16xf32>
      %eq3A_381 = arith.cmpf oeq, %parallel_loop3A_353#2, %select_n3A_374 : vector<16xf32>
      %lt3A_382 = arith.cmpi slt, %add3A_379, %select_n3A_375 : vector<16xi32>
      %and3A_383 = arith.andi %eq3A_381, %lt3A_382 : vector<16xi1>
      %or3A_384 = arith.ori %lt3A_380, %and3A_383 : vector<16xi1>
      %select_n3A_385 = arith.select %or3A_384, %parallel_loop3A_353#2, %select_n3A_374 : vector<16xi1>, vector<16xf32>
      %select_n3A_386 = arith.select %or3A_384, %add3A_379, %select_n3A_375 : vector<16xi1>, vector<16xi32>
      %add3A_387 = arith.constant 48 : i32
      %add3A_388 = arith.addi %min3A_333, %add3A_387 : i32
      %add3A_389 = vector.broadcast %add3A_388 : i32 to vector<16xi32>
      %add3A_390 = arith.addi %add3A_389, %iota3A : vector<16xi32>
      %lt3A_391 = arith.cmpf olt, %parallel_loop3A_353#3, %select_n3A_385 : vector<16xf32>
      %eq3A_392 = arith.cmpf oeq, %parallel_loop3A_353#3, %select_n3A_385 : vector<16xf32>
      %lt3A_393 = arith.cmpi slt, %add3A_390, %select_n3A_386 : vector<16xi32>
      %and3A_394 = arith.andi %eq3A_392, %lt3A_393 : vector<16xi1>
      %or3A_395 = arith.ori %lt3A_391, %and3A_394 : vector<16xi1>
      %select_n3A_396 = arith.select %or3A_395, %parallel_loop3A_353#3, %select_n3A_385 : vector<16xi1>, vector<16xf32>
      %select_n3A_397 = arith.select %or3A_395, %add3A_390, %select_n3A_386 : vector<16xi1>, vector<16xi32>
      %add3A_398 = arith.constant 64 : i32
      %add3A_399 = arith.addi %min3A_333, %add3A_398 : i32
      %add3A_400 = vector.broadcast %add3A_399 : i32 to vector<16xi32>
      %add3A_401 = arith.addi %add3A_400, %iota3A : vector<16xi32>
      %lt3A_402 = arith.cmpf olt, %parallel_loop3A_353#4, %select_n3A_396 : vector<16xf32>
      %eq3A_403 = arith.cmpf oeq, %parallel_loop3A_353#4, %select_n3A_396 : vector<16xf32>
      %lt3A_404 = arith.cmpi slt, %add3A_401, %select_n3A_397 : vector<16xi32>
      %and3A_405 = arith.andi %eq3A_403, %lt3A_404 : vector<16xi1>
      %or3A_406 = arith.ori %lt3A_402, %and3A_405 : vector<16xi1>
      %select_n3A_407 = arith.select %or3A_406, %parallel_loop3A_353#4, %select_n3A_396 : vector<16xi1>, vector<16xf32>
      %select_n3A_408 = arith.select %or3A_406, %add3A_401, %select_n3A_397 : vector<16xi1>, vector<16xi32>
      %add3A_409 = arith.constant 80 : i32
      %add3A_410 = arith.addi %min3A_333, %add3A_409 : i32
      %add3A_411 = vector.broadcast %add3A_410 : i32 to vector<16xi32>
      %add3A_412 = arith.addi %add3A_411, %iota3A : vector<16xi32>
      %lt3A_413 = arith.cmpf olt, %parallel_loop3A_353#5, %select_n3A_407 : vector<16xf32>
      %eq3A_414 = arith.cmpf oeq, %parallel_loop3A_353#5, %select_n3A_407 : vector<16xf32>
      %lt3A_415 = arith.cmpi slt, %add3A_412, %select_n3A_408 : vector<16xi32>
      %and3A_416 = arith.andi %eq3A_414, %lt3A_415 : vector<16xi1>
      %or3A_417 = arith.ori %lt3A_413, %and3A_416 : vector<16xi1>
      %select_n3A_418 = arith.select %or3A_417, %parallel_loop3A_353#5, %select_n3A_407 : vector<16xi1>, vector<16xf32>
      %select_n3A_419 = arith.select %or3A_417, %add3A_412, %select_n3A_408 : vector<16xi1>, vector<16xi32>
      %add3A_420 = arith.constant 96 : i32
      %add3A_421 = arith.addi %min3A_333, %add3A_420 : i32
      %add3A_422 = vector.broadcast %add3A_421 : i32 to vector<16xi32>
      %add3A_423 = arith.addi %add3A_422, %iota3A : vector<16xi32>
      %lt3A_424 = arith.cmpf olt, %parallel_loop3A_353#6, %select_n3A_418 : vector<16xf32>
      %eq3A_425 = arith.cmpf oeq, %parallel_loop3A_353#6, %select_n3A_418 : vector<16xf32>
      %lt3A_426 = arith.cmpi slt, %add3A_423, %select_n3A_419 : vector<16xi32>
      %and3A_427 = arith.andi %eq3A_425, %lt3A_426 : vector<16xi1>
      %or3A_428 = arith.ori %lt3A_424, %and3A_427 : vector<16xi1>
      %select_n3A_429 = arith.select %or3A_428, %parallel_loop3A_353#6, %select_n3A_418 : vector<16xi1>, vector<16xf32>
      %select_n3A_430 = arith.select %or3A_428, %add3A_423, %select_n3A_419 : vector<16xi1>, vector<16xi32>
      %add3A_431 = arith.constant 112 : i32
      %add3A_432 = arith.addi %min3A_333, %add3A_431 : i32
      %add3A_433 = vector.broadcast %add3A_432 : i32 to vector<16xi32>
      %add3A_434 = arith.addi %add3A_433, %iota3A : vector<16xi32>
      %lt3A_435 = arith.cmpf olt, %parallel_loop3A_353#7, %select_n3A_429 : vector<16xf32>
      %eq3A_436 = arith.cmpf oeq, %parallel_loop3A_353#7, %select_n3A_429 : vector<16xf32>
      %lt3A_437 = arith.cmpi slt, %add3A_434, %select_n3A_430 : vector<16xi32>
      %and3A_438 = arith.andi %eq3A_436, %lt3A_437 : vector<16xi1>
      %or3A_439 = arith.ori %lt3A_435, %and3A_438 : vector<16xi1>
      %select_n3A_440 = arith.select %or3A_439, %parallel_loop3A_353#7, %select_n3A_429 : vector<16xi1>, vector<16xf32>
      %select_n3A_441 = arith.select %or3A_439, %add3A_434, %select_n3A_430 : vector<16xi1>, vector<16xi32>
      %add3A_442 = arith.constant 3 : i32
      %add3A_443 = arith.addi %add3A_323, %add3A_442 : i32
      %lt3A_444 = arith.constant 25 : i32
      %lt3A_445 = arith.cmpi slt, %add3A_443, %lt3A_444 : i32
      %convert_element_type3A_446 = arith.extui %lt3A_445 : i1 to i32
      %cond3A_447 = arith.constant 0 : i32
      %cond3A_448 = arith.cmpi ne, %convert_element_type3A_446, %cond3A_447 : i32
      scf.if %cond3A_448 {
        %add3A_578 = arith.constant 3 : i32
        %add3A_579 = arith.addi %add3A_323, %add3A_578 : i32
        %mul3A_580 = arith.constant 128 : i32
        %mul3A_581 = arith.muli %add3A_579, %mul3A_580 : i32
        %add3A_582 = arith.addi %add3A, %mul3A_581 : i32
        %min3A_583 = arith.minsi %add3A_582, %sub3A_7 : i32
        %dma_start3A_584 = arith.constant 0 : i32
        %dma_start3A_585 = tpu.memref_slice %arg3[%min3A_583, %dma_start3A_584] : memref<100000x128xf32, #tpu.memory_space<hbm>> -> memref<128x128xf32, #tpu.memory_space<hbm>>
        %dma_start3A_586 = arith.constant 0 : i32
        %dma_start3A_587 = tpu.memref_slice %arg3[%min3A_583, %dma_start3A_586] : memref<100000x128xf32, #tpu.memory_space<hbm>> -> memref<128x128xf32, #tpu.memory_space<hbm>>
        tpu.enqueue_dma source(%dma_start3A_587 : memref<128x128xf32, #tpu.memory_space<hbm>>) target(%arg7 : memref<128x128xf32, #tpu.memory_space<vmem>>) target_semaphore(%arg17 : memref<!tpu.dma_semaphore, #tpu.memory_space<semaphore_mem>>)
      } else {
      }
      %mul3A_449 = arith.constant 3 : i32
      %mul3A_450 = arith.muli %scan3A_188, %mul3A_449 : i32
      %add3A_451 = arith.constant 2 : i32
      %add3A_452 = arith.addi %mul3A_450, %add3A_451 : i32
      %dma_wait3A_453 = arith.constant 0 : i32
      %dma_wait3A_454 = arith.constant 0 : i32
      %dma_wait3A_455 = tpu.memref_slice %arg3[%dma_wait3A_453, %dma_wait3A_454] : memref<100000x128xf32, #tpu.memory_space<hbm>> -> memref<128x128xf32, #tpu.memory_space<hbm>>
      %dma_wait3A_456 = arith.constant 0 : i32
      %dma_wait3A_457 = arith.constant 0 : i32
      %dma_wait3A_458 = tpu.memref_slice %arg3[%dma_wait3A_456, %dma_wait3A_457] : memref<100000x128xf32, #tpu.memory_space<hbm>> -> memref<128x128xf32, #tpu.memory_space<hbm>>
      tpu.wait_dma2 semaphore(%arg18 : memref<!tpu.dma_semaphore, #tpu.memory_space<semaphore_mem>>) src(%dma_wait3A_458 : memref<128x128xf32, #tpu.memory_space<hbm>>) dst(%arg8 : memref<128x128xf32, #tpu.memory_space<vmem>>)
      %mul3A_459 = arith.constant 128 : i32
      %mul3A_460 = arith.muli %add3A_452, %mul3A_459 : i32
      %add3A_461 = arith.addi %add3A, %mul3A_460 : i32
      %min3A_462 = arith.minsi %add3A_461, %sub3A_7 : i32
      %broadcast_in_dim3A_463 = arith.constant 0.000000e+00 : f32
      %broadcast_in_dim3A_464 = vector.broadcast %broadcast_in_dim3A_463 : f32 to vector<16xf32>
      %broadcast_in_dim3A_465 = arith.constant 0.000000e+00 : f32
      %broadcast_in_dim3A_466 = vector.broadcast %broadcast_in_dim3A_465 : f32 to vector<16xf32>
      %broadcast_in_dim3A_467 = arith.constant 0.000000e+00 : f32
      %broadcast_in_dim3A_468 = vector.broadcast %broadcast_in_dim3A_467 : f32 to vector<16xf32>
      %broadcast_in_dim3A_469 = arith.constant 0.000000e+00 : f32
      %broadcast_in_dim3A_470 = vector.broadcast %broadcast_in_dim3A_469 : f32 to vector<16xf32>
      %broadcast_in_dim3A_471 = arith.constant 0.000000e+00 : f32
      %broadcast_in_dim3A_472 = vector.broadcast %broadcast_in_dim3A_471 : f32 to vector<16xf32>
      %broadcast_in_dim3A_473 = arith.constant 0.000000e+00 : f32
      %broadcast_in_dim3A_474 = vector.broadcast %broadcast_in_dim3A_473 : f32 to vector<16xf32>
      %broadcast_in_dim3A_475 = arith.constant 0.000000e+00 : f32
      %broadcast_in_dim3A_476 = vector.broadcast %broadcast_in_dim3A_475 : f32 to vector<16xf32>
      %broadcast_in_dim3A_477 = arith.constant 0.000000e+00 : f32
      %broadcast_in_dim3A_478 = vector.broadcast %broadcast_in_dim3A_477 : f32 to vector<16xf32>
      %parallel_loop3A_479 = arith.constant 0 : i32
      %parallel_loop3A_480 = arith.constant 128 : i32
      %parallel_loop3A_481 = arith.constant 1 : i32
      %parallel_loop3A_482:8 = scf.for %parallel_loop3A_578 = %parallel_loop3A_479 to %parallel_loop3A_480 step %parallel_loop3A_481 iter_args(%parallel_loop3A_579 = %broadcast_in_dim3A_464, %parallel_loop3A_580 = %broadcast_in_dim3A_466, %parallel_loop3A_581 = %broadcast_in_dim3A_468, %parallel_loop3A_582 = %broadcast_in_dim3A_470, %parallel_loop3A_583 = %broadcast_in_dim3A_472, %parallel_loop3A_584 = %broadcast_in_dim3A_474, %parallel_loop3A_585 = %broadcast_in_dim3A_476, %parallel_loop3A_586 = %broadcast_in_dim3A_478) -> (vector<16xf32>, vector<16xf32>, vector<16xf32>, vector<16xf32>, vector<16xf32>, vector<16xf32>, vector<16xf32>, vector<16xf32>)  : i32 {
        %parallel_loop3A_587 = vector.broadcast %parallel_loop3A_578 : i32 to vector<16xi32>
        %parallel_loop3A_588 = arith.addi %iota3A, %parallel_loop3A_587 : vector<16xi32>
        %parallel_loop3A_589 = arith.constant 127 : i32
        %parallel_loop3A_590 = vector.broadcast %parallel_loop3A_589 : i32 to vector<16xi32>
        %parallel_loop3A_591 = arith.andi %parallel_loop3A_588, %parallel_loop3A_590 : vector<16xi32>
        %parallel_loop3A_592 = arith.index_cast %parallel_loop3A_578 : i32 to index
        %parallel_loop3A_593 = tpu.vector_load %arg9[%parallel_loop3A_592] {strides = array<i32>} : memref<144xf32, #tpu.memory_space<vmem>>, vector<16xf32>,
        %parallel_loop3A_594 = tpu.vector_load_idx %arg8[%add3A_10, %parallel_loop3A_591] : memref<128x128xf32, #tpu.memory_space<vmem>>[vector<16xi32>, vector<16xi32>], vector<16xf32>,
        %parallel_loop3A_595 = arith.subf %parallel_loop3A_594, %parallel_loop3A_593 : vector<16xf32>
        %parallel_loop3A_596 = arith.mulf %parallel_loop3A_595, %parallel_loop3A_595 : vector<16xf32>
        %parallel_loop3A_597 = arith.addf %parallel_loop3A_579, %parallel_loop3A_596 : vector<16xf32>
        %parallel_loop3A_598 = tpu.vector_load_idx %arg8[%add3A_13, %parallel_loop3A_591] : memref<128x128xf32, #tpu.memory_space<vmem>>[vector<16xi32>, vector<16xi32>], vector<16xf32>,
        %parallel_loop3A_599 = arith.subf %parallel_loop3A_598, %parallel_loop3A_593 : vector<16xf32>
        %parallel_loop3A_600 = arith.mulf %parallel_loop3A_599, %parallel_loop3A_599 : vector<16xf32>
        %parallel_loop3A_601 = arith.addf %parallel_loop3A_580, %parallel_loop3A_600 : vector<16xf32>
        %parallel_loop3A_602 = tpu.vector_load_idx %arg8[%add3A_16, %parallel_loop3A_591] : memref<128x128xf32, #tpu.memory_space<vmem>>[vector<16xi32>, vector<16xi32>], vector<16xf32>,
        %parallel_loop3A_603 = arith.subf %parallel_loop3A_602, %parallel_loop3A_593 : vector<16xf32>
        %parallel_loop3A_604 = arith.mulf %parallel_loop3A_603, %parallel_loop3A_603 : vector<16xf32>
        %parallel_loop3A_605 = arith.addf %parallel_loop3A_581, %parallel_loop3A_604 : vector<16xf32>
        %parallel_loop3A_606 = tpu.vector_load_idx %arg8[%add3A_19, %parallel_loop3A_591] : memref<128x128xf32, #tpu.memory_space<vmem>>[vector<16xi32>, vector<16xi32>], vector<16xf32>,
        %parallel_loop3A_607 = arith.subf %parallel_loop3A_606, %parallel_loop3A_593 : vector<16xf32>
        %parallel_loop3A_608 = arith.mulf %parallel_loop3A_607, %parallel_loop3A_607 : vector<16xf32>
        %parallel_loop3A_609 = arith.addf %parallel_loop3A_582, %parallel_loop3A_608 : vector<16xf32>
        %parallel_loop3A_610 = tpu.vector_load_idx %arg8[%add3A_22, %parallel_loop3A_591] : memref<128x128xf32, #tpu.memory_space<vmem>>[vector<16xi32>, vector<16xi32>], vector<16xf32>,
        %parallel_loop3A_611 = arith.subf %parallel_loop3A_610, %parallel_loop3A_593 : vector<16xf32>
        %parallel_loop3A_612 = arith.mulf %parallel_loop3A_611, %parallel_loop3A_611 : vector<16xf32>
        %parallel_loop3A_613 = arith.addf %parallel_loop3A_583, %parallel_loop3A_612 : vector<16xf32>
        %parallel_loop3A_614 = tpu.vector_load_idx %arg8[%add3A_25, %parallel_loop3A_591] : memref<128x128xf32, #tpu.memory_space<vmem>>[vector<16xi32>, vector<16xi32>], vector<16xf32>,
        %parallel_loop3A_615 = arith.subf %parallel_loop3A_614, %parallel_loop3A_593 : vector<16xf32>
        %parallel_loop3A_616 = arith.mulf %parallel_loop3A_615, %parallel_loop3A_615 : vector<16xf32>
        %parallel_loop3A_617 = arith.addf %parallel_loop3A_584, %parallel_loop3A_616 : vector<16xf32>
        %parallel_loop3A_618 = tpu.vector_load_idx %arg8[%add3A_28, %parallel_loop3A_591] : memref<128x128xf32, #tpu.memory_space<vmem>>[vector<16xi32>, vector<16xi32>], vector<16xf32>,
        %parallel_loop3A_619 = arith.subf %parallel_loop3A_618, %parallel_loop3A_593 : vector<16xf32>
        %parallel_loop3A_620 = arith.mulf %parallel_loop3A_619, %parallel_loop3A_619 : vector<16xf32>
        %parallel_loop3A_621 = arith.addf %parallel_loop3A_585, %parallel_loop3A_620 : vector<16xf32>
        %parallel_loop3A_622 = tpu.vector_load_idx %arg8[%add3A_31, %parallel_loop3A_591] : memref<128x128xf32, #tpu.memory_space<vmem>>[vector<16xi32>, vector<16xi32>], vector<16xf32>,
        %parallel_loop3A_623 = arith.subf %parallel_loop3A_622, %parallel_loop3A_593 : vector<16xf32>
        %parallel_loop3A_624 = arith.mulf %parallel_loop3A_623, %parallel_loop3A_623 : vector<16xf32>
        %parallel_loop3A_625 = arith.addf %parallel_loop3A_586, %parallel_loop3A_624 : vector<16xf32>
        scf.yield %parallel_loop3A_597, %parallel_loop3A_601, %parallel_loop3A_605, %parallel_loop3A_609, %parallel_loop3A_613, %parallel_loop3A_617, %parallel_loop3A_621, %parallel_loop3A_625 : vector<16xf32>, vector<16xf32>, vector<16xf32>, vector<16xf32>, vector<16xf32>, vector<16xf32>, vector<16xf32>, vector<16xf32>
      } {sc.loop_unroll_factor = 4 : i64, sc.parallel_access}
      %add3A_483 = arith.constant 0 : i32
      %add3A_484 = arith.addi %min3A_462, %add3A_483 : i32
      %add3A_485 = vector.broadcast %add3A_484 : i32 to vector<16xi32>
      %add3A_486 = arith.addi %add3A_485, %iota3A : vector<16xi32>
      %lt3A_487 = arith.cmpf olt, %parallel_loop3A_482#0, %select_n3A_440 : vector<16xf32>
      %eq3A_488 = arith.cmpf oeq, %parallel_loop3A_482#0, %select_n3A_440 : vector<16xf32>
      %lt3A_489 = arith.cmpi slt, %add3A_486, %select_n3A_441 : vector<16xi32>
      %and3A_490 = arith.andi %eq3A_488, %lt3A_489 : vector<16xi1>
      %or3A_491 = arith.ori %lt3A_487, %and3A_490 : vector<16xi1>
      %select_n3A_492 = arith.select %or3A_491, %parallel_loop3A_482#0, %select_n3A_440 : vector<16xi1>, vector<16xf32>
      %select_n3A_493 = arith.select %or3A_491, %add3A_486, %select_n3A_441 : vector<16xi1>, vector<16xi32>
      %add3A_494 = arith.constant 16 : i32
      %add3A_495 = arith.addi %min3A_462, %add3A_494 : i32
      %add3A_496 = vector.broadcast %add3A_495 : i32 to vector<16xi32>
      %add3A_497 = arith.addi %add3A_496, %iota3A : vector<16xi32>
      %lt3A_498 = arith.cmpf olt, %parallel_loop3A_482#1, %select_n3A_492 : vector<16xf32>
      %eq3A_499 = arith.cmpf oeq, %parallel_loop3A_482#1, %select_n3A_492 : vector<16xf32>
      %lt3A_500 = arith.cmpi slt, %add3A_497, %select_n3A_493 : vector<16xi32>
      %and3A_501 = arith.andi %eq3A_499, %lt3A_500 : vector<16xi1>
      %or3A_502 = arith.ori %lt3A_498, %and3A_501 : vector<16xi1>
      %select_n3A_503 = arith.select %or3A_502, %parallel_loop3A_482#1, %select_n3A_492 : vector<16xi1>, vector<16xf32>
      %select_n3A_504 = arith.select %or3A_502, %add3A_497, %select_n3A_493 : vector<16xi1>, vector<16xi32>
      %add3A_505 = arith.constant 32 : i32
      %add3A_506 = arith.addi %min3A_462, %add3A_505 : i32
      %add3A_507 = vector.broadcast %add3A_506 : i32 to vector<16xi32>
      %add3A_508 = arith.addi %add3A_507, %iota3A : vector<16xi32>
      %lt3A_509 = arith.cmpf olt, %parallel_loop3A_482#2, %select_n3A_503 : vector<16xf32>
      %eq3A_510 = arith.cmpf oeq, %parallel_loop3A_482#2, %select_n3A_503 : vector<16xf32>
      %lt3A_511 = arith.cmpi slt, %add3A_508, %select_n3A_504 : vector<16xi32>
      %and3A_512 = arith.andi %eq3A_510, %lt3A_511 : vector<16xi1>
      %or3A_513 = arith.ori %lt3A_509, %and3A_512 : vector<16xi1>
      %select_n3A_514 = arith.select %or3A_513, %parallel_loop3A_482#2, %select_n3A_503 : vector<16xi1>, vector<16xf32>
      %select_n3A_515 = arith.select %or3A_513, %add3A_508, %select_n3A_504 : vector<16xi1>, vector<16xi32>
      %add3A_516 = arith.constant 48 : i32
      %add3A_517 = arith.addi %min3A_462, %add3A_516 : i32
      %add3A_518 = vector.broadcast %add3A_517 : i32 to vector<16xi32>
      %add3A_519 = arith.addi %add3A_518, %iota3A : vector<16xi32>
      %lt3A_520 = arith.cmpf olt, %parallel_loop3A_482#3, %select_n3A_514 : vector<16xf32>
      %eq3A_521 = arith.cmpf oeq, %parallel_loop3A_482#3, %select_n3A_514 : vector<16xf32>
      %lt3A_522 = arith.cmpi slt, %add3A_519, %select_n3A_515 : vector<16xi32>
      %and3A_523 = arith.andi %eq3A_521, %lt3A_522 : vector<16xi1>
      %or3A_524 = arith.ori %lt3A_520, %and3A_523 : vector<16xi1>
      %select_n3A_525 = arith.select %or3A_524, %parallel_loop3A_482#3, %select_n3A_514 : vector<16xi1>, vector<16xf32>
      %select_n3A_526 = arith.select %or3A_524, %add3A_519, %select_n3A_515 : vector<16xi1>, vector<16xi32>
      %add3A_527 = arith.constant 64 : i32
      %add3A_528 = arith.addi %min3A_462, %add3A_527 : i32
      %add3A_529 = vector.broadcast %add3A_528 : i32 to vector<16xi32>
      %add3A_530 = arith.addi %add3A_529, %iota3A : vector<16xi32>
      %lt3A_531 = arith.cmpf olt, %parallel_loop3A_482#4, %select_n3A_525 : vector<16xf32>
      %eq3A_532 = arith.cmpf oeq, %parallel_loop3A_482#4, %select_n3A_525 : vector<16xf32>
      %lt3A_533 = arith.cmpi slt, %add3A_530, %select_n3A_526 : vector<16xi32>
      %and3A_534 = arith.andi %eq3A_532, %lt3A_533 : vector<16xi1>
      %or3A_535 = arith.ori %lt3A_531, %and3A_534 : vector<16xi1>
      %select_n3A_536 = arith.select %or3A_535, %parallel_loop3A_482#4, %select_n3A_525 : vector<16xi1>, vector<16xf32>
      %select_n3A_537 = arith.select %or3A_535, %add3A_530, %select_n3A_526 : vector<16xi1>, vector<16xi32>
      %add3A_538 = arith.constant 80 : i32
      %add3A_539 = arith.addi %min3A_462, %add3A_538 : i32
      %add3A_540 = vector.broadcast %add3A_539 : i32 to vector<16xi32>
      %add3A_541 = arith.addi %add3A_540, %iota3A : vector<16xi32>
      %lt3A_542 = arith.cmpf olt, %parallel_loop3A_482#5, %select_n3A_536 : vector<16xf32>
      %eq3A_543 = arith.cmpf oeq, %parallel_loop3A_482#5, %select_n3A_536 : vector<16xf32>
      %lt3A_544 = arith.cmpi slt, %add3A_541, %select_n3A_537 : vector<16xi32>
      %and3A_545 = arith.andi %eq3A_543, %lt3A_544 : vector<16xi1>
      %or3A_546 = arith.ori %lt3A_542, %and3A_545 : vector<16xi1>
      %select_n3A_547 = arith.select %or3A_546, %parallel_loop3A_482#5, %select_n3A_536 : vector<16xi1>, vector<16xf32>
      %select_n3A_548 = arith.select %or3A_546, %add3A_541, %select_n3A_537 : vector<16xi1>, vector<16xi32>
      %add3A_549 = arith.constant 96 : i32
      %add3A_550 = arith.addi %min3A_462, %add3A_549 : i32
      %add3A_551 = vector.broadcast %add3A_550 : i32 to vector<16xi32>
      %add3A_552 = arith.addi %add3A_551, %iota3A : vector<16xi32>
      %lt3A_553 = arith.cmpf olt, %parallel_loop3A_482#6, %select_n3A_547 : vector<16xf32>
      %eq3A_554 = arith.cmpf oeq, %parallel_loop3A_482#6, %select_n3A_547 : vector<16xf32>
      %lt3A_555 = arith.cmpi slt, %add3A_552, %select_n3A_548 : vector<16xi32>
      %and3A_556 = arith.andi %eq3A_554, %lt3A_555 : vector<16xi1>
      %or3A_557 = arith.ori %lt3A_553, %and3A_556 : vector<16xi1>
      %select_n3A_558 = arith.select %or3A_557, %parallel_loop3A_482#6, %select_n3A_547 : vector<16xi1>, vector<16xf32>
      %select_n3A_559 = arith.select %or3A_557, %add3A_552, %select_n3A_548 : vector<16xi1>, vector<16xi32>
      %add3A_560 = arith.constant 112 : i32
      %add3A_561 = arith.addi %min3A_462, %add3A_560 : i32
      %add3A_562 = vector.broadcast %add3A_561 : i32 to vector<16xi32>
      %add3A_563 = arith.addi %add3A_562, %iota3A : vector<16xi32>
      %lt3A_564 = arith.cmpf olt, %parallel_loop3A_482#7, %select_n3A_558 : vector<16xf32>
      %eq3A_565 = arith.cmpf oeq, %parallel_loop3A_482#7, %select_n3A_558 : vector<16xf32>
      %lt3A_566 = arith.cmpi slt, %add3A_563, %select_n3A_559 : vector<16xi32>
      %and3A_567 = arith.andi %eq3A_565, %lt3A_566 : vector<16xi1>
      %or3A_568 = arith.ori %lt3A_564, %and3A_567 : vector<16xi1>
      %select_n3A_569 = arith.select %or3A_568, %parallel_loop3A_482#7, %select_n3A_558 : vector<16xi1>, vector<16xf32>
      %select_n3A_570 = arith.select %or3A_568, %add3A_563, %select_n3A_559 : vector<16xi1>, vector<16xi32>
      %add3A_571 = arith.constant 3 : i32
      %add3A_572 = arith.addi %add3A_452, %add3A_571 : i32
      %lt3A_573 = arith.constant 25 : i32
      %lt3A_574 = arith.cmpi slt, %add3A_572, %lt3A_573 : i32
      %convert_element_type3A_575 = arith.extui %lt3A_574 : i1 to i32
      %cond3A_576 = arith.constant 0 : i32
      %cond3A_577 = arith.cmpi ne, %convert_element_type3A_575, %cond3A_576 : i32
      scf.if %cond3A_577 {
        %add3A_578 = arith.constant 3 : i32
        %add3A_579 = arith.addi %add3A_452, %add3A_578 : i32
        %mul3A_580 = arith.constant 128 : i32
        %mul3A_581 = arith.muli %add3A_579, %mul3A_580 : i32
        %add3A_582 = arith.addi %add3A, %mul3A_581 : i32
        %min3A_583 = arith.minsi %add3A_582, %sub3A_7 : i32
        %dma_start3A_584 = arith.constant 0 : i32
        %dma_start3A_585 = tpu.memref_slice %arg3[%min3A_583, %dma_start3A_584] : memref<100000x128xf32, #tpu.memory_space<hbm>> -> memref<128x128xf32, #tpu.memory_space<hbm>>
        %dma_start3A_586 = arith.constant 0 : i32
        %dma_start3A_587 = tpu.memref_slice %arg3[%min3A_583, %dma_start3A_586] : memref<100000x128xf32, #tpu.memory_space<hbm>> -> memref<128x128xf32, #tpu.memory_space<hbm>>
        tpu.enqueue_dma source(%dma_start3A_587 : memref<128x128xf32, #tpu.memory_space<hbm>>) target(%arg8 : memref<128x128xf32, #tpu.memory_space<vmem>>) target_semaphore(%arg18 : memref<!tpu.dma_semaphore, #tpu.memory_space<semaphore_mem>>)
      } else {
      }
      scf.yield %select_n3A_569, %select_n3A_570 : vector<16xf32>, vector<16xi32>
    }
    %scan3A_64 = arith.constant 8 : i32
    %dma_wait3A = arith.constant 0 : i32
    %dma_wait3A_65 = arith.constant 0 : i32
    %dma_wait3A_66 = tpu.memref_slice %arg3[%dma_wait3A, %dma_wait3A_65] : memref<100000x128xf32, #tpu.memory_space<hbm>> -> memref<128x128xf32, #tpu.memory_space<hbm>>
    %dma_wait3A_67 = arith.constant 0 : i32
    %dma_wait3A_68 = arith.constant 0 : i32
    %dma_wait3A_69 = tpu.memref_slice %arg3[%dma_wait3A_67, %dma_wait3A_68] : memref<100000x128xf32, #tpu.memory_space<hbm>> -> memref<128x128xf32, #tpu.memory_space<hbm>>
    tpu.wait_dma2 semaphore(%arg16 : memref<!tpu.dma_semaphore, #tpu.memory_space<semaphore_mem>>) src(%dma_wait3A_69 : memref<128x128xf32, #tpu.memory_space<hbm>>) dst(%arg6 : memref<128x128xf32, #tpu.memory_space<vmem>>)
    %mul3A_70 = arith.constant 24 : i32
    %mul3A_71 = arith.constant 128 : i32
    %mul3A_72 = arith.muli %mul3A_70, %mul3A_71 : i32
    %add3A_73 = arith.addi %add3A, %mul3A_72 : i32
    %min3A_74 = arith.minsi %add3A_73, %sub3A_7 : i32
    %broadcast_in_dim3A_75 = arith.constant 0.000000e+00 : f32
    %broadcast_in_dim3A_76 = vector.broadcast %broadcast_in_dim3A_75 : f32 to vector<16xf32>
    %broadcast_in_dim3A_77 = arith.constant 0.000000e+00 : f32
    %broadcast_in_dim3A_78 = vector.broadcast %broadcast_in_dim3A_77 : f32 to vector<16xf32>
    %broadcast_in_dim3A_79 = arith.constant 0.000000e+00 : f32
    %broadcast_in_dim3A_80 = vector.broadcast %broadcast_in_dim3A_79 : f32 to vector<16xf32>
    %broadcast_in_dim3A_81 = arith.constant 0.000000e+00 : f32
    %broadcast_in_dim3A_82 = vector.broadcast %broadcast_in_dim3A_81 : f32 to vector<16xf32>
    %broadcast_in_dim3A_83 = arith.constant 0.000000e+00 : f32
    %broadcast_in_dim3A_84 = vector.broadcast %broadcast_in_dim3A_83 : f32 to vector<16xf32>
    %broadcast_in_dim3A_85 = arith.constant 0.000000e+00 : f32
    %broadcast_in_dim3A_86 = vector.broadcast %broadcast_in_dim3A_85 : f32 to vector<16xf32>
    %broadcast_in_dim3A_87 = arith.constant 0.000000e+00 : f32
    %broadcast_in_dim3A_88 = vector.broadcast %broadcast_in_dim3A_87 : f32 to vector<16xf32>
    %broadcast_in_dim3A_89 = arith.constant 0.000000e+00 : f32
    %broadcast_in_dim3A_90 = vector.broadcast %broadcast_in_dim3A_89 : f32 to vector<16xf32>
    %parallel_loop3A = arith.constant 0 : i32
    %parallel_loop3A_91 = arith.constant 128 : i32
    %parallel_loop3A_92 = arith.constant 1 : i32
    %parallel_loop3A_93:8 = scf.for %parallel_loop3A_188 = %parallel_loop3A to %parallel_loop3A_91 step %parallel_loop3A_92 iter_args(%parallel_loop3A_189 = %broadcast_in_dim3A_76, %parallel_loop3A_190 = %broadcast_in_dim3A_78, %parallel_loop3A_191 = %broadcast_in_dim3A_80, %parallel_loop3A_192 = %broadcast_in_dim3A_82, %parallel_loop3A_193 = %broadcast_in_dim3A_84, %parallel_loop3A_194 = %broadcast_in_dim3A_86, %parallel_loop3A_195 = %broadcast_in_dim3A_88, %parallel_loop3A_196 = %broadcast_in_dim3A_90) -> (vector<16xf32>, vector<16xf32>, vector<16xf32>, vector<16xf32>, vector<16xf32>, vector<16xf32>, vector<16xf32>, vector<16xf32>)  : i32 {
      %parallel_loop3A_197 = vector.broadcast %parallel_loop3A_188 : i32 to vector<16xi32>
      %parallel_loop3A_198 = arith.addi %iota3A, %parallel_loop3A_197 : vector<16xi32>
      %parallel_loop3A_199 = arith.constant 127 : i32
      %parallel_loop3A_200 = vector.broadcast %parallel_loop3A_199 : i32 to vector<16xi32>
      %parallel_loop3A_201 = arith.andi %parallel_loop3A_198, %parallel_loop3A_200 : vector<16xi32>
      %parallel_loop3A_202 = arith.index_cast %parallel_loop3A_188 : i32 to index
      %parallel_loop3A_203 = tpu.vector_load %arg9[%parallel_loop3A_202] {strides = array<i32>} : memref<144xf32, #tpu.memory_space<vmem>>, vector<16xf32>,
      %parallel_loop3A_204 = tpu.vector_load_idx %arg6[%add3A_10, %parallel_loop3A_201] : memref<128x128xf32, #tpu.memory_space<vmem>>[vector<16xi32>, vector<16xi32>], vector<16xf32>,
      %parallel_loop3A_205 = arith.subf %parallel_loop3A_204, %parallel_loop3A_203 : vector<16xf32>
      %parallel_loop3A_206 = arith.mulf %parallel_loop3A_205, %parallel_loop3A_205 : vector<16xf32>
      %parallel_loop3A_207 = arith.addf %parallel_loop3A_189, %parallel_loop3A_206 : vector<16xf32>
      %parallel_loop3A_208 = tpu.vector_load_idx %arg6[%add3A_13, %parallel_loop3A_201] : memref<128x128xf32, #tpu.memory_space<vmem>>[vector<16xi32>, vector<16xi32>], vector<16xf32>,
      %parallel_loop3A_209 = arith.subf %parallel_loop3A_208, %parallel_loop3A_203 : vector<16xf32>
      %parallel_loop3A_210 = arith.mulf %parallel_loop3A_209, %parallel_loop3A_209 : vector<16xf32>
      %parallel_loop3A_211 = arith.addf %parallel_loop3A_190, %parallel_loop3A_210 : vector<16xf32>
      %parallel_loop3A_212 = tpu.vector_load_idx %arg6[%add3A_16, %parallel_loop3A_201] : memref<128x128xf32, #tpu.memory_space<vmem>>[vector<16xi32>, vector<16xi32>], vector<16xf32>,
      %parallel_loop3A_213 = arith.subf %parallel_loop3A_212, %parallel_loop3A_203 : vector<16xf32>
      %parallel_loop3A_214 = arith.mulf %parallel_loop3A_213, %parallel_loop3A_213 : vector<16xf32>
      %parallel_loop3A_215 = arith.addf %parallel_loop3A_191, %parallel_loop3A_214 : vector<16xf32>
      %parallel_loop3A_216 = tpu.vector_load_idx %arg6[%add3A_19, %parallel_loop3A_201] : memref<128x128xf32, #tpu.memory_space<vmem>>[vector<16xi32>, vector<16xi32>], vector<16xf32>,
      %parallel_loop3A_217 = arith.subf %parallel_loop3A_216, %parallel_loop3A_203 : vector<16xf32>
      %parallel_loop3A_218 = arith.mulf %parallel_loop3A_217, %parallel_loop3A_217 : vector<16xf32>
      %parallel_loop3A_219 = arith.addf %parallel_loop3A_192, %parallel_loop3A_218 : vector<16xf32>
      %parallel_loop3A_220 = tpu.vector_load_idx %arg6[%add3A_22, %parallel_loop3A_201] : memref<128x128xf32, #tpu.memory_space<vmem>>[vector<16xi32>, vector<16xi32>], vector<16xf32>,
      %parallel_loop3A_221 = arith.subf %parallel_loop3A_220, %parallel_loop3A_203 : vector<16xf32>
      %parallel_loop3A_222 = arith.mulf %parallel_loop3A_221, %parallel_loop3A_221 : vector<16xf32>
      %parallel_loop3A_223 = arith.addf %parallel_loop3A_193, %parallel_loop3A_222 : vector<16xf32>
      %parallel_loop3A_224 = tpu.vector_load_idx %arg6[%add3A_25, %parallel_loop3A_201] : memref<128x128xf32, #tpu.memory_space<vmem>>[vector<16xi32>, vector<16xi32>], vector<16xf32>,
      %parallel_loop3A_225 = arith.subf %parallel_loop3A_224, %parallel_loop3A_203 : vector<16xf32>
      %parallel_loop3A_226 = arith.mulf %parallel_loop3A_225, %parallel_loop3A_225 : vector<16xf32>
      %parallel_loop3A_227 = arith.addf %parallel_loop3A_194, %parallel_loop3A_226 : vector<16xf32>
      %parallel_loop3A_228 = tpu.vector_load_idx %arg6[%add3A_28, %parallel_loop3A_201] : memref<128x128xf32, #tpu.memory_space<vmem>>[vector<16xi32>, vector<16xi32>], vector<16xf32>,
      %parallel_loop3A_229 = arith.subf %parallel_loop3A_228, %parallel_loop3A_203 : vector<16xf32>
      %parallel_loop3A_230 = arith.mulf %parallel_loop3A_229, %parallel_loop3A_229 : vector<16xf32>
      %parallel_loop3A_231 = arith.addf %parallel_loop3A_195, %parallel_loop3A_230 : vector<16xf32>
      %parallel_loop3A_232 = tpu.vector_load_idx %arg6[%add3A_31, %parallel_loop3A_201] : memref<128x128xf32, #tpu.memory_space<vmem>>[vector<16xi32>, vector<16xi32>], vector<16xf32>,
      %parallel_loop3A_233 = arith.subf %parallel_loop3A_232, %parallel_loop3A_203 : vector<16xf32>
      %parallel_loop3A_234 = arith.mulf %parallel_loop3A_233, %parallel_loop3A_233 : vector<16xf32>
      %parallel_loop3A_235 = arith.addf %parallel_loop3A_196, %parallel_loop3A_234 : vector<16xf32>
      scf.yield %parallel_loop3A_207, %parallel_loop3A_211, %parallel_loop3A_215, %parallel_loop3A_219, %parallel_loop3A_223, %parallel_loop3A_227, %parallel_loop3A_231, %parallel_loop3A_235 : vector<16xf32>, vector<16xf32>, vector<16xf32>, vector<16xf32>, vector<16xf32>, vector<16xf32>, vector<16xf32>, vector<16xf32>
    } {sc.loop_unroll_factor = 4 : i64, sc.parallel_access}
    %add3A_94 = arith.constant 0 : i32
    %add3A_95 = arith.addi %min3A_74, %add3A_94 : i32
    %add3A_96 = vector.broadcast %add3A_95 : i32 to vector<16xi32>
    %add3A_97 = arith.addi %add3A_96, %iota3A : vector<16xi32>
    %lt3A = arith.cmpf olt, %parallel_loop3A_93#0, %scan3A_63#0 : vector<16xf32>
    %eq3A = arith.cmpf oeq, %parallel_loop3A_93#0, %scan3A_63#0 : vector<16xf32>
    %lt3A_98 = arith.cmpi slt, %add3A_97, %scan3A_63#1 : vector<16xi32>
    %and3A = arith.andi %eq3A, %lt3A_98 : vector<16xi1>
    %or3A = arith.ori %lt3A, %and3A : vector<16xi1>
    %select_n3A = arith.select %or3A, %parallel_loop3A_93#0, %scan3A_63#0 : vector<16xi1>, vector<16xf32>
    %select_n3A_99 = arith.select %or3A, %add3A_97, %scan3A_63#1 : vector<16xi1>, vector<16xi32>
    %add3A_100 = arith.constant 16 : i32
    %add3A_101 = arith.addi %min3A_74, %add3A_100 : i32
    %add3A_102 = vector.broadcast %add3A_101 : i32 to vector<16xi32>
    %add3A_103 = arith.addi %add3A_102, %iota3A : vector<16xi32>
    %lt3A_104 = arith.cmpf olt, %parallel_loop3A_93#1, %select_n3A : vector<16xf32>
    %eq3A_105 = arith.cmpf oeq, %parallel_loop3A_93#1, %select_n3A : vector<16xf32>
    %lt3A_106 = arith.cmpi slt, %add3A_103, %select_n3A_99 : vector<16xi32>
    %and3A_107 = arith.andi %eq3A_105, %lt3A_106 : vector<16xi1>
    %or3A_108 = arith.ori %lt3A_104, %and3A_107 : vector<16xi1>
    %select_n3A_109 = arith.select %or3A_108, %parallel_loop3A_93#1, %select_n3A : vector<16xi1>, vector<16xf32>
    %select_n3A_110 = arith.select %or3A_108, %add3A_103, %select_n3A_99 : vector<16xi1>, vector<16xi32>
    %add3A_111 = arith.constant 32 : i32
    %add3A_112 = arith.addi %min3A_74, %add3A_111 : i32
    %add3A_113 = vector.broadcast %add3A_112 : i32 to vector<16xi32>
    %add3A_114 = arith.addi %add3A_113, %iota3A : vector<16xi32>
    %lt3A_115 = arith.cmpf olt, %parallel_loop3A_93#2, %select_n3A_109 : vector<16xf32>
    %eq3A_116 = arith.cmpf oeq, %parallel_loop3A_93#2, %select_n3A_109 : vector<16xf32>
    %lt3A_117 = arith.cmpi slt, %add3A_114, %select_n3A_110 : vector<16xi32>
    %and3A_118 = arith.andi %eq3A_116, %lt3A_117 : vector<16xi1>
    %or3A_119 = arith.ori %lt3A_115, %and3A_118 : vector<16xi1>
    %select_n3A_120 = arith.select %or3A_119, %parallel_loop3A_93#2, %select_n3A_109 : vector<16xi1>, vector<16xf32>
    %select_n3A_121 = arith.select %or3A_119, %add3A_114, %select_n3A_110 : vector<16xi1>, vector<16xi32>
    %add3A_122 = arith.constant 48 : i32
    %add3A_123 = arith.addi %min3A_74, %add3A_122 : i32
    %add3A_124 = vector.broadcast %add3A_123 : i32 to vector<16xi32>
    %add3A_125 = arith.addi %add3A_124, %iota3A : vector<16xi32>
    %lt3A_126 = arith.cmpf olt, %parallel_loop3A_93#3, %select_n3A_120 : vector<16xf32>
    %eq3A_127 = arith.cmpf oeq, %parallel_loop3A_93#3, %select_n3A_120 : vector<16xf32>
    %lt3A_128 = arith.cmpi slt, %add3A_125, %select_n3A_121 : vector<16xi32>
    %and3A_129 = arith.andi %eq3A_127, %lt3A_128 : vector<16xi1>
    %or3A_130 = arith.ori %lt3A_126, %and3A_129 : vector<16xi1>
    %select_n3A_131 = arith.select %or3A_130, %parallel_loop3A_93#3, %select_n3A_120 : vector<16xi1>, vector<16xf32>
    %select_n3A_132 = arith.select %or3A_130, %add3A_125, %select_n3A_121 : vector<16xi1>, vector<16xi32>
    %add3A_133 = arith.constant 64 : i32
    %add3A_134 = arith.addi %min3A_74, %add3A_133 : i32
    %add3A_135 = vector.broadcast %add3A_134 : i32 to vector<16xi32>
    %add3A_136 = arith.addi %add3A_135, %iota3A : vector<16xi32>
    %lt3A_137 = arith.cmpf olt, %parallel_loop3A_93#4, %select_n3A_131 : vector<16xf32>
    %eq3A_138 = arith.cmpf oeq, %parallel_loop3A_93#4, %select_n3A_131 : vector<16xf32>
    %lt3A_139 = arith.cmpi slt, %add3A_136, %select_n3A_132 : vector<16xi32>
    %and3A_140 = arith.andi %eq3A_138, %lt3A_139 : vector<16xi1>
    %or3A_141 = arith.ori %lt3A_137, %and3A_140 : vector<16xi1>
    %select_n3A_142 = arith.select %or3A_141, %parallel_loop3A_93#4, %select_n3A_131 : vector<16xi1>, vector<16xf32>
    %select_n3A_143 = arith.select %or3A_141, %add3A_136, %select_n3A_132 : vector<16xi1>, vector<16xi32>
    %add3A_144 = arith.constant 80 : i32
    %add3A_145 = arith.addi %min3A_74, %add3A_144 : i32
    %add3A_146 = vector.broadcast %add3A_145 : i32 to vector<16xi32>
    %add3A_147 = arith.addi %add3A_146, %iota3A : vector<16xi32>
    %lt3A_148 = arith.cmpf olt, %parallel_loop3A_93#5, %select_n3A_142 : vector<16xf32>
    %eq3A_149 = arith.cmpf oeq, %parallel_loop3A_93#5, %select_n3A_142 : vector<16xf32>
    %lt3A_150 = arith.cmpi slt, %add3A_147, %select_n3A_143 : vector<16xi32>
    %and3A_151 = arith.andi %eq3A_149, %lt3A_150 : vector<16xi1>
    %or3A_152 = arith.ori %lt3A_148, %and3A_151 : vector<16xi1>
    %select_n3A_153 = arith.select %or3A_152, %parallel_loop3A_93#5, %select_n3A_142 : vector<16xi1>, vector<16xf32>
    %select_n3A_154 = arith.select %or3A_152, %add3A_147, %select_n3A_143 : vector<16xi1>, vector<16xi32>
    %add3A_155 = arith.constant 96 : i32
    %add3A_156 = arith.addi %min3A_74, %add3A_155 : i32
    %add3A_157 = vector.broadcast %add3A_156 : i32 to vector<16xi32>
    %add3A_158 = arith.addi %add3A_157, %iota3A : vector<16xi32>
    %lt3A_159 = arith.cmpf olt, %parallel_loop3A_93#6, %select_n3A_153 : vector<16xf32>
    %eq3A_160 = arith.cmpf oeq, %parallel_loop3A_93#6, %select_n3A_153 : vector<16xf32>
    %lt3A_161 = arith.cmpi slt, %add3A_158, %select_n3A_154 : vector<16xi32>
    %and3A_162 = arith.andi %eq3A_160, %lt3A_161 : vector<16xi1>
    %or3A_163 = arith.ori %lt3A_159, %and3A_162 : vector<16xi1>
    %select_n3A_164 = arith.select %or3A_163, %parallel_loop3A_93#6, %select_n3A_153 : vector<16xi1>, vector<16xf32>
    %select_n3A_165 = arith.select %or3A_163, %add3A_158, %select_n3A_154 : vector<16xi1>, vector<16xi32>
    %add3A_166 = arith.constant 112 : i32
    %add3A_167 = arith.addi %min3A_74, %add3A_166 : i32
    %add3A_168 = vector.broadcast %add3A_167 : i32 to vector<16xi32>
    %add3A_169 = arith.addi %add3A_168, %iota3A : vector<16xi32>
    %lt3A_170 = arith.cmpf olt, %parallel_loop3A_93#7, %select_n3A_164 : vector<16xf32>
    %eq3A_171 = arith.cmpf oeq, %parallel_loop3A_93#7, %select_n3A_164 : vector<16xf32>
    %lt3A_172 = arith.cmpi slt, %add3A_169, %select_n3A_165 : vector<16xi32>
    %and3A_173 = arith.andi %eq3A_171, %lt3A_172 : vector<16xi1>
    %or3A_174 = arith.ori %lt3A_170, %and3A_173 : vector<16xi1>
    %select_n3A_175 = arith.select %or3A_174, %parallel_loop3A_93#7, %select_n3A_164 : vector<16xi1>, vector<16xf32>
    %select_n3A_176 = arith.select %or3A_174, %add3A_169, %select_n3A_165 : vector<16xi1>, vector<16xi32>
    %swap3A_177 = arith.constant 0 : index
    %swap3A_178 = tpu.vector_load %arg10[%swap3A_177] {strides = array<i32>} : memref<16xf32, #tpu.memory_space<vmem>>, vector<16xf32>,
    tpu.vector_store %arg10[%swap3A_177], %select_n3A_175 {strides = array<i32>} : memref<16xf32, #tpu.memory_space<vmem>>, vector<16xf32>,
    %swap3A_179 = arith.constant 0 : index
    %swap3A_180 = tpu.vector_load %arg11[%swap3A_179] {strides = array<i32>} : memref<16xi32, #tpu.memory_space<vmem>>, vector<16xi32>,
    tpu.vector_store %arg11[%swap3A_179], %select_n3A_176 {strides = array<i32>} : memref<16xi32, #tpu.memory_space<vmem>>, vector<16xi32>,
    %mul3A_181 = arith.constant 16 : i32
    %mul3A_182 = arith.muli %arg1, %mul3A_181 : i32
    "tpu.region"() ({
      %run_scoped3A_188 = tpu.sem_alloc : memref<!tpu.dma_semaphore, #tpu.memory_space<semaphore_mem>>
      %dma_start3A_189 = tpu.memref_slice %arg14[%mul3A_182] : memref<256xf32, #tpu.memory_space<vmem_shared>> -> memref<16xf32, #tpu.memory_space<vmem_shared>>
      %dma_start3A_190 = tpu.memref_slice %arg14[%mul3A_182] : memref<256xf32, #tpu.memory_space<vmem_shared>> -> memref<16xf32, #tpu.memory_space<vmem_shared>>
      tpu.enqueue_dma source(%arg10 : memref<16xf32, #tpu.memory_space<vmem>>) target(%dma_start3A_190 : memref<16xf32, #tpu.memory_space<vmem_shared>>) target_semaphore(%run_scoped3A_188 : memref<!tpu.dma_semaphore, #tpu.memory_space<semaphore_mem>>)
      %dma_wait3A_191 = tpu.memref_slice %arg14[%mul3A_182] : memref<256xf32, #tpu.memory_space<vmem_shared>> -> memref<16xf32, #tpu.memory_space<vmem_shared>>
      %dma_wait3A_192 = tpu.memref_slice %arg14[%mul3A_182] : memref<256xf32, #tpu.memory_space<vmem_shared>> -> memref<16xf32, #tpu.memory_space<vmem_shared>>
      tpu.wait_dma2 semaphore(%run_scoped3A_188 : memref<!tpu.dma_semaphore, #tpu.memory_space<semaphore_mem>>) src(%arg10 : memref<16xf32, #tpu.memory_space<vmem>>) dst(%dma_wait3A_192 : memref<16xf32, #tpu.memory_space<vmem_shared>>)
      tpu.yield
    }) : () -> ()
    %mul3A_183 = arith.constant 16 : i32
    %mul3A_184 = arith.muli %arg1, %mul3A_183 : i32
    "tpu.region"() ({
      %run_scoped3A_188 = tpu.sem_alloc : memref<!tpu.dma_semaphore, #tpu.memory_space<semaphore_mem>>
      %dma_start3A_189 = tpu.memref_slice %arg15[%mul3A_184] : memref<256xi32, #tpu.memory_space<vmem_shared>> -> memref<16xi32, #tpu.memory_space<vmem_shared>>
      %dma_start3A_190 = tpu.memref_slice %arg15[%mul3A_184] : memref<256xi32, #tpu.memory_space<vmem_shared>> -> memref<16xi32, #tpu.memory_space<vmem_shared>>
      tpu.enqueue_dma source(%arg11 : memref<16xi32, #tpu.memory_space<vmem>>) target(%dma_start3A_190 : memref<16xi32, #tpu.memory_space<vmem_shared>>) target_semaphore(%run_scoped3A_188 : memref<!tpu.dma_semaphore, #tpu.memory_space<semaphore_mem>>)
      %dma_wait3A_191 = tpu.memref_slice %arg15[%mul3A_184] : memref<256xi32, #tpu.memory_space<vmem_shared>> -> memref<16xi32, #tpu.memory_space<vmem_shared>>
      %dma_wait3A_192 = tpu.memref_slice %arg15[%mul3A_184] : memref<256xi32, #tpu.memory_space<vmem_shared>> -> memref<16xi32, #tpu.memory_space<vmem_shared>>
      tpu.wait_dma2 semaphore(%run_scoped3A_188 : memref<!tpu.dma_semaphore, #tpu.memory_space<semaphore_mem>>) src(%arg11 : memref<16xi32, #tpu.memory_space<vmem>>) dst(%dma_wait3A_192 : memref<16xi32, #tpu.memory_space<vmem_shared>>)
      tpu.yield
    }) : () -> ()
    %barrier3A = arith.constant 0 : index
    tpu.barrier barrier_id(%barrier3A)
    %eq3A_185 = arith.constant 0 : i32
    %eq3A_186 = arith.cmpi eq, %arg1, %eq3A_185 : i32
    %convert_element_type3A = arith.extui %eq3A_186 : i1 to i32
    %cond3A = arith.constant 0 : i32
    %cond3A_187 = arith.cmpi ne, %convert_element_type3A, %cond3A : i32
    scf.if %cond3A_187 {
      "tpu.region"() ({
        %run_scoped3A_390 = tpu.sem_alloc : memref<!tpu.dma_semaphore, #tpu.memory_space<semaphore_mem>>
        tpu.enqueue_dma source(%arg14 : memref<256xf32, #tpu.memory_space<vmem_shared>>) target(%arg12 : memref<256xf32, #tpu.memory_space<vmem>>) target_semaphore(%run_scoped3A_390 : memref<!tpu.dma_semaphore, #tpu.memory_space<semaphore_mem>>)
        tpu.wait_dma2 semaphore(%run_scoped3A_390 : memref<!tpu.dma_semaphore, #tpu.memory_space<semaphore_mem>>) src(%arg14 : memref<256xf32, #tpu.memory_space<vmem_shared>>) dst(%arg12 : memref<256xf32, #tpu.memory_space<vmem>>)
        tpu.yield
      }) : () -> ()
      "tpu.region"() ({
        %run_scoped3A_390 = tpu.sem_alloc : memref<!tpu.dma_semaphore, #tpu.memory_space<semaphore_mem>>
        tpu.enqueue_dma source(%arg15 : memref<256xi32, #tpu.memory_space<vmem_shared>>) target(%arg13 : memref<256xi32, #tpu.memory_space<vmem>>) target_semaphore(%run_scoped3A_390 : memref<!tpu.dma_semaphore, #tpu.memory_space<semaphore_mem>>)
        tpu.wait_dma2 semaphore(%run_scoped3A_390 : memref<!tpu.dma_semaphore, #tpu.memory_space<semaphore_mem>>) src(%arg15 : memref<256xi32, #tpu.memory_space<vmem_shared>>) dst(%arg13 : memref<256xi32, #tpu.memory_space<vmem>>)
        tpu.yield
      }) : () -> ()
      %broadcast_in_dim3A_188 = arith.constant 3.000000e+38 : f32
      %broadcast_in_dim3A_189 = vector.broadcast %broadcast_in_dim3A_188 : f32 to vector<16xf32>
      %broadcast_in_dim3A_190 = arith.constant 2147483647 : i32
      %broadcast_in_dim3A_191 = vector.broadcast %broadcast_in_dim3A_190 : i32 to vector<16xi32>
      %get3A_192 = arith.constant 0 : index
      %get3A_193 = tpu.vector_load %arg12[%get3A_192] {strides = array<i32>} : memref<256xf32, #tpu.memory_space<vmem>>, vector<16xf32>,
      %get3A_194 = arith.constant 0 : index
      %get3A_195 = tpu.vector_load %arg13[%get3A_194] {strides = array<i32>} : memref<256xi32, #tpu.memory_space<vmem>>, vector<16xi32>,
      %lt3A_196 = arith.cmpf olt, %get3A_193, %broadcast_in_dim3A_189 : vector<16xf32>
      %eq3A_197 = arith.cmpf oeq, %get3A_193, %broadcast_in_dim3A_189 : vector<16xf32>
      %lt3A_198 = arith.cmpi slt, %get3A_195, %broadcast_in_dim3A_191 : vector<16xi32>
      %and3A_199 = arith.andi %eq3A_197, %lt3A_198 : vector<16xi1>
      %or3A_200 = arith.ori %lt3A_196, %and3A_199 : vector<16xi1>
      %select_n3A_201 = arith.select %or3A_200, %get3A_193, %broadcast_in_dim3A_189 : vector<16xi1>, vector<16xf32>
      %select_n3A_202 = arith.select %or3A_200, %get3A_195, %broadcast_in_dim3A_191 : vector<16xi1>, vector<16xi32>
      %get3A_203 = arith.constant 16 : index
      %get3A_204 = tpu.vector_load %arg12[%get3A_203] {strides = array<i32>} : memref<256xf32, #tpu.memory_space<vmem>>, vector<16xf32>,
      %get3A_205 = arith.constant 16 : index
      %get3A_206 = tpu.vector_load %arg13[%get3A_205] {strides = array<i32>} : memref<256xi32, #tpu.memory_space<vmem>>, vector<16xi32>,
      %lt3A_207 = arith.cmpf olt, %get3A_204, %select_n3A_201 : vector<16xf32>
      %eq3A_208 = arith.cmpf oeq, %get3A_204, %select_n3A_201 : vector<16xf32>
      %lt3A_209 = arith.cmpi slt, %get3A_206, %select_n3A_202 : vector<16xi32>
      %and3A_210 = arith.andi %eq3A_208, %lt3A_209 : vector<16xi1>
      %or3A_211 = arith.ori %lt3A_207, %and3A_210 : vector<16xi1>
      %select_n3A_212 = arith.select %or3A_211, %get3A_204, %select_n3A_201 : vector<16xi1>, vector<16xf32>
      %select_n3A_213 = arith.select %or3A_211, %get3A_206, %select_n3A_202 : vector<16xi1>, vector<16xi32>
      %get3A_214 = arith.constant 32 : index
      %get3A_215 = tpu.vector_load %arg12[%get3A_214] {strides = array<i32>} : memref<256xf32, #tpu.memory_space<vmem>>, vector<16xf32>,
      %get3A_216 = arith.constant 32 : index
      %get3A_217 = tpu.vector_load %arg13[%get3A_216] {strides = array<i32>} : memref<256xi32, #tpu.memory_space<vmem>>, vector<16xi32>,
      %lt3A_218 = arith.cmpf olt, %get3A_215, %select_n3A_212 : vector<16xf32>
      %eq3A_219 = arith.cmpf oeq, %get3A_215, %select_n3A_212 : vector<16xf32>
      %lt3A_220 = arith.cmpi slt, %get3A_217, %select_n3A_213 : vector<16xi32>
      %and3A_221 = arith.andi %eq3A_219, %lt3A_220 : vector<16xi1>
      %or3A_222 = arith.ori %lt3A_218, %and3A_221 : vector<16xi1>
      %select_n3A_223 = arith.select %or3A_222, %get3A_215, %select_n3A_212 : vector<16xi1>, vector<16xf32>
      %select_n3A_224 = arith.select %or3A_222, %get3A_217, %select_n3A_213 : vector<16xi1>, vector<16xi32>
      %get3A_225 = arith.constant 48 : index
      %get3A_226 = tpu.vector_load %arg12[%get3A_225] {strides = array<i32>} : memref<256xf32, #tpu.memory_space<vmem>>, vector<16xf32>,
      %get3A_227 = arith.constant 48 : index
      %get3A_228 = tpu.vector_load %arg13[%get3A_227] {strides = array<i32>} : memref<256xi32, #tpu.memory_space<vmem>>, vector<16xi32>,
      %lt3A_229 = arith.cmpf olt, %get3A_226, %select_n3A_223 : vector<16xf32>
      %eq3A_230 = arith.cmpf oeq, %get3A_226, %select_n3A_223 : vector<16xf32>
      %lt3A_231 = arith.cmpi slt, %get3A_228, %select_n3A_224 : vector<16xi32>
      %and3A_232 = arith.andi %eq3A_230, %lt3A_231 : vector<16xi1>
      %or3A_233 = arith.ori %lt3A_229, %and3A_232 : vector<16xi1>
      %select_n3A_234 = arith.select %or3A_233, %get3A_226, %select_n3A_223 : vector<16xi1>, vector<16xf32>
      %select_n3A_235 = arith.select %or3A_233, %get3A_228, %select_n3A_224 : vector<16xi1>, vector<16xi32>
      %get3A_236 = arith.constant 64 : index
      %get3A_237 = tpu.vector_load %arg12[%get3A_236] {strides = array<i32>} : memref<256xf32, #tpu.memory_space<vmem>>, vector<16xf32>,
      %get3A_238 = arith.constant 64 : index
      %get3A_239 = tpu.vector_load %arg13[%get3A_238] {strides = array<i32>} : memref<256xi32, #tpu.memory_space<vmem>>, vector<16xi32>,
      %lt3A_240 = arith.cmpf olt, %get3A_237, %select_n3A_234 : vector<16xf32>
      %eq3A_241 = arith.cmpf oeq, %get3A_237, %select_n3A_234 : vector<16xf32>
      %lt3A_242 = arith.cmpi slt, %get3A_239, %select_n3A_235 : vector<16xi32>
      %and3A_243 = arith.andi %eq3A_241, %lt3A_242 : vector<16xi1>
      %or3A_244 = arith.ori %lt3A_240, %and3A_243 : vector<16xi1>
      %select_n3A_245 = arith.select %or3A_244, %get3A_237, %select_n3A_234 : vector<16xi1>, vector<16xf32>
      %select_n3A_246 = arith.select %or3A_244, %get3A_239, %select_n3A_235 : vector<16xi1>, vector<16xi32>
      %get3A_247 = arith.constant 80 : index
      %get3A_248 = tpu.vector_load %arg12[%get3A_247] {strides = array<i32>} : memref<256xf32, #tpu.memory_space<vmem>>, vector<16xf32>,
      %get3A_249 = arith.constant 80 : index
      %get3A_250 = tpu.vector_load %arg13[%get3A_249] {strides = array<i32>} : memref<256xi32, #tpu.memory_space<vmem>>, vector<16xi32>,
      %lt3A_251 = arith.cmpf olt, %get3A_248, %select_n3A_245 : vector<16xf32>
      %eq3A_252 = arith.cmpf oeq, %get3A_248, %select_n3A_245 : vector<16xf32>
      %lt3A_253 = arith.cmpi slt, %get3A_250, %select_n3A_246 : vector<16xi32>
      %and3A_254 = arith.andi %eq3A_252, %lt3A_253 : vector<16xi1>
      %or3A_255 = arith.ori %lt3A_251, %and3A_254 : vector<16xi1>
      %select_n3A_256 = arith.select %or3A_255, %get3A_248, %select_n3A_245 : vector<16xi1>, vector<16xf32>
      %select_n3A_257 = arith.select %or3A_255, %get3A_250, %select_n3A_246 : vector<16xi1>, vector<16xi32>
      %get3A_258 = arith.constant 96 : index
      %get3A_259 = tpu.vector_load %arg12[%get3A_258] {strides = array<i32>} : memref<256xf32, #tpu.memory_space<vmem>>, vector<16xf32>,
      %get3A_260 = arith.constant 96 : index
      %get3A_261 = tpu.vector_load %arg13[%get3A_260] {strides = array<i32>} : memref<256xi32, #tpu.memory_space<vmem>>, vector<16xi32>,
      %lt3A_262 = arith.cmpf olt, %get3A_259, %select_n3A_256 : vector<16xf32>
      %eq3A_263 = arith.cmpf oeq, %get3A_259, %select_n3A_256 : vector<16xf32>
      %lt3A_264 = arith.cmpi slt, %get3A_261, %select_n3A_257 : vector<16xi32>
      %and3A_265 = arith.andi %eq3A_263, %lt3A_264 : vector<16xi1>
      %or3A_266 = arith.ori %lt3A_262, %and3A_265 : vector<16xi1>
      %select_n3A_267 = arith.select %or3A_266, %get3A_259, %select_n3A_256 : vector<16xi1>, vector<16xf32>
      %select_n3A_268 = arith.select %or3A_266, %get3A_261, %select_n3A_257 : vector<16xi1>, vector<16xi32>
      %get3A_269 = arith.constant 112 : index
      %get3A_270 = tpu.vector_load %arg12[%get3A_269] {strides = array<i32>} : memref<256xf32, #tpu.memory_space<vmem>>, vector<16xf32>,
      %get3A_271 = arith.constant 112 : index
      %get3A_272 = tpu.vector_load %arg13[%get3A_271] {strides = array<i32>} : memref<256xi32, #tpu.memory_space<vmem>>, vector<16xi32>,
      %lt3A_273 = arith.cmpf olt, %get3A_270, %select_n3A_267 : vector<16xf32>
      %eq3A_274 = arith.cmpf oeq, %get3A_270, %select_n3A_267 : vector<16xf32>
      %lt3A_275 = arith.cmpi slt, %get3A_272, %select_n3A_268 : vector<16xi32>
      %and3A_276 = arith.andi %eq3A_274, %lt3A_275 : vector<16xi1>
      %or3A_277 = arith.ori %lt3A_273, %and3A_276 : vector<16xi1>
      %select_n3A_278 = arith.select %or3A_277, %get3A_270, %select_n3A_267 : vector<16xi1>, vector<16xf32>
      %select_n3A_279 = arith.select %or3A_277, %get3A_272, %select_n3A_268 : vector<16xi1>, vector<16xi32>
      %get3A_280 = arith.constant 128 : index
      %get3A_281 = tpu.vector_load %arg12[%get3A_280] {strides = array<i32>} : memref<256xf32, #tpu.memory_space<vmem>>, vector<16xf32>,
      %get3A_282 = arith.constant 128 : index
      %get3A_283 = tpu.vector_load %arg13[%get3A_282] {strides = array<i32>} : memref<256xi32, #tpu.memory_space<vmem>>, vector<16xi32>,
      %lt3A_284 = arith.cmpf olt, %get3A_281, %select_n3A_278 : vector<16xf32>
      %eq3A_285 = arith.cmpf oeq, %get3A_281, %select_n3A_278 : vector<16xf32>
      %lt3A_286 = arith.cmpi slt, %get3A_283, %select_n3A_279 : vector<16xi32>
      %and3A_287 = arith.andi %eq3A_285, %lt3A_286 : vector<16xi1>
      %or3A_288 = arith.ori %lt3A_284, %and3A_287 : vector<16xi1>
      %select_n3A_289 = arith.select %or3A_288, %get3A_281, %select_n3A_278 : vector<16xi1>, vector<16xf32>
      %select_n3A_290 = arith.select %or3A_288, %get3A_283, %select_n3A_279 : vector<16xi1>, vector<16xi32>
      %get3A_291 = arith.constant 144 : index
      %get3A_292 = tpu.vector_load %arg12[%get3A_291] {strides = array<i32>} : memref<256xf32, #tpu.memory_space<vmem>>, vector<16xf32>,
      %get3A_293 = arith.constant 144 : index
      %get3A_294 = tpu.vector_load %arg13[%get3A_293] {strides = array<i32>} : memref<256xi32, #tpu.memory_space<vmem>>, vector<16xi32>,
      %lt3A_295 = arith.cmpf olt, %get3A_292, %select_n3A_289 : vector<16xf32>
      %eq3A_296 = arith.cmpf oeq, %get3A_292, %select_n3A_289 : vector<16xf32>
      %lt3A_297 = arith.cmpi slt, %get3A_294, %select_n3A_290 : vector<16xi32>
      %and3A_298 = arith.andi %eq3A_296, %lt3A_297 : vector<16xi1>
      %or3A_299 = arith.ori %lt3A_295, %and3A_298 : vector<16xi1>
      %select_n3A_300 = arith.select %or3A_299, %get3A_292, %select_n3A_289 : vector<16xi1>, vector<16xf32>
      %select_n3A_301 = arith.select %or3A_299, %get3A_294, %select_n3A_290 : vector<16xi1>, vector<16xi32>
      %get3A_302 = arith.constant 160 : index
      %get3A_303 = tpu.vector_load %arg12[%get3A_302] {strides = array<i32>} : memref<256xf32, #tpu.memory_space<vmem>>, vector<16xf32>,
      %get3A_304 = arith.constant 160 : index
      %get3A_305 = tpu.vector_load %arg13[%get3A_304] {strides = array<i32>} : memref<256xi32, #tpu.memory_space<vmem>>, vector<16xi32>,
      %lt3A_306 = arith.cmpf olt, %get3A_303, %select_n3A_300 : vector<16xf32>
      %eq3A_307 = arith.cmpf oeq, %get3A_303, %select_n3A_300 : vector<16xf32>
      %lt3A_308 = arith.cmpi slt, %get3A_305, %select_n3A_301 : vector<16xi32>
      %and3A_309 = arith.andi %eq3A_307, %lt3A_308 : vector<16xi1>
      %or3A_310 = arith.ori %lt3A_306, %and3A_309 : vector<16xi1>
      %select_n3A_311 = arith.select %or3A_310, %get3A_303, %select_n3A_300 : vector<16xi1>, vector<16xf32>
      %select_n3A_312 = arith.select %or3A_310, %get3A_305, %select_n3A_301 : vector<16xi1>, vector<16xi32>
      %get3A_313 = arith.constant 176 : index
      %get3A_314 = tpu.vector_load %arg12[%get3A_313] {strides = array<i32>} : memref<256xf32, #tpu.memory_space<vmem>>, vector<16xf32>,
      %get3A_315 = arith.constant 176 : index
      %get3A_316 = tpu.vector_load %arg13[%get3A_315] {strides = array<i32>} : memref<256xi32, #tpu.memory_space<vmem>>, vector<16xi32>,
      %lt3A_317 = arith.cmpf olt, %get3A_314, %select_n3A_311 : vector<16xf32>
      %eq3A_318 = arith.cmpf oeq, %get3A_314, %select_n3A_311 : vector<16xf32>
      %lt3A_319 = arith.cmpi slt, %get3A_316, %select_n3A_312 : vector<16xi32>
      %and3A_320 = arith.andi %eq3A_318, %lt3A_319 : vector<16xi1>
      %or3A_321 = arith.ori %lt3A_317, %and3A_320 : vector<16xi1>
      %select_n3A_322 = arith.select %or3A_321, %get3A_314, %select_n3A_311 : vector<16xi1>, vector<16xf32>
      %select_n3A_323 = arith.select %or3A_321, %get3A_316, %select_n3A_312 : vector<16xi1>, vector<16xi32>
      %get3A_324 = arith.constant 192 : index
      %get3A_325 = tpu.vector_load %arg12[%get3A_324] {strides = array<i32>} : memref<256xf32, #tpu.memory_space<vmem>>, vector<16xf32>,
      %get3A_326 = arith.constant 192 : index
      %get3A_327 = tpu.vector_load %arg13[%get3A_326] {strides = array<i32>} : memref<256xi32, #tpu.memory_space<vmem>>, vector<16xi32>,
      %lt3A_328 = arith.cmpf olt, %get3A_325, %select_n3A_322 : vector<16xf32>
      %eq3A_329 = arith.cmpf oeq, %get3A_325, %select_n3A_322 : vector<16xf32>
      %lt3A_330 = arith.cmpi slt, %get3A_327, %select_n3A_323 : vector<16xi32>
      %and3A_331 = arith.andi %eq3A_329, %lt3A_330 : vector<16xi1>
      %or3A_332 = arith.ori %lt3A_328, %and3A_331 : vector<16xi1>
      %select_n3A_333 = arith.select %or3A_332, %get3A_325, %select_n3A_322 : vector<16xi1>, vector<16xf32>
      %select_n3A_334 = arith.select %or3A_332, %get3A_327, %select_n3A_323 : vector<16xi1>, vector<16xi32>
      %get3A_335 = arith.constant 208 : index
      %get3A_336 = tpu.vector_load %arg12[%get3A_335] {strides = array<i32>} : memref<256xf32, #tpu.memory_space<vmem>>, vector<16xf32>,
      %get3A_337 = arith.constant 208 : index
      %get3A_338 = tpu.vector_load %arg13[%get3A_337] {strides = array<i32>} : memref<256xi32, #tpu.memory_space<vmem>>, vector<16xi32>,
      %lt3A_339 = arith.cmpf olt, %get3A_336, %select_n3A_333 : vector<16xf32>
      %eq3A_340 = arith.cmpf oeq, %get3A_336, %select_n3A_333 : vector<16xf32>
      %lt3A_341 = arith.cmpi slt, %get3A_338, %select_n3A_334 : vector<16xi32>
      %and3A_342 = arith.andi %eq3A_340, %lt3A_341 : vector<16xi1>
      %or3A_343 = arith.ori %lt3A_339, %and3A_342 : vector<16xi1>
      %select_n3A_344 = arith.select %or3A_343, %get3A_336, %select_n3A_333 : vector<16xi1>, vector<16xf32>
      %select_n3A_345 = arith.select %or3A_343, %get3A_338, %select_n3A_334 : vector<16xi1>, vector<16xi32>
      %get3A_346 = arith.constant 224 : index
      %get3A_347 = tpu.vector_load %arg12[%get3A_346] {strides = array<i32>} : memref<256xf32, #tpu.memory_space<vmem>>, vector<16xf32>,
      %get3A_348 = arith.constant 224 : index
      %get3A_349 = tpu.vector_load %arg13[%get3A_348] {strides = array<i32>} : memref<256xi32, #tpu.memory_space<vmem>>, vector<16xi32>,
      %lt3A_350 = arith.cmpf olt, %get3A_347, %select_n3A_344 : vector<16xf32>
      %eq3A_351 = arith.cmpf oeq, %get3A_347, %select_n3A_344 : vector<16xf32>
      %lt3A_352 = arith.cmpi slt, %get3A_349, %select_n3A_345 : vector<16xi32>
      %and3A_353 = arith.andi %eq3A_351, %lt3A_352 : vector<16xi1>
      %or3A_354 = arith.ori %lt3A_350, %and3A_353 : vector<16xi1>
      %select_n3A_355 = arith.select %or3A_354, %get3A_347, %select_n3A_344 : vector<16xi1>, vector<16xf32>
      %select_n3A_356 = arith.select %or3A_354, %get3A_349, %select_n3A_345 : vector<16xi1>, vector<16xi32>
      %get3A_357 = arith.constant 240 : index
      %get3A_358 = tpu.vector_load %arg12[%get3A_357] {strides = array<i32>} : memref<256xf32, #tpu.memory_space<vmem>>, vector<16xf32>,
      %get3A_359 = arith.constant 240 : index
      %get3A_360 = tpu.vector_load %arg13[%get3A_359] {strides = array<i32>} : memref<256xi32, #tpu.memory_space<vmem>>, vector<16xi32>,
      %lt3A_361 = arith.cmpf olt, %get3A_358, %select_n3A_355 : vector<16xf32>
      %eq3A_362 = arith.cmpf oeq, %get3A_358, %select_n3A_355 : vector<16xf32>
      %lt3A_363 = arith.cmpi slt, %get3A_360, %select_n3A_356 : vector<16xi32>
      %and3A_364 = arith.andi %eq3A_362, %lt3A_363 : vector<16xi1>
      %or3A_365 = arith.ori %lt3A_361, %and3A_364 : vector<16xi1>
      %select_n3A_366 = arith.select %or3A_365, %get3A_358, %select_n3A_355 : vector<16xi1>, vector<16xf32>
      %select_n3A_367 = arith.select %or3A_365, %get3A_360, %select_n3A_356 : vector<16xi1>, vector<16xi32>
      %reduce_min3A = arith.constant true
      %reduce_min3A_368 = vector.broadcast %reduce_min3A : i1 to vector<16xi1>
      %reduce_min3A_369 = tpu.scan <min>, %select_n3A_366 masked %reduce_min3A_368 : vector<16xf32>, vector<16xi1> -> vector<16xf32>
      %reduce_min3A_370 = vector.extract %reduce_min3A_369[15] : f32 from vector<16xf32>
      %eq3A_371 = vector.broadcast %reduce_min3A_370 : f32 to vector<16xf32>
      %eq3A_372 = arith.cmpf oeq, %select_n3A_366, %eq3A_371 : vector<16xf32>
      %broadcast_in_dim3A_373 = arith.constant 2147483647 : i32
      %broadcast_in_dim3A_374 = vector.broadcast %broadcast_in_dim3A_373 : i32 to vector<16xi32>
      %select_n3A_375 = arith.select %eq3A_372, %select_n3A_367, %broadcast_in_dim3A_374 : vector<16xi1>, vector<16xi32>
      %reduce_min3A_376 = arith.constant true
      %reduce_min3A_377 = vector.broadcast %reduce_min3A_376 : i1 to vector<16xi1>
      %reduce_min3A_378 = arith.constant -2147483648 : i32
      %reduce_min3A_379 = vector.broadcast %reduce_min3A_378 : i32 to vector<16xi32>
      %reduce_min3A_380 = arith.xori %select_n3A_375, %reduce_min3A_379 : vector<16xi32>
      %reduce_min3A_381 = tpu.scan <min>, %reduce_min3A_380 masked %reduce_min3A_377 : vector<16xi32>, vector<16xi1> -> vector<16xi32>
      %reduce_min3A_382 = arith.xori %reduce_min3A_381, %reduce_min3A_379 : vector<16xi32>
      %reduce_min3A_383 = vector.extract %reduce_min3A_382[15] : i32 from vector<16xi32>
      %broadcast_in_dim3A_384 = vector.broadcast %reduce_min3A_370 : f32 to vector<16xf32>
      %swap3A_385 = arith.constant 0 : index
      %swap3A_386 = tpu.vector_load %arg10[%swap3A_385] {strides = array<i32>} : memref<16xf32, #tpu.memory_space<vmem>>, vector<16xf32>,
      tpu.vector_store %arg10[%swap3A_385], %broadcast_in_dim3A_384 {strides = array<i32>} : memref<16xf32, #tpu.memory_space<vmem>>, vector<16xf32>,
      %broadcast_in_dim3A_387 = vector.broadcast %reduce_min3A_383 : i32 to vector<16xi32>
      %swap3A_388 = arith.constant 0 : index
      %swap3A_389 = tpu.vector_load %arg11[%swap3A_388] {strides = array<i32>} : memref<16xi32, #tpu.memory_space<vmem>>, vector<16xi32>,
      tpu.vector_store %arg11[%swap3A_388], %broadcast_in_dim3A_387 {strides = array<i32>} : memref<16xi32, #tpu.memory_space<vmem>>, vector<16xi32>,
      "tpu.region"() ({
        %run_scoped3A_390 = tpu.sem_alloc : memref<!tpu.dma_semaphore, #tpu.memory_space<semaphore_mem>>
        %dma_start3A_391 = arith.constant 0 : i32
        %dma_start3A_392 = tpu.memref_slice %arg4[%arg0, %dma_start3A_391] : memref<2x16xf32, #tpu.memory_space<hbm>> -> memref<1x16xf32, #tpu.memory_space<hbm>>
        %dma_start3A_393 = tpu.memref_squeeze %dma_start3A_392 : memref<1x16xf32, #tpu.memory_space<hbm>> -> memref<16xf32, #tpu.memory_space<hbm>>
        %dma_start3A_394 = arith.constant 0 : i32
        %dma_start3A_395 = tpu.memref_slice %arg4[%arg0, %dma_start3A_394] : memref<2x16xf32, #tpu.memory_space<hbm>> -> memref<1x16xf32, #tpu.memory_space<hbm>>
        %dma_start3A_396 = tpu.memref_squeeze %dma_start3A_395 : memref<1x16xf32, #tpu.memory_space<hbm>> -> memref<16xf32, #tpu.memory_space<hbm>>
        tpu.enqueue_dma source(%arg10 : memref<16xf32, #tpu.memory_space<vmem>>) target(%dma_start3A_396 : memref<16xf32, #tpu.memory_space<hbm>>) target_semaphore(%run_scoped3A_390 : memref<!tpu.dma_semaphore, #tpu.memory_space<semaphore_mem>>)
        %dma_wait3A_397 = arith.constant 0 : i32
        %dma_wait3A_398 = tpu.memref_slice %arg4[%arg0, %dma_wait3A_397] : memref<2x16xf32, #tpu.memory_space<hbm>> -> memref<1x16xf32, #tpu.memory_space<hbm>>
        %dma_wait3A_399 = tpu.memref_squeeze %dma_wait3A_398 : memref<1x16xf32, #tpu.memory_space<hbm>> -> memref<16xf32, #tpu.memory_space<hbm>>
        %dma_wait3A_400 = arith.constant 0 : i32
        %dma_wait3A_401 = tpu.memref_slice %arg4[%arg0, %dma_wait3A_400] : memref<2x16xf32, #tpu.memory_space<hbm>> -> memref<1x16xf32, #tpu.memory_space<hbm>>
        %dma_wait3A_402 = tpu.memref_squeeze %dma_wait3A_401 : memref<1x16xf32, #tpu.memory_space<hbm>> -> memref<16xf32, #tpu.memory_space<hbm>>
        tpu.wait_dma2 semaphore(%run_scoped3A_390 : memref<!tpu.dma_semaphore, #tpu.memory_space<semaphore_mem>>) src(%arg10 : memref<16xf32, #tpu.memory_space<vmem>>) dst(%dma_wait3A_402 : memref<16xf32, #tpu.memory_space<hbm>>)
        tpu.yield
      }) : () -> ()
      "tpu.region"() ({
        %run_scoped3A_390 = tpu.sem_alloc : memref<!tpu.dma_semaphore, #tpu.memory_space<semaphore_mem>>
        %dma_start3A_391 = arith.constant 0 : i32
        %dma_start3A_392 = tpu.memref_slice %arg5[%arg0, %dma_start3A_391] : memref<2x16xi32, #tpu.memory_space<hbm>> -> memref<1x16xi32, #tpu.memory_space<hbm>>
        %dma_start3A_393 = tpu.memref_squeeze %dma_start3A_392 : memref<1x16xi32, #tpu.memory_space<hbm>> -> memref<16xi32, #tpu.memory_space<hbm>>
        %dma_start3A_394 = arith.constant 0 : i32
        %dma_start3A_395 = tpu.memref_slice %arg5[%arg0, %dma_start3A_394] : memref<2x16xi32, #tpu.memory_space<hbm>> -> memref<1x16xi32, #tpu.memory_space<hbm>>
        %dma_start3A_396 = tpu.memref_squeeze %dma_start3A_395 : memref<1x16xi32, #tpu.memory_space<hbm>> -> memref<16xi32, #tpu.memory_space<hbm>>
        tpu.enqueue_dma source(%arg11 : memref<16xi32, #tpu.memory_space<vmem>>) target(%dma_start3A_396 : memref<16xi32, #tpu.memory_space<hbm>>) target_semaphore(%run_scoped3A_390 : memref<!tpu.dma_semaphore, #tpu.memory_space<semaphore_mem>>)
        %dma_wait3A_397 = arith.constant 0 : i32
        %dma_wait3A_398 = tpu.memref_slice %arg5[%arg0, %dma_wait3A_397] : memref<2x16xi32, #tpu.memory_space<hbm>> -> memref<1x16xi32, #tpu.memory_space<hbm>>
        %dma_wait3A_399 = tpu.memref_squeeze %dma_wait3A_398 : memref<1x16xi32, #tpu.memory_space<hbm>> -> memref<16xi32, #tpu.memory_space<hbm>>
        %dma_wait3A_400 = arith.constant 0 : i32
        %dma_wait3A_401 = tpu.memref_slice %arg5[%arg0, %dma_wait3A_400] : memref<2x16xi32, #tpu.memory_space<hbm>> -> memref<1x16xi32, #tpu.memory_space<hbm>>
        %dma_wait3A_402 = tpu.memref_squeeze %dma_wait3A_401 : memref<1x16xi32, #tpu.memory_space<hbm>> -> memref<16xi32, #tpu.memory_space<hbm>>
        tpu.wait_dma2 semaphore(%run_scoped3A_390 : memref<!tpu.dma_semaphore, #tpu.memory_space<semaphore_mem>>) src(%arg11 : memref<16xi32, #tpu.memory_space<vmem>>) dst(%dma_wait3A_402 : memref<16xi32, #tpu.memory_space<hbm>>)
        tpu.yield
      }) : () -> ()
    } else {
    }
    return
  }
}

module attributes {stable_mosaic.version = 14 : i64} {
  func.func @_tc_scan1_body(%arg0: i32, %arg1: memref<10000x128xf32, #tpu.memory_space<vmem>>, %arg2: memref<1x128xf32, #tpu.memory_space<vmem>>, %arg3: memref<1x1xi32, #tpu.memory_space<smem>>, %arg4: memref<1xf32, #tpu.memory_space<smem>>, %arg5: memref<1xi32, #tpu.memory_space<smem>>) attributes {dimension_semantics = [#tpu.dimension_semantics<arbitrary>], iteration_bounds = array<i64: 10>, scalar_prefetch = 0 : i64, scratch_operands = 2 : i64, tpu.core_type = #tpu.core_type<tc>, window_params = [{transform_indices = @transform_0, window_bounds = array<i64: 10000, 128>}, {pipeline_mode = #tpu.pipeline_mode<synchronous>, transform_indices = @transform_1, window_bounds = array<i64: 1, 128>}, {transform_indices = @transform_2, window_bounds = array<i64: 1, 1>}]} {
    %eq3A = arith.constant 0 : i32
    %eq3A_0 = arith.cmpi eq, %arg0, %eq3A : i32
    %convert_element_type3A = arith.extui %eq3A_0 : i1 to i32
    %cond3A = arith.constant 0 : i32
    %cond3A_1 = arith.cmpi ne, %convert_element_type3A, %cond3A : i32
    scf.if %cond3A_1 {
      %swap3A = arith.constant 3.000000e+38 : f32
      %swap3A_28 = arith.constant 0 : index
      %swap3A_29 = memref.load %arg4[%swap3A_28] : memref<1xf32, #tpu.memory_space<smem>>
      memref.store %swap3A, %arg4[%swap3A_28] : memref<1xf32, #tpu.memory_space<smem>>
      %swap3A_30 = arith.constant 0 : i32
      %swap3A_31 = arith.constant 0 : index
      %swap3A_32 = memref.load %arg5[%swap3A_31] : memref<1xi32, #tpu.memory_space<smem>>
      memref.store %swap3A_30, %arg5[%swap3A_31] : memref<1xi32, #tpu.memory_space<smem>>
    } else {
    }
    %get3A = arith.constant 0 : index
    %get3A_2 = arith.constant 0 : index
    %get3A_3 = vector.load %arg1[%get3A, %get3A_2] : memref<10000x128xf32, #tpu.memory_space<vmem>>, vector<10000x128xf32>
    %broadcast_in_dim3A = arith.constant 1.000000e+00 : f32
    %broadcast_in_dim3A_4 = vector.broadcast %broadcast_in_dim3A : f32 to vector<1x128xf32>
    %mul3A = arith.mulf %get3A_3, %get3A_3 : vector<10000x128xf32>
    %dot_general3A = arith.constant dense<0.000000e+00> : vector<1x10000xf32>
    %dot_general3A_5 = tpu.matmul %broadcast_in_dim3A_4, %mul3A, %dot_general3A {dimension_numbers = #tpu.dot_dimension_numbers<[1], [1], [0], [0], [0, 0, 1, 0], [], []>, transpose_lhs_hint = false} : vector<1x128xf32>, vector<10000x128xf32>, vector<1x10000xf32> -> vector<1x10000xf32>
    %get3A_6 = arith.constant 0 : index
    %get3A_7 = arith.constant 0 : index
    %get3A_8 = vector.load %arg2[%get3A_6, %get3A_7] : memref<1x128xf32, #tpu.memory_space<vmem>>, vector<1x128xf32>
    %dot_general3A_9 = arith.constant dense<0.000000e+00> : vector<1x10000xf32>
    %dot_general3A_10 = tpu.matmul %get3A_8, %get3A_3, %dot_general3A_9 {dimension_numbers = #tpu.dot_dimension_numbers<[1], [1], [0], [0], [0, 0, 1, 0], [], []>, transpose_lhs_hint = false} : vector<1x128xf32>, vector<10000x128xf32>, vector<1x10000xf32> -> vector<1x10000xf32>
    %mul3A_11 = arith.constant 2.000000e+00 : f32
    %mul3A_12 = vector.broadcast %mul3A_11 : f32 to vector<1x10000xf32>
    %mul3A_13 = arith.mulf %mul3A_12, %dot_general3A_10 : vector<1x10000xf32>
    %sub3A = arith.subf %dot_general3A_5, %mul3A_13 : vector<1x10000xf32>
    %reduce_min3A = vector.shape_cast %sub3A : vector<1x10000xf32> to vector<1x1x10000xf32>
    %reduce_min3A_14 = arith.constant dense<0x7F800000> : vector<1xf32>
    %reduce_min3A_15 = vector.multi_reduction <minimumf>, %reduce_min3A, %reduce_min3A_14 [1, 2] : vector<1x1x10000xf32> to vector<1xf32>
    %reduce_min3A_16 = vector.shape_cast %reduce_min3A_15 : vector<1xf32> to vector<1x1x1xf32>
    %reduce_min3A_17 = vector.extract %reduce_min3A_16[0, 0, 0] : f32 from vector<1x1x1xf32>
    %get3A_18 = arith.constant 0 : index
    %get3A_19 = memref.load %arg4[%get3A_18] : memref<1xf32, #tpu.memory_space<smem>>
    %lt3A = arith.cmpf olt, %reduce_min3A_17, %get3A_19 : f32
    %convert_element_type3A_20 = arith.extui %lt3A : i1 to i32
    %cond3A_21 = arith.constant 0 : i32
    %cond3A_22 = arith.cmpi ne, %convert_element_type3A_20, %cond3A_21 : i32
    scf.if %cond3A_22 {
      %iota3A = tpu.iota {dimensions = array<i32: 1>} : vector<1x10000xi32>
      %eq3A_28 = vector.broadcast %reduce_min3A_17 : f32 to vector<1x10000xf32>
      %eq3A_29 = arith.cmpf oeq, %sub3A, %eq3A_28 : vector<1x10000xf32>
      %jit3A = arith.constant 2147483647 : i32
      %broadcast_in_dim3A_30 = vector.broadcast %jit3A : i32 to vector<1x10000xi32>
      %select_n3A = arith.select %eq3A_29, %iota3A, %broadcast_in_dim3A_30 : vector<1x10000xi1>, vector<1x10000xi32>
      %reduce_min3A_31 = vector.shape_cast %select_n3A : vector<1x10000xi32> to vector<1x1x10000xi32>
      %reduce_min3A_32 = arith.constant dense<2147483647> : vector<1xi32>
      %reduce_min3A_33 = vector.multi_reduction <minsi>, %reduce_min3A_31, %reduce_min3A_32 [1, 2] : vector<1x1x10000xi32> to vector<1xi32>
      %reduce_min3A_34 = vector.shape_cast %reduce_min3A_33 : vector<1xi32> to vector<1x1x1xi32>
      %reduce_min3A_35 = vector.extract %reduce_min3A_34[0, 0, 0] : i32 from vector<1x1x1xi32>
      %swap3A = arith.constant 0 : index
      %swap3A_36 = memref.load %arg4[%swap3A] : memref<1xf32, #tpu.memory_space<smem>>
      memref.store %reduce_min3A_17, %arg4[%swap3A] : memref<1xf32, #tpu.memory_space<smem>>
      %mul3A_37 = arith.constant 10000 : i32
      %mul3A_38 = arith.muli %arg0, %mul3A_37 : i32
      %add3A = arith.addi %mul3A_38, %reduce_min3A_35 : i32
      %swap3A_39 = arith.constant 0 : index
      %swap3A_40 = memref.load %arg5[%swap3A_39] : memref<1xi32, #tpu.memory_space<smem>>
      memref.store %add3A, %arg5[%swap3A_39] : memref<1xi32, #tpu.memory_space<smem>>
    } else {
    }
    %eq3A_23 = arith.constant 9 : i32
    %eq3A_24 = arith.cmpi eq, %arg0, %eq3A_23 : i32
    %convert_element_type3A_25 = arith.extui %eq3A_24 : i1 to i32
    %cond3A_26 = arith.constant 0 : i32
    %cond3A_27 = arith.cmpi ne, %convert_element_type3A_25, %cond3A_26 : i32
    scf.if %cond3A_27 {
      %get3A_28 = arith.constant 0 : index
      %get3A_29 = memref.load %arg5[%get3A_28] : memref<1xi32, #tpu.memory_space<smem>>
      %swap3A = arith.constant 0 : index
      %swap3A_30 = arith.constant 0 : index
      %swap3A_31 = memref.load %arg3[%swap3A, %swap3A_30] : memref<1x1xi32, #tpu.memory_space<smem>>
      memref.store %get3A_29, %arg3[%swap3A, %swap3A_30] : memref<1x1xi32, #tpu.memory_space<smem>>
    } else {
    }
    return
  }
  func.func @transform_0(%arg0: i32) -> (i32, i32) {
    %c0_i32 = arith.constant 0 : i32
    %c0_i32_0 = arith.constant 0 : i32
    return %arg0, %c0_i32 : i32, i32
  }
  func.func @transform_1(%arg0: i32) -> (i32, i32) {
    %c0_i32 = arith.constant 0 : i32
    %c0_i32_0 = arith.constant 0 : i32
    %c0_i32_1 = arith.constant 0 : i32
    return %c0_i32, %c0_i32_0 : i32, i32
  }
  func.func @transform_2(%arg0: i32) -> (i32, i32) {
    %c0_i32 = arith.constant 0 : i32
    %c0_i32_0 = arith.constant 0 : i32
    %c0_i32_1 = arith.constant 0 : i32
    return %c0_i32, %c0_i32_0 : i32, i32
  }
}

module attributes {stable_mosaic.version = 14 : i64} {
  func.func @_dense_body(%arg0: i32, %arg1: memref<4xi32, #tpu.memory_space<smem>>, %arg2: memref<8x128xf32, #tpu.memory_space<vmem>>, %arg3: memref<64x128xf32, #tpu.memory_space<vmem>>, %arg4: memref<1x9xf32, #tpu.memory_space<vmem>>, %arg5: memref<1x6xf32, #tpu.memory_space<vmem>>, %arg6: memref<1x1xf32, #tpu.memory_space<vmem>>, %arg7: memref<1x128xf32, #tpu.memory_space<vmem>>, %arg8: memref<1x128xf32, #tpu.memory_space<vmem>>, %arg9: memref<1x64xf32, #tpu.memory_space<vmem>>, %arg10: memref<1x64xf32, #tpu.memory_space<vmem>>, %arg11: memref<9x64xf32, #tpu.memory_space<vmem>>, %arg12: memref<1x64xf32, #tpu.memory_space<vmem>>, %arg13: memref<64x128xf32, #tpu.memory_space<vmem>>, %arg14: memref<1x128xf32, #tpu.memory_space<vmem>>, %arg15: memref<129x640xf32, #tpu.memory_space<vmem>>, %arg16: memref<640x128xf32, #tpu.memory_space<vmem>>, %arg17: memref<1x640xf32, #tpu.memory_space<vmem>>, %arg18: memref<1x640xf32, #tpu.memory_space<vmem>>, %arg19: memref<262x320xf32, #tpu.memory_space<vmem>>, %arg20: memref<64x320xf32, #tpu.memory_space<vmem>>, %arg21: memref<1x320xf32, #tpu.memory_space<vmem>>, %arg22: memref<1x320xf32, #tpu.memory_space<vmem>>, %arg23: memref<6x64xf32, #tpu.memory_space<vmem>>, %arg24: memref<1x6xf32, #tpu.memory_space<vmem>>, %arg25: memref<1x64xf32, #tpu.memory_space<vmem>>, %arg26: memref<1x1xf32, #tpu.memory_space<vmem>>, %arg27: memref<1x1x6xf32, #tpu.memory_space<vmem>>, %arg28: memref<1x1x1xf32, #tpu.memory_space<vmem>>, %arg29: memref<1x1x128xf32, #tpu.memory_space<vmem>>, %arg30: memref<1x1x128xf32, #tpu.memory_space<vmem>>, %arg31: memref<1x1x64xf32, #tpu.memory_space<vmem>>, %arg32: memref<1x1x64xf32, #tpu.memory_space<vmem>>) attributes {dimension_semantics = [#tpu.dimension_semantics<arbitrary>], iteration_bounds = array<i64: 1>, scalar_prefetch = 1 : i64, scratch_operands = 0 : i64, tpu.core_type = #tpu.core_type<tc>, window_params = [{transform_indices = @transform_0, window_bounds = array<i64: 8, 128>}, {transform_indices = @transform_1, window_bounds = array<i64: 64, 128>}, {pipeline_mode = #tpu.pipeline_mode<synchronous>, transform_indices = @transform_2, window_bounds = array<i64: 1, 9>}, {pipeline_mode = #tpu.pipeline_mode<synchronous>, transform_indices = @transform_3, window_bounds = array<i64: 1, 6>}, {pipeline_mode = #tpu.pipeline_mode<synchronous>, transform_indices = @transform_4, window_bounds = array<i64: 1, 1>}, {pipeline_mode = #tpu.pipeline_mode<synchronous>, transform_indices = @transform_5, window_bounds = array<i64: 1, 128>}, {pipeline_mode = #tpu.pipeline_mode<synchronous>, transform_indices = @transform_6, window_bounds = array<i64: 1, 128>}, {pipeline_mode = #tpu.pipeline_mode<synchronous>, transform_indices = @transform_7, window_bounds = array<i64: 1, 64>}, {pipeline_mode = #tpu.pipeline_mode<synchronous>, transform_indices = @transform_8, window_bounds = array<i64: 1, 64>}, {pipeline_mode = #tpu.pipeline_mode<synchronous>, transform_indices = @transform_9, window_bounds = array<i64: 9, 64>}, {pipeline_mode = #tpu.pipeline_mode<synchronous>, transform_indices = @transform_10, window_bounds = array<i64: 1, 64>}, {pipeline_mode = #tpu.pipeline_mode<synchronous>, transform_indices = @transform_11, window_bounds = array<i64: 64, 128>}, {pipeline_mode = #tpu.pipeline_mode<synchronous>, transform_indices = @transform_12, window_bounds = array<i64: 1, 128>}, {pipeline_mode = #tpu.pipeline_mode<synchronous>, transform_indices = @transform_13, window_bounds = array<i64: 129, 640>}, {pipeline_mode = #tpu.pipeline_mode<synchronous>, transform_indices = @transform_14, window_bounds = array<i64: 640, 128>}, {pipeline_mode = #tpu.pipeline_mode<synchronous>, transform_indices = @transform_15, window_bounds = array<i64: 1, 640>}, {pipeline_mode = #tpu.pipeline_mode<synchronous>, transform_indices = @transform_16, window_bounds = array<i64: 1, 640>}, {pipeline_mode = #tpu.pipeline_mode<synchronous>, transform_indices = @transform_17, window_bounds = array<i64: 262, 320>}, {pipeline_mode = #tpu.pipeline_mode<synchronous>, transform_indices = @transform_18, window_bounds = array<i64: 64, 320>}, {pipeline_mode = #tpu.pipeline_mode<synchronous>, transform_indices = @transform_19, window_bounds = array<i64: 1, 320>}, {pipeline_mode = #tpu.pipeline_mode<synchronous>, transform_indices = @transform_20, window_bounds = array<i64: 1, 320>}, {pipeline_mode = #tpu.pipeline_mode<synchronous>, transform_indices = @transform_21, window_bounds = array<i64: 6, 64>}, {pipeline_mode = #tpu.pipeline_mode<synchronous>, transform_indices = @transform_22, window_bounds = array<i64: 1, 6>}, {pipeline_mode = #tpu.pipeline_mode<synchronous>, transform_indices = @transform_23, window_bounds = array<i64: 1, 64>}, {pipeline_mode = #tpu.pipeline_mode<synchronous>, transform_indices = @transform_24, window_bounds = array<i64: 1, 1>}, {pipeline_mode = #tpu.pipeline_mode<synchronous>, transform_indices = @transform_25, window_bounds = array<i64: 1, 1, 6>}, {pipeline_mode = #tpu.pipeline_mode<synchronous>, transform_indices = @transform_26, window_bounds = array<i64: 1, 1, 1>}, {pipeline_mode = #tpu.pipeline_mode<synchronous>, transform_indices = @transform_27, window_bounds = array<i64: 1, 1, 128>}, {pipeline_mode = #tpu.pipeline_mode<synchronous>, transform_indices = @transform_28, window_bounds = array<i64: 1, 1, 128>}, {pipeline_mode = #tpu.pipeline_mode<synchronous>, transform_indices = @transform_29, window_bounds = array<i64: 1, 1, 64>}, {pipeline_mode = #tpu.pipeline_mode<synchronous>, transform_indices = @transform_30, window_bounds = array<i64: 1, 1, 64>}]} {
    %iota3A = tpu.iota {dimensions = array<i32: 0>} : vector<8x128xi32>
    %get3A = arith.constant 1 : index
    %get3A_0 = memref.load %arg1[%get3A] : memref<4xi32, #tpu.memory_space<smem>>
    %eq3A = vector.broadcast %get3A_0 : i32 to vector<8x128xi32>
    %eq3A_1 = arith.cmpi eq, %iota3A, %eq3A : vector<8x128xi32>
    %get3A_2 = arith.constant 0 : index
    %get3A_3 = arith.constant 0 : index
    %get3A_4 = vector.load %arg2[%get3A_2, %get3A_3] : memref<8x128xf32, #tpu.memory_space<vmem>>, vector<8x128xf32>
    %jit3A = arith.constant 0.000000e+00 : f32
    %broadcast_in_dim3A = vector.broadcast %jit3A : f32 to vector<8x128xf32>
    %select_n3A = arith.select %eq3A_1, %get3A_4, %broadcast_in_dim3A : vector<8x128xi1>, vector<8x128xf32>
    %reduce_sum3A = arith.constant dense<0.000000e+00> : vector<128xf32>
    %reduce_sum3A_5 = vector.multi_reduction <add>, %select_n3A, %reduce_sum3A [0] : vector<8x128xf32> to vector<128xf32>
    %broadcast_in_dim3A_6 = vector.shape_cast %reduce_sum3A_5 : vector<128xf32> to vector<1x128xf32>
    %get3A_7 = arith.constant 0 : index
    %get3A_8 = arith.constant 0 : index
    %get3A_9 = vector.load %arg3[%get3A_7, %get3A_8] : memref<64x128xf32, #tpu.memory_space<vmem>>, vector<64x128xf32>
    %transpose3A = tpu.transpose %get3A_9, [1, 0] : vector<64x128xf32> -> vector<128x64xf32>
    %iota3A_10 = tpu.iota {dimensions = array<i32: 0>} : vector<128x64xi32>
    %get3A_11 = arith.constant 3 : index
    %get3A_12 = memref.load %arg1[%get3A_11] : memref<4xi32, #tpu.memory_space<smem>>
    %eq3A_13 = vector.broadcast %get3A_12 : i32 to vector<128x64xi32>
    %eq3A_14 = arith.cmpi eq, %iota3A_10, %eq3A_13 : vector<128x64xi32>
    %jit3A_15 = arith.constant 0.000000e+00 : f32
    %broadcast_in_dim3A_16 = vector.broadcast %jit3A_15 : f32 to vector<128x64xf32>
    %select_n3A_17 = arith.select %eq3A_14, %transpose3A, %broadcast_in_dim3A_16 : vector<128x64xi1>, vector<128x64xf32>
    %reduce_sum3A_18 = arith.constant dense<0.000000e+00> : vector<64xf32>
    %reduce_sum3A_19 = vector.multi_reduction <add>, %select_n3A_17, %reduce_sum3A_18 [0] : vector<128x64xf32> to vector<64xf32>
    %broadcast_in_dim3A_20 = vector.shape_cast %reduce_sum3A_19 : vector<64xf32> to vector<1x64xf32>
    %get3A_21 = arith.constant 0 : index
    %get3A_22 = arith.constant 0 : index
    %get3A_23 = vector.load %arg4[%get3A_21, %get3A_22] : memref<1x9xf32, #tpu.memory_space<vmem>>, vector<1x9xf32>
    %get3A_24 = arith.constant 0 : index
    %get3A_25 = arith.constant 0 : index
    %get3A_26 = vector.load %arg11[%get3A_24, %get3A_25] : memref<9x64xf32, #tpu.memory_space<vmem>>, vector<9x64xf32>
    %dot_general3A = arith.constant dense<0.000000e+00> : vector<1x64xf32>
    %dot_general3A_27 = tpu.matmul %get3A_23, %get3A_26, %dot_general3A {dimension_numbers = #tpu.dot_dimension_numbers<[1], [0], [0], [1], [0, 0, 1, 1], [], []>, transpose_lhs_hint = false} : vector<1x9xf32>, vector<9x64xf32>, vector<1x64xf32> -> vector<1x64xf32>
    %get3A_28 = arith.constant 0 : index
    %get3A_29 = arith.constant 0 : index
    %get3A_30 = vector.load %arg12[%get3A_28, %get3A_29] : memref<1x64xf32, #tpu.memory_space<vmem>>, vector<1x64xf32>
    %add3A = arith.addf %dot_general3A_27, %get3A_30 : vector<1x64xf32>
    %max3A = arith.constant 0.000000e+00 : f32
    %max3A_31 = vector.broadcast %max3A : f32 to vector<1x64xf32>
    %max3A_32 = arith.maximumf %add3A, %max3A_31 : vector<1x64xf32>
    %get3A_33 = arith.constant 0 : index
    %get3A_34 = arith.constant 0 : index
    %get3A_35 = vector.load %arg13[%get3A_33, %get3A_34] : memref<64x128xf32, #tpu.memory_space<vmem>>, vector<64x128xf32>
    %dot_general3A_36 = arith.constant dense<0.000000e+00> : vector<1x128xf32>
    %dot_general3A_37 = tpu.matmul %max3A_32, %get3A_35, %dot_general3A_36 {dimension_numbers = #tpu.dot_dimension_numbers<[1], [0], [0], [1], [0, 0, 1, 1], [], []>, transpose_lhs_hint = false} : vector<1x64xf32>, vector<64x128xf32>, vector<1x128xf32> -> vector<1x128xf32>
    %get3A_38 = arith.constant 0 : index
    %get3A_39 = arith.constant 0 : index
    %get3A_40 = vector.load %arg14[%get3A_38, %get3A_39] : memref<1x128xf32, #tpu.memory_space<vmem>>, vector<1x128xf32>
    %add3A_41 = arith.addf %dot_general3A_37, %get3A_40 : vector<1x128xf32>
    %max3A_42 = arith.constant 0.000000e+00 : f32
    %max3A_43 = vector.broadcast %max3A_42 : f32 to vector<1x128xf32>
    %max3A_44 = arith.maximumf %add3A_41, %max3A_43 : vector<1x128xf32>
    %get3A_45 = arith.constant 0 : index
    %get3A_46 = arith.constant 0 : index
    %get3A_47 = vector.load %arg15[%get3A_45, %get3A_46] : memref<129x640xf32, #tpu.memory_space<vmem>>, vector<129x640xf32>
    %get3A_48 = arith.constant 0 : index
    %get3A_49 = arith.constant 0 : index
    %get3A_50 = vector.load %arg7[%get3A_48, %get3A_49] : memref<1x128xf32, #tpu.memory_space<vmem>>, vector<1x128xf32>
    %get3A_51 = arith.constant 0 : index
    %get3A_52 = arith.constant 0 : index
    %get3A_53 = vector.load %arg8[%get3A_51, %get3A_52] : memref<1x128xf32, #tpu.memory_space<vmem>>, vector<1x128xf32>
    %slice3A = vector.extract_strided_slice %get3A_47 {offsets = [0, 0], sizes = [128, 640], strides = [1, 1]} : vector<129x640xf32> to vector<128x640xf32>
    %dot_general3A_54 = arith.constant dense<0.000000e+00> : vector<1x640xf32>
    %dot_general3A_55 = tpu.matmul %max3A_44, %slice3A, %dot_general3A_54 {dimension_numbers = #tpu.dot_dimension_numbers<[1], [0], [0], [1], [0, 0, 1, 1], [], []>, transpose_lhs_hint = false} : vector<1x128xf32>, vector<128x640xf32>, vector<1x640xf32> -> vector<1x640xf32>
    %get3A_56 = arith.constant 0 : index
    %get3A_57 = arith.constant 0 : index
    %get3A_58 = vector.load %arg6[%get3A_56, %get3A_57] : memref<1x1xf32, #tpu.memory_space<vmem>>, vector<1x1xf32>
    %slice3A_59 = vector.extract_strided_slice %get3A_47 {offsets = [128, 0], sizes = [1, 640], strides = [1, 1]} : vector<129x640xf32> to vector<1x640xf32>
    %dot_general3A_60 = arith.constant dense<0.000000e+00> : vector<1x640xf32>
    %dot_general3A_61 = tpu.matmul %get3A_58, %slice3A_59, %dot_general3A_60 {dimension_numbers = #tpu.dot_dimension_numbers<[1], [0], [0], [1], [0, 0, 1, 1], [], []>, transpose_lhs_hint = false} : vector<1x1xf32>, vector<1x640xf32>, vector<1x640xf32> -> vector<1x640xf32>
    %add3A_62 = arith.addf %dot_general3A_55, %dot_general3A_61 : vector<1x640xf32>
    %get3A_63 = arith.constant 0 : index
    %get3A_64 = arith.constant 0 : index
    %get3A_65 = vector.load %arg16[%get3A_63, %get3A_64] : memref<640x128xf32, #tpu.memory_space<vmem>>, vector<640x128xf32>
    %dot_general3A_66 = arith.constant dense<0.000000e+00> : vector<1x640xf32>
    %dot_general3A_67 = tpu.matmul %get3A_50, %get3A_65, %dot_general3A_66 {dimension_numbers = #tpu.dot_dimension_numbers<[1], [1], [0], [0], [0, 0, 1, 0], [], []>, transpose_lhs_hint = false} : vector<1x128xf32>, vector<640x128xf32>, vector<1x640xf32> -> vector<1x640xf32>
    %add3A_68 = arith.addf %add3A_62, %dot_general3A_67 : vector<1x640xf32>
    %get3A_69 = arith.constant 0 : index
    %get3A_70 = arith.constant 0 : index
    %get3A_71 = vector.load %arg17[%get3A_69, %get3A_70] : memref<1x640xf32, #tpu.memory_space<vmem>>, vector<1x640xf32>
    %add3A_72 = arith.addf %add3A_68, %get3A_71 : vector<1x640xf32>
    %get3A_73 = arith.constant 0 : index
    %get3A_74 = arith.constant 0 : index
    %get3A_75 = vector.load %arg18[%get3A_73, %get3A_74] : memref<1x640xf32, #tpu.memory_space<vmem>>, vector<1x640xf32>
    %add3A_76 = arith.addf %add3A_72, %get3A_75 : vector<1x640xf32>
    %slice3A_77 = vector.extract_strided_slice %add3A_76 {offsets = [0, 0], sizes = [1, 128], strides = [1, 1]} : vector<1x640xf32> to vector<1x128xf32>
    %slice3A_78 = vector.extract_strided_slice %add3A_76 {offsets = [0, 128], sizes = [1, 128], strides = [1, 1]} : vector<1x640xf32> to vector<1x128xf32>
    %slice3A_79 = vector.extract_strided_slice %add3A_76 {offsets = [0, 256], sizes = [1, 128], strides = [1, 1]} : vector<1x640xf32> to vector<1x128xf32>
    %slice3A_80 = vector.extract_strided_slice %add3A_76 {offsets = [0, 384], sizes = [1, 128], strides = [1, 1]} : vector<1x640xf32> to vector<1x128xf32>
    %slice3A_81 = vector.extract_strided_slice %add3A_76 {offsets = [0, 512], sizes = [1, 128], strides = [1, 1]} : vector<1x640xf32> to vector<1x128xf32>
    %neg3A = arith.constant 0.000000e+00 : f32
    %neg3A_82 = vector.broadcast %neg3A : f32 to vector<1x128xf32>
    %neg3A_83 = arith.subf %neg3A_82, %slice3A_78 : vector<1x128xf32>
    %exp3A = math.exp %neg3A_83 : vector<1x128xf32>
    %add3A_84 = arith.constant 1.000000e+00 : f32
    %add3A_85 = vector.broadcast %add3A_84 : f32 to vector<1x128xf32>
    %add3A_86 = arith.addf %add3A_85, %exp3A : vector<1x128xf32>
    %div3A = arith.constant 1.000000e+00 : f32
    %div3A_87 = vector.broadcast %div3A : f32 to vector<1x128xf32>
    %div3A_88 = arith.divf %div3A_87, %add3A_86 : vector<1x128xf32>
    %mul3A = arith.mulf %div3A_88, %get3A_53 : vector<1x128xf32>
    %neg3A_89 = arith.constant 0.000000e+00 : f32
    %neg3A_90 = vector.broadcast %neg3A_89 : f32 to vector<1x128xf32>
    %neg3A_91 = arith.subf %neg3A_90, %slice3A_77 : vector<1x128xf32>
    %exp3A_92 = math.exp %neg3A_91 : vector<1x128xf32>
    %add3A_93 = arith.constant 1.000000e+00 : f32
    %add3A_94 = vector.broadcast %add3A_93 : f32 to vector<1x128xf32>
    %add3A_95 = arith.addf %add3A_94, %exp3A_92 : vector<1x128xf32>
    %div3A_96 = arith.constant 1.000000e+00 : f32
    %div3A_97 = vector.broadcast %div3A_96 : f32 to vector<1x128xf32>
    %div3A_98 = arith.divf %div3A_97, %add3A_95 : vector<1x128xf32>
    %tanh3A = math.tanh %slice3A_79 : vector<1x128xf32>
    %mul3A_99 = arith.mulf %div3A_98, %tanh3A : vector<1x128xf32>
    %add3A_100 = arith.addf %mul3A, %mul3A_99 : vector<1x128xf32>
    %neg3A_101 = arith.constant 0.000000e+00 : f32
    %neg3A_102 = vector.broadcast %neg3A_101 : f32 to vector<1x128xf32>
    %neg3A_103 = arith.subf %neg3A_102, %slice3A_81 : vector<1x128xf32>
    %exp3A_104 = math.exp %neg3A_103 : vector<1x128xf32>
    %add3A_105 = arith.constant 1.000000e+00 : f32
    %add3A_106 = vector.broadcast %add3A_105 : f32 to vector<1x128xf32>
    %add3A_107 = arith.addf %add3A_106, %exp3A_104 : vector<1x128xf32>
    %div3A_108 = arith.constant 1.000000e+00 : f32
    %div3A_109 = vector.broadcast %div3A_108 : f32 to vector<1x128xf32>
    %div3A_110 = arith.divf %div3A_109, %add3A_107 : vector<1x128xf32>
    %mul3A_111 = arith.mulf %div3A_110, %broadcast_in_dim3A_6 : vector<1x128xf32>
    %add3A_112 = arith.addf %add3A_100, %mul3A_111 : vector<1x128xf32>
    %neg3A_113 = arith.constant 0.000000e+00 : f32
    %neg3A_114 = vector.broadcast %neg3A_113 : f32 to vector<1x128xf32>
    %neg3A_115 = arith.subf %neg3A_114, %slice3A_80 : vector<1x128xf32>
    %exp3A_116 = math.exp %neg3A_115 : vector<1x128xf32>
    %add3A_117 = arith.constant 1.000000e+00 : f32
    %add3A_118 = vector.broadcast %add3A_117 : f32 to vector<1x128xf32>
    %add3A_119 = arith.addf %add3A_118, %exp3A_116 : vector<1x128xf32>
    %div3A_120 = arith.constant 1.000000e+00 : f32
    %div3A_121 = vector.broadcast %div3A_120 : f32 to vector<1x128xf32>
    %div3A_122 = arith.divf %div3A_121, %add3A_119 : vector<1x128xf32>
    %tanh3A_123 = math.tanh %add3A_112 : vector<1x128xf32>
    %mul3A_124 = arith.mulf %div3A_122, %tanh3A_123 : vector<1x128xf32>
    %get3A_125 = arith.constant 0 : index
    %get3A_126 = arith.constant 0 : index
    %get3A_127 = vector.load %arg19[%get3A_125, %get3A_126] : memref<262x320xf32, #tpu.memory_space<vmem>>, vector<262x320xf32>
    %get3A_128 = arith.constant 0 : index
    %get3A_129 = arith.constant 0 : index
    %get3A_130 = vector.load %arg9[%get3A_128, %get3A_129] : memref<1x64xf32, #tpu.memory_space<vmem>>, vector<1x64xf32>
    %get3A_131 = arith.constant 0 : index
    %get3A_132 = arith.constant 0 : index
    %get3A_133 = vector.load %arg10[%get3A_131, %get3A_132] : memref<1x64xf32, #tpu.memory_space<vmem>>, vector<1x64xf32>
    %slice3A_134 = vector.extract_strided_slice %get3A_127 {offsets = [0, 0], sizes = [128, 320], strides = [1, 1]} : vector<262x320xf32> to vector<128x320xf32>
    %dot_general3A_135 = arith.constant dense<0.000000e+00> : vector<1x320xf32>
    %dot_general3A_136 = tpu.matmul %mul3A_124, %slice3A_134, %dot_general3A_135 {dimension_numbers = #tpu.dot_dimension_numbers<[1], [0], [0], [1], [0, 0, 1, 1], [], []>, transpose_lhs_hint = false} : vector<1x128xf32>, vector<128x320xf32>, vector<1x320xf32> -> vector<1x320xf32>
    %slice3A_137 = vector.extract_strided_slice %get3A_127 {offsets = [128, 0], sizes = [128, 320], strides = [1, 1]} : vector<262x320xf32> to vector<128x320xf32>
    %dot_general3A_138 = arith.constant dense<0.000000e+00> : vector<1x320xf32>
    %dot_general3A_139 = tpu.matmul %max3A_44, %slice3A_137, %dot_general3A_138 {dimension_numbers = #tpu.dot_dimension_numbers<[1], [0], [0], [1], [0, 0, 1, 1], [], []>, transpose_lhs_hint = false} : vector<1x128xf32>, vector<128x320xf32>, vector<1x320xf32> -> vector<1x320xf32>
    %add3A_140 = arith.addf %dot_general3A_136, %dot_general3A_139 : vector<1x320xf32>
    %get3A_141 = arith.constant 0 : index
    %get3A_142 = arith.constant 0 : index
    %get3A_143 = vector.load %arg5[%get3A_141, %get3A_142] : memref<1x6xf32, #tpu.memory_space<vmem>>, vector<1x6xf32>
    %slice3A_144 = vector.extract_strided_slice %get3A_127 {offsets = [256, 0], sizes = [6, 320], strides = [1, 1]} : vector<262x320xf32> to vector<6x320xf32>
    %dot_general3A_145 = arith.constant dense<0.000000e+00> : vector<1x320xf32>
    %dot_general3A_146 = tpu.matmul %get3A_143, %slice3A_144, %dot_general3A_145 {dimension_numbers = #tpu.dot_dimension_numbers<[1], [0], [0], [1], [0, 0, 1, 1], [], []>, transpose_lhs_hint = false} : vector<1x6xf32>, vector<6x320xf32>, vector<1x320xf32> -> vector<1x320xf32>
    %add3A_147 = arith.addf %add3A_140, %dot_general3A_146 : vector<1x320xf32>
    %get3A_148 = arith.constant 0 : index
    %get3A_149 = arith.constant 0 : index
    %get3A_150 = vector.load %arg20[%get3A_148, %get3A_149] : memref<64x320xf32, #tpu.memory_space<vmem>>, vector<64x320xf32>
    %dot_general3A_151 = arith.constant dense<0.000000e+00> : vector<1x320xf32>
    %dot_general3A_152 = tpu.matmul %get3A_130, %get3A_150, %dot_general3A_151 {dimension_numbers = #tpu.dot_dimension_numbers<[1], [0], [0], [1], [0, 0, 1, 1], [], []>, transpose_lhs_hint = false} : vector<1x64xf32>, vector<64x320xf32>, vector<1x320xf32> -> vector<1x320xf32>
    %add3A_153 = arith.addf %add3A_147, %dot_general3A_152 : vector<1x320xf32>
    %get3A_154 = arith.constant 0 : index
    %get3A_155 = arith.constant 0 : index
    %get3A_156 = vector.load %arg21[%get3A_154, %get3A_155] : memref<1x320xf32, #tpu.memory_space<vmem>>, vector<1x320xf32>
    %add3A_157 = arith.addf %add3A_153, %get3A_156 : vector<1x320xf32>
    %get3A_158 = arith.constant 0 : index
    %get3A_159 = arith.constant 0 : index
    %get3A_160 = vector.load %arg22[%get3A_158, %get3A_159] : memref<1x320xf32, #tpu.memory_space<vmem>>, vector<1x320xf32>
    %add3A_161 = arith.addf %add3A_157, %get3A_160 : vector<1x320xf32>
    %slice3A_162 = vector.extract_strided_slice %add3A_161 {offsets = [0, 0], sizes = [1, 64], strides = [1, 1]} : vector<1x320xf32> to vector<1x64xf32>
    %slice3A_163 = vector.extract_strided_slice %add3A_161 {offsets = [0, 64], sizes = [1, 64], strides = [1, 1]} : vector<1x320xf32> to vector<1x64xf32>
    %slice3A_164 = vector.extract_strided_slice %add3A_161 {offsets = [0, 128], sizes = [1, 64], strides = [1, 1]} : vector<1x320xf32> to vector<1x64xf32>
    %slice3A_165 = vector.extract_strided_slice %add3A_161 {offsets = [0, 192], sizes = [1, 64], strides = [1, 1]} : vector<1x320xf32> to vector<1x64xf32>
    %slice3A_166 = vector.extract_strided_slice %add3A_161 {offsets = [0, 256], sizes = [1, 64], strides = [1, 1]} : vector<1x320xf32> to vector<1x64xf32>
    %neg3A_167 = arith.constant 0.000000e+00 : f32
    %neg3A_168 = vector.broadcast %neg3A_167 : f32 to vector<1x64xf32>
    %neg3A_169 = arith.subf %neg3A_168, %slice3A_163 : vector<1x64xf32>
    %exp3A_170 = math.exp %neg3A_169 : vector<1x64xf32>
    %add3A_171 = arith.constant 1.000000e+00 : f32
    %add3A_172 = vector.broadcast %add3A_171 : f32 to vector<1x64xf32>
    %add3A_173 = arith.addf %add3A_172, %exp3A_170 : vector<1x64xf32>
    %div3A_174 = arith.constant 1.000000e+00 : f32
    %div3A_175 = vector.broadcast %div3A_174 : f32 to vector<1x64xf32>
    %div3A_176 = arith.divf %div3A_175, %add3A_173 : vector<1x64xf32>
    %mul3A_177 = arith.mulf %div3A_176, %get3A_133 : vector<1x64xf32>
    %neg3A_178 = arith.constant 0.000000e+00 : f32
    %neg3A_179 = vector.broadcast %neg3A_178 : f32 to vector<1x64xf32>
    %neg3A_180 = arith.subf %neg3A_179, %slice3A_162 : vector<1x64xf32>
    %exp3A_181 = math.exp %neg3A_180 : vector<1x64xf32>
    %add3A_182 = arith.constant 1.000000e+00 : f32
    %add3A_183 = vector.broadcast %add3A_182 : f32 to vector<1x64xf32>
    %add3A_184 = arith.addf %add3A_183, %exp3A_181 : vector<1x64xf32>
    %div3A_185 = arith.constant 1.000000e+00 : f32
    %div3A_186 = vector.broadcast %div3A_185 : f32 to vector<1x64xf32>
    %div3A_187 = arith.divf %div3A_186, %add3A_184 : vector<1x64xf32>
    %tanh3A_188 = math.tanh %slice3A_164 : vector<1x64xf32>
    %mul3A_189 = arith.mulf %div3A_187, %tanh3A_188 : vector<1x64xf32>
    %add3A_190 = arith.addf %mul3A_177, %mul3A_189 : vector<1x64xf32>
    %neg3A_191 = arith.constant 0.000000e+00 : f32
    %neg3A_192 = vector.broadcast %neg3A_191 : f32 to vector<1x64xf32>
    %neg3A_193 = arith.subf %neg3A_192, %slice3A_166 : vector<1x64xf32>
    %exp3A_194 = math.exp %neg3A_193 : vector<1x64xf32>
    %add3A_195 = arith.constant 1.000000e+00 : f32
    %add3A_196 = vector.broadcast %add3A_195 : f32 to vector<1x64xf32>
    %add3A_197 = arith.addf %add3A_196, %exp3A_194 : vector<1x64xf32>
    %div3A_198 = arith.constant 1.000000e+00 : f32
    %div3A_199 = vector.broadcast %div3A_198 : f32 to vector<1x64xf32>
    %div3A_200 = arith.divf %div3A_199, %add3A_197 : vector<1x64xf32>
    %mul3A_201 = arith.mulf %div3A_200, %broadcast_in_dim3A_20 : vector<1x64xf32>
    %add3A_202 = arith.addf %add3A_190, %mul3A_201 : vector<1x64xf32>
    %neg3A_203 = arith.constant 0.000000e+00 : f32
    %neg3A_204 = vector.broadcast %neg3A_203 : f32 to vector<1x64xf32>
    %neg3A_205 = arith.subf %neg3A_204, %slice3A_165 : vector<1x64xf32>
    %exp3A_206 = math.exp %neg3A_205 : vector<1x64xf32>
    %add3A_207 = arith.constant 1.000000e+00 : f32
    %add3A_208 = vector.broadcast %add3A_207 : f32 to vector<1x64xf32>
    %add3A_209 = arith.addf %add3A_208, %exp3A_206 : vector<1x64xf32>
    %div3A_210 = arith.constant 1.000000e+00 : f32
    %div3A_211 = vector.broadcast %div3A_210 : f32 to vector<1x64xf32>
    %div3A_212 = arith.divf %div3A_211, %add3A_209 : vector<1x64xf32>
    %tanh3A_213 = math.tanh %add3A_202 : vector<1x64xf32>
    %mul3A_214 = arith.mulf %div3A_212, %tanh3A_213 : vector<1x64xf32>
    %get3A_215 = arith.constant 0 : index
    %get3A_216 = arith.constant 0 : index
    %get3A_217 = vector.load %arg23[%get3A_215, %get3A_216] : memref<6x64xf32, #tpu.memory_space<vmem>>, vector<6x64xf32>
    %dot_general3A_218 = arith.constant dense<0.000000e+00> : vector<1x6xf32>
    %dot_general3A_219 = tpu.matmul %mul3A_214, %get3A_217, %dot_general3A_218 {dimension_numbers = #tpu.dot_dimension_numbers<[1], [1], [0], [0], [0, 0, 1, 0], [], []>, transpose_lhs_hint = false} : vector<1x64xf32>, vector<6x64xf32>, vector<1x6xf32> -> vector<1x6xf32>
    %get3A_220 = arith.constant 0 : index
    %get3A_221 = arith.constant 0 : index
    %get3A_222 = vector.load %arg24[%get3A_220, %get3A_221] : memref<1x6xf32, #tpu.memory_space<vmem>>, vector<1x6xf32>
    %add3A_223 = arith.addf %dot_general3A_219, %get3A_222 : vector<1x6xf32>
    %swap3A = arith.constant 0 : index
    %swap3A_224 = arith.constant 0 : index
    %swap3A_225 = arith.constant 0 : index
    %swap3A_226 = vector.load %arg27[%swap3A, %swap3A_224, %swap3A_225] : memref<1x1x6xf32, #tpu.memory_space<vmem>>, vector<1x1x6xf32>
    %swap3A_227 = vector.shape_cast %swap3A_226 : vector<1x1x6xf32> to vector<1x6xf32>
    %swap3A_228 = vector.shape_cast %add3A_223 : vector<1x6xf32> to vector<1x1x6xf32>
    tpu.vector_store %arg27[%swap3A, %swap3A_224, %swap3A_225], %swap3A_228 {strides = array<i32>} : memref<1x1x6xf32, #tpu.memory_space<vmem>>, vector<1x1x6xf32>,
    %get3A_229 = arith.constant 0 : index
    %get3A_230 = arith.constant 0 : index
    %get3A_231 = vector.load %arg25[%get3A_229, %get3A_230] : memref<1x64xf32, #tpu.memory_space<vmem>>, vector<1x64xf32>
    %mul3A_232 = arith.mulf %mul3A_214, %get3A_231 : vector<1x64xf32>
    %reduce_sum3A_233 = arith.constant dense<0.000000e+00> : vector<1xf32>
    %reduce_sum3A_234 = vector.multi_reduction <add>, %mul3A_232, %reduce_sum3A_233 [1] : vector<1x64xf32> to vector<1xf32>
    %broadcast_in_dim3A_235 = vector.shape_cast %reduce_sum3A_234 : vector<1xf32> to vector<1x1xf32>
    %get3A_236 = arith.constant 0 : index
    %get3A_237 = arith.constant 0 : index
    %get3A_238 = vector.load %arg26[%get3A_236, %get3A_237] : memref<1x1xf32, #tpu.memory_space<vmem>>, vector<1x1xf32>
    %add3A_239 = arith.addf %broadcast_in_dim3A_235, %get3A_238 : vector<1x1xf32>
    %swap3A_240 = arith.constant 0 : index
    %swap3A_241 = arith.constant 0 : index
    %swap3A_242 = arith.constant 0 : index
    %swap3A_243 = vector.load %arg28[%swap3A_240, %swap3A_241, %swap3A_242] : memref<1x1x1xf32, #tpu.memory_space<vmem>>, vector<1x1x1xf32>
    %swap3A_244 = vector.shape_cast %swap3A_243 : vector<1x1x1xf32> to vector<1x1xf32>
    %swap3A_245 = vector.shape_cast %add3A_239 : vector<1x1xf32> to vector<1x1x1xf32>
    tpu.vector_store %arg28[%swap3A_240, %swap3A_241, %swap3A_242], %swap3A_245 {strides = array<i32>} : memref<1x1x1xf32, #tpu.memory_space<vmem>>, vector<1x1x1xf32>,
    %swap3A_246 = arith.constant 0 : index
    %swap3A_247 = arith.constant 0 : index
    %swap3A_248 = arith.constant 0 : index
    %swap3A_249 = vector.load %arg29[%swap3A_246, %swap3A_247, %swap3A_248] : memref<1x1x128xf32, #tpu.memory_space<vmem>>, vector<1x1x128xf32>
    %swap3A_250 = vector.shape_cast %swap3A_249 : vector<1x1x128xf32> to vector<1x128xf32>
    %swap3A_251 = vector.shape_cast %mul3A_124 : vector<1x128xf32> to vector<1x1x128xf32>
    tpu.vector_store %arg29[%swap3A_246, %swap3A_247, %swap3A_248], %swap3A_251 {strides = array<i32>} : memref<1x1x128xf32, #tpu.memory_space<vmem>>, vector<1x1x128xf32>,
    %swap3A_252 = arith.constant 0 : index
    %swap3A_253 = arith.constant 0 : index
    %swap3A_254 = arith.constant 0 : index
    %swap3A_255 = vector.load %arg30[%swap3A_252, %swap3A_253, %swap3A_254] : memref<1x1x128xf32, #tpu.memory_space<vmem>>, vector<1x1x128xf32>
    %swap3A_256 = vector.shape_cast %swap3A_255 : vector<1x1x128xf32> to vector<1x128xf32>
    %swap3A_257 = vector.shape_cast %add3A_112 : vector<1x128xf32> to vector<1x1x128xf32>
    tpu.vector_store %arg30[%swap3A_252, %swap3A_253, %swap3A_254], %swap3A_257 {strides = array<i32>} : memref<1x1x128xf32, #tpu.memory_space<vmem>>, vector<1x1x128xf32>,
    %swap3A_258 = arith.constant 0 : index
    %swap3A_259 = arith.constant 0 : index
    %swap3A_260 = arith.constant 0 : index
    %swap3A_261 = vector.load %arg31[%swap3A_258, %swap3A_259, %swap3A_260] : memref<1x1x64xf32, #tpu.memory_space<vmem>>, vector<1x1x64xf32>
    %swap3A_262 = vector.shape_cast %swap3A_261 : vector<1x1x64xf32> to vector<1x64xf32>
    %swap3A_263 = vector.shape_cast %mul3A_214 : vector<1x64xf32> to vector<1x1x64xf32>
    tpu.vector_store %arg31[%swap3A_258, %swap3A_259, %swap3A_260], %swap3A_263 {strides = array<i32>} : memref<1x1x64xf32, #tpu.memory_space<vmem>>, vector<1x1x64xf32>,
    %swap3A_264 = arith.constant 0 : index
    %swap3A_265 = arith.constant 0 : index
    %swap3A_266 = arith.constant 0 : index
    %swap3A_267 = vector.load %arg32[%swap3A_264, %swap3A_265, %swap3A_266] : memref<1x1x64xf32, #tpu.memory_space<vmem>>, vector<1x1x64xf32>
    %swap3A_268 = vector.shape_cast %swap3A_267 : vector<1x1x64xf32> to vector<1x64xf32>
    %swap3A_269 = vector.shape_cast %add3A_202 : vector<1x64xf32> to vector<1x1x64xf32>
    tpu.vector_store %arg32[%swap3A_264, %swap3A_265, %swap3A_266], %swap3A_269 {strides = array<i32>} : memref<1x1x64xf32, #tpu.memory_space<vmem>>, vector<1x1x64xf32>,
    return
  }
  func.func @transform_0(%arg0: i32, %arg1: memref<4xi32, #tpu.memory_space<smem>>) -> (i32, i32) {
    %get3A = arith.constant 0 : index
    %get3A_0 = memref.load %arg1[%get3A] : memref<4xi32, #tpu.memory_space<smem>>
    %c0_i32 = arith.constant 0 : i32
    %c0_i32_1 = arith.constant 0 : i32
    return %get3A_0, %c0_i32 : i32, i32
  }
  func.func @transform_1(%arg0: i32, %arg1: memref<4xi32, #tpu.memory_space<smem>>) -> (i32, i32) {
    %get3A = arith.constant 2 : index
    %get3A_0 = memref.load %arg1[%get3A] : memref<4xi32, #tpu.memory_space<smem>>
    %c0_i32 = arith.constant 0 : i32
    %c0_i32_1 = arith.constant 0 : i32
    return %c0_i32, %get3A_0 : i32, i32
  }
  func.func @transform_2(%arg0: i32, %arg1: memref<4xi32, #tpu.memory_space<smem>>) -> (i32, i32) {
    %c0_i32 = arith.constant 0 : i32
    %c0_i32_0 = arith.constant 0 : i32
    %c0_i32_1 = arith.constant 0 : i32
    return %c0_i32, %c0_i32_0 : i32, i32
  }
  func.func @transform_3(%arg0: i32, %arg1: memref<4xi32, #tpu.memory_space<smem>>) -> (i32, i32) {
    %c0_i32 = arith.constant 0 : i32
    %c0_i32_0 = arith.constant 0 : i32
    %c0_i32_1 = arith.constant 0 : i32
    return %c0_i32, %c0_i32_0 : i32, i32
  }
  func.func @transform_4(%arg0: i32, %arg1: memref<4xi32, #tpu.memory_space<smem>>) -> (i32, i32) {
    %c0_i32 = arith.constant 0 : i32
    %c0_i32_0 = arith.constant 0 : i32
    %c0_i32_1 = arith.constant 0 : i32
    return %c0_i32, %c0_i32_0 : i32, i32
  }
  func.func @transform_5(%arg0: i32, %arg1: memref<4xi32, #tpu.memory_space<smem>>) -> (i32, i32) {
    %c0_i32 = arith.constant 0 : i32
    %c0_i32_0 = arith.constant 0 : i32
    %c0_i32_1 = arith.constant 0 : i32
    return %c0_i32, %c0_i32_0 : i32, i32
  }
  func.func @transform_6(%arg0: i32, %arg1: memref<4xi32, #tpu.memory_space<smem>>) -> (i32, i32) {
    %c0_i32 = arith.constant 0 : i32
    %c0_i32_0 = arith.constant 0 : i32
    %c0_i32_1 = arith.constant 0 : i32
    return %c0_i32, %c0_i32_0 : i32, i32
  }
  func.func @transform_7(%arg0: i32, %arg1: memref<4xi32, #tpu.memory_space<smem>>) -> (i32, i32) {
    %c0_i32 = arith.constant 0 : i32
    %c0_i32_0 = arith.constant 0 : i32
    %c0_i32_1 = arith.constant 0 : i32
    return %c0_i32, %c0_i32_0 : i32, i32
  }
  func.func @transform_8(%arg0: i32, %arg1: memref<4xi32, #tpu.memory_space<smem>>) -> (i32, i32) {
    %c0_i32 = arith.constant 0 : i32
    %c0_i32_0 = arith.constant 0 : i32
    %c0_i32_1 = arith.constant 0 : i32
    return %c0_i32, %c0_i32_0 : i32, i32
  }
  func.func @transform_9(%arg0: i32, %arg1: memref<4xi32, #tpu.memory_space<smem>>) -> (i32, i32) {
    %c0_i32 = arith.constant 0 : i32
    %c0_i32_0 = arith.constant 0 : i32
    %c0_i32_1 = arith.constant 0 : i32
    return %c0_i32, %c0_i32_0 : i32, i32
  }
  func.func @transform_10(%arg0: i32, %arg1: memref<4xi32, #tpu.memory_space<smem>>) -> (i32, i32) {
    %c0_i32 = arith.constant 0 : i32
    %c0_i32_0 = arith.constant 0 : i32
    %c0_i32_1 = arith.constant 0 : i32
    return %c0_i32, %c0_i32_0 : i32, i32
  }
  func.func @transform_11(%arg0: i32, %arg1: memref<4xi32, #tpu.memory_space<smem>>) -> (i32, i32) {
    %c0_i32 = arith.constant 0 : i32
    %c0_i32_0 = arith.constant 0 : i32
    %c0_i32_1 = arith.constant 0 : i32
    return %c0_i32, %c0_i32_0 : i32, i32
  }
  func.func @transform_12(%arg0: i32, %arg1: memref<4xi32, #tpu.memory_space<smem>>) -> (i32, i32) {
    %c0_i32 = arith.constant 0 : i32
    %c0_i32_0 = arith.constant 0 : i32
    %c0_i32_1 = arith.constant 0 : i32
    return %c0_i32, %c0_i32_0 : i32, i32
  }
  func.func @transform_13(%arg0: i32, %arg1: memref<4xi32, #tpu.memory_space<smem>>) -> (i32, i32) {
    %c0_i32 = arith.constant 0 : i32
    %c0_i32_0 = arith.constant 0 : i32
    %c0_i32_1 = arith.constant 0 : i32
    return %c0_i32, %c0_i32_0 : i32, i32
  }
  func.func @transform_14(%arg0: i32, %arg1: memref<4xi32, #tpu.memory_space<smem>>) -> (i32, i32) {
    %c0_i32 = arith.constant 0 : i32
    %c0_i32_0 = arith.constant 0 : i32
    %c0_i32_1 = arith.constant 0 : i32
    return %c0_i32, %c0_i32_0 : i32, i32
  }
  func.func @transform_15(%arg0: i32, %arg1: memref<4xi32, #tpu.memory_space<smem>>) -> (i32, i32) {
    %c0_i32 = arith.constant 0 : i32
    %c0_i32_0 = arith.constant 0 : i32
    %c0_i32_1 = arith.constant 0 : i32
    return %c0_i32, %c0_i32_0 : i32, i32
  }
  func.func @transform_16(%arg0: i32, %arg1: memref<4xi32, #tpu.memory_space<smem>>) -> (i32, i32) {
    %c0_i32 = arith.constant 0 : i32
    %c0_i32_0 = arith.constant 0 : i32
    %c0_i32_1 = arith.constant 0 : i32
    return %c0_i32, %c0_i32_0 : i32, i32
  }
  func.func @transform_17(%arg0: i32, %arg1: memref<4xi32, #tpu.memory_space<smem>>) -> (i32, i32) {
    %c0_i32 = arith.constant 0 : i32
    %c0_i32_0 = arith.constant 0 : i32
    %c0_i32_1 = arith.constant 0 : i32
    return %c0_i32, %c0_i32_0 : i32, i32
  }
  func.func @transform_18(%arg0: i32, %arg1: memref<4xi32, #tpu.memory_space<smem>>) -> (i32, i32) {
    %c0_i32 = arith.constant 0 : i32
    %c0_i32_0 = arith.constant 0 : i32
    %c0_i32_1 = arith.constant 0 : i32
    return %c0_i32, %c0_i32_0 : i32, i32
  }
  func.func @transform_19(%arg0: i32, %arg1: memref<4xi32, #tpu.memory_space<smem>>) -> (i32, i32) {
    %c0_i32 = arith.constant 0 : i32
    %c0_i32_0 = arith.constant 0 : i32
    %c0_i32_1 = arith.constant 0 : i32
    return %c0_i32, %c0_i32_0 : i32, i32
  }
  func.func @transform_20(%arg0: i32, %arg1: memref<4xi32, #tpu.memory_space<smem>>) -> (i32, i32) {
    %c0_i32 = arith.constant 0 : i32
    %c0_i32_0 = arith.constant 0 : i32
    %c0_i32_1 = arith.constant 0 : i32
    return %c0_i32, %c0_i32_0 : i32, i32
  }
  func.func @transform_21(%arg0: i32, %arg1: memref<4xi32, #tpu.memory_space<smem>>) -> (i32, i32) {
    %c0_i32 = arith.constant 0 : i32
    %c0_i32_0 = arith.constant 0 : i32
    %c0_i32_1 = arith.constant 0 : i32
    return %c0_i32, %c0_i32_0 : i32, i32
  }
  func.func @transform_22(%arg0: i32, %arg1: memref<4xi32, #tpu.memory_space<smem>>) -> (i32, i32) {
    %c0_i32 = arith.constant 0 : i32
    %c0_i32_0 = arith.constant 0 : i32
    %c0_i32_1 = arith.constant 0 : i32
    return %c0_i32, %c0_i32_0 : i32, i32
  }
  func.func @transform_23(%arg0: i32, %arg1: memref<4xi32, #tpu.memory_space<smem>>) -> (i32, i32) {
    %c0_i32 = arith.constant 0 : i32
    %c0_i32_0 = arith.constant 0 : i32
    %c0_i32_1 = arith.constant 0 : i32
    return %c0_i32, %c0_i32_0 : i32, i32
  }
  func.func @transform_24(%arg0: i32, %arg1: memref<4xi32, #tpu.memory_space<smem>>) -> (i32, i32) {
    %c0_i32 = arith.constant 0 : i32
    %c0_i32_0 = arith.constant 0 : i32
    %c0_i32_1 = arith.constant 0 : i32
    return %c0_i32, %c0_i32_0 : i32, i32
  }
  func.func @transform_25(%arg0: i32, %arg1: memref<4xi32, #tpu.memory_space<smem>>) -> (i32, i32, i32) {
    %c0_i32 = arith.constant 0 : i32
    %c0_i32_0 = arith.constant 0 : i32
    %c0_i32_1 = arith.constant 0 : i32
    %c0_i32_2 = arith.constant 0 : i32
    return %c0_i32, %c0_i32_0, %c0_i32_1 : i32, i32, i32
  }
  func.func @transform_26(%arg0: i32, %arg1: memref<4xi32, #tpu.memory_space<smem>>) -> (i32, i32, i32) {
    %c0_i32 = arith.constant 0 : i32
    %c0_i32_0 = arith.constant 0 : i32
    %c0_i32_1 = arith.constant 0 : i32
    %c0_i32_2 = arith.constant 0 : i32
    return %c0_i32, %c0_i32_0, %c0_i32_1 : i32, i32, i32
  }
  func.func @transform_27(%arg0: i32, %arg1: memref<4xi32, #tpu.memory_space<smem>>) -> (i32, i32, i32) {
    %c0_i32 = arith.constant 0 : i32
    %c0_i32_0 = arith.constant 0 : i32
    %c0_i32_1 = arith.constant 0 : i32
    %c0_i32_2 = arith.constant 0 : i32
    return %c0_i32, %c0_i32_0, %c0_i32_1 : i32, i32, i32
  }
  func.func @transform_28(%arg0: i32, %arg1: memref<4xi32, #tpu.memory_space<smem>>) -> (i32, i32, i32) {
    %c0_i32 = arith.constant 0 : i32
    %c0_i32_0 = arith.constant 0 : i32
    %c0_i32_1 = arith.constant 0 : i32
    %c0_i32_2 = arith.constant 0 : i32
    return %c0_i32, %c0_i32_0, %c0_i32_1 : i32, i32, i32
  }
  func.func @transform_29(%arg0: i32, %arg1: memref<4xi32, #tpu.memory_space<smem>>) -> (i32, i32, i32) {
    %c0_i32 = arith.constant 0 : i32
    %c0_i32_0 = arith.constant 0 : i32
    %c0_i32_1 = arith.constant 0 : i32
    %c0_i32_2 = arith.constant 0 : i32
    return %c0_i32, %c0_i32_0, %c0_i32_1 : i32, i32, i32
  }
  func.func @transform_30(%arg0: i32, %arg1: memref<4xi32, #tpu.memory_space<smem>>) -> (i32, i32, i32) {
    %c0_i32 = arith.constant 0 : i32
    %c0_i32_0 = arith.constant 0 : i32
    %c0_i32_1 = arith.constant 0 : i32
    %c0_i32_2 = arith.constant 0 : i32
    return %c0_i32, %c0_i32_0, %c0_i32_1 : i32, i32, i32
  }
}

</mosaic_0001>

<sc_bundles>
// kernel: kernel.5.cloned.1.call-start
scs
__scs_entry_jumppad:
0x0: {  	(pc) =	sbr.rel $0x88, $3  }
0x1: {  	(tag) =	ssettag $0x0;
	lr =	simm.s32 $0x1  }
0x2: {  	[smem:$0x3F85] =	sst lr;
	_ =	strace $0xD0000000  }
0x3: {  	_ = 	snop  }
0x4: {  	_ = 	snop  }
0x5: {  	_ = 	snop  }
0x6: {  	_ = 	snop  }
0x7: {  	_ = 	snop  }
__scs_overlays_trampoline_lowered:
0x8: {  	[smem:$0x3F94] =	sst s0  }
0x9: {  	[smem:$0x3F95] =	sst s1  }
0xa: {  	[smem:$0x3F96] =	sst s2  }
0xb: {  	[smem:$0x3F97] =	sst s3  }
0xc: {  	[smem:$0x3F98] =	sst s4  }
0xd: {  	[smem:$0x3F99] =	sst s5  }
0xe: {  	[smem:$0x3F9A] =	sst s6  }
0xf: {  	[smem:$0x3F9B] =	sst s7  }
0x10: {  	[smem:$0x3F9C] =	sst s8  }
0x11: {  	[smem:$0x3F9D] =	sst s9;
	s0 =	simm.s32 @!p0 $0x0  }
0x12: {  	s1 =	sld [smem:$0x3F83];
	s0 =	simm.s32 @p0 $0x1  }
0x13: {  	[smem:$0x3F9E] =	sst s0;
	s0 =	simm.s32 @!p1 $0x0  }
0x14: {  	s2 =	sld [smem:$0x3F82];
	s0 =	simm.s32 @p1 $0x1  }
0x15: {  	[smem:$0x3F9F] =	sst s0;
	s0 =	simm.s32 @!p2 $0x0  }
0x16: {  	s3 =	sld [smem:$0x3FDB];
	s0 =	simm.s32 @p2 $0x1  }
0x17: {  	s4 =	simm.s32 $0x1BF5;
	[smem:$0x3FA1] =	sst s0  }
0x18: {  	s0 =	sld [smem:$0x3F84];
	_ =	swait.ge [sflag:s4], $0x0  }
0x19: {  	s7 =	sld [smem:$0x3F85]  }
0x1a: {  	s8 =	sadd.s32 $0xFFFFE003, lr  }
0x1b: {  	s9 =	sadd.s32 $0xFFFFFEF7, lr;
	s5 =	simm.s32 $0xFFFFFFFF;
	p2 =	slt.u32 s8, $0xFFFFF086  }
0x1c: {  	p1 =	slt.u32 s9, $0xF7A;
	s5 =	simm.s32 @!p2 $0x0  }
0x1d: {  	s5 =	simm.s32 @p1 $0x1;
	p0 =	seq.s32 s7, s2  }
0x1e: {  	s7 =	smul.u32 @!p0 $0xF7A, s2;
	p2 =	seq.s32 @!p0 s5, $0x0  }
0x1f: {  	s9 =	smul.u32 $0xF7A, s1;
	s8 =	simm.s32 @!p0 $0x1BF5;
	p2 =	por !p2, p0  }
0x20: {  	[sflag:s8] =	ssyncset.s32 @!p0 $0xFFFFF086;
	s6 =	sadd.s32 @!p0 s3, s7;
	s7 =	simm.s32 @!p0 $0x108  }
0x21: {  	s3 =	sadd.s32 s3, s9;
	s6 =	sadd.s32 @!p0 $0x88, s6;
	s7 =	simm.s32 @p2 $0x1082  }
0x22: {  	[simem:s7], [sflag:s8] =	dma.local @!p0 [hbm:s6], $0xF7A  }
0x23: {  	s9 =	sor.u32 $0xD0000000, s2;
	s6 =	simm.s32 $0x108;
	_ =	swait.ge @!p0 [sflag:s8], $0x0  }
0x24: {  	s3 =	sadd.s32 $0x88, s3;
	s6 =	simm.s32 @!p1 $0x1082;
	[sflag:s4] =	ssyncset.s32 $0xFFFFF086  }
0x25: {  	[simem:s6], [sflag:s4] =	dma.local [hbm:s3], $0xF7A  }
0x26: {  	[smem:$0x3F85] =	sst s1;
	(tag) =	ssettag s2;
	_ =	strace s9  }
0x27: {  	s1 =	sld [smem:$0x3F95]  }
0x28: {  	s2 =	sld [smem:$0x3F96]  }
0x29: {  	s4 =	sld [smem:$0x3F98]  }
0x2a: {  	p0 =	seq.s32 s5, $0x0;
	s5 =	sld [smem:$0x3F99]  }
0x2b: {  	s6 =	sld [smem:$0x3F9A]  }
0x2c: {  	s7 =	sld [smem:$0x3F9B]  }
0x2d: {  	s3 =	simm.s32 $0x108;
	s8 =	sld [smem:$0x3F9C]  }
0x2e: {  	s3 =	simm.s32 @!p0 $0x1082;
	s9 =	sld [smem:$0x3F9D]  }
0x2f: {  	lr =	sadd.s32 s0, s3;
	s0 =	sld [smem:$0x3F94]  }
0x30: {  	s3 =	sld [smem:$0x3F97]  }
0x31: {  	[smem:$0x3FA0] =	sst s10  }
0x32: {  	s10 =	sld [smem:$0x3F9E];
	_ =	sdelay $0x3  }
0x33: {  	p0 =	seq.s32 s10, $0x1;
	s10 =	sld [smem:$0x3FA0];
	_ =	sdelay $0x3  }
0x34: {  	[smem:$0x3FA0] =	sst s10  }
0x35: {  	s10 =	sld [smem:$0x3F9F];
	_ =	sdelay $0x3  }
0x36: {  	p1 =	seq.s32 s10, $0x1;
	s10 =	sld [smem:$0x3FA0];
	_ =	sdelay $0x3  }
0x37: {  	[smem:$0x3FA0] =	sst s10  }
0x38: {  	s10 =	sld [smem:$0x3FA1]  }
0x39: {  	_ = 	snop;
	(pc) =	sbr.ind lr, $3  }
0x3a: {  	_ = 	snop  }
0x3b: {  	_ = 	snop  }
0x3c: {  	p2 =	seq.s32 s10, $0x1;
	s10 =	sld [smem:$0x3FA0]  }
0x3d: {  	_ =	shalt  }
0x3e: {  	_ =	shalt  }
0x3f: {  	_ =	shalt  }
0x40: {  	_ =	shalt  }
0x41: {  	_ =	shalt  }
0x42: {  	_ =	shalt  }
0x43: {  	_ =	shalt  }
0x44: {  	_ =	shalt  }
0x45: {  	_ =	shalt  }
0x46: {  	_ =	shalt  }
0x47: {  	_ =	shalt  }
0x48: {  	_ =	shalt  }
0x49: {  	_ =	shalt  }
0x4a: {  	_ =	shalt  }
0x4b: {  	_ =	shalt  }
0x4c: {  	_ =	shalt  }
0x4d: {  	_ =	shalt  }
0x4e: {  	_ =	shalt  }
0x4f: {  	_ =	shalt  }
0x50: {  	_ =	shalt  }
0x51: {  	_ =	shalt  }
0x52: {  	_ =	shalt  }
0x53: {  	_ =	shalt  }
0x54: {  	_ =	shalt  }
0x55: {  	_ =	shalt  }
0x56: {  	_ =	shalt  }
0x57: {  	_ =	shalt  }
0x58: {  	_ =	shalt  }
0x59: {  	_ =	shalt  }
0x5a: {  	_ =	shalt  }
0x5b: {  	_ =	shalt  }
0x5c: {  	_ =	shalt  }
0x5d: {  	_ =	shalt  }
0x5e: {  	_ =	shalt  }
0x5f: {  	_ =	shalt  }
0x60: {  	_ =	shalt  }
0x61: {  	_ =	shalt  }
0x62: {  	_ =	shalt  }
0x63: {  	_ =	shalt  }
0x64: {  	_ =	shalt  }
0x65: {  	_ =	shalt  }
0x66: {  	_ =	shalt  }
0x67: {  	_ =	shalt  }
0x68: {  	_ =	shalt  }
0x69: {  	_ =	shalt  }
0x6a: {  	_ =	shalt  }
0x6b: {  	_ =	shalt  }
0x6c: {  	_ =	shalt  }
0x6d: {  	_ =	shalt  }
0x6e: {  	_ =	shalt  }
0x6f: {  	_ =	shalt  }
0x70: {  	_ =	shalt  }
0x71: {  	_ =	shalt  }
0x72: {  	_ =	shalt  }
0x73: {  	_ =	shalt  }
0x74: {  	_ =	shalt  }
0x75: {  	_ =	shalt  }
0x76: {  	_ =	shalt  }
0x77: {  	_ =	shalt  }
0x78: {  	_ =	shalt  }
0x79: {  	_ =	shalt  }
0x7a: {  	_ =	shalt  }
0x7b: {  	_ =	shalt  }
0x7c: {  	_ =	shalt  }
0x7d: {  	_ =	shalt  }
0x7e: {  	_ =	shalt  }
0x7f: {  	_ =	shalt  }
0x80: {  	_ =	shalt  }
0x81: {  	_ =	shalt  }
0x82: {  	_ =	shalt  }
0x83: {  	_ =	shalt  }
0x84: {  	_ =	shalt  }
0x85: {  	_ =	shalt  }
0x86: {  	_ =	shalt  }
0x87: {  	_ =	shalt  }
.Lfunc_end0:
.L_simem_size_0:
called_computation_lowered:
.L_overlay_start_0:
0x88: {  	s2 =	sld [smem:$0x3FD9]  }
0x89: {  	s3 =	sld [smem:$0x3FFE];
	_ =	sdelay $0x1  }
0x8a: {  	s1 =	srdreg.scid  }
0x8b: {  	s0 =	sand.u32 $0x1, s1  }
0x8c: {  	s17 =	sshll.u32 s0, $0xA;
	s2 =	sadd.s32 s3, s2  }
0x8d: {  	s2 =	sadd.s32 s2, s17  }
0x8e: {  	[smem:$0x3FAC] =	sst s2  }
0x8f: {  	_ = 	snop  }
0x90: {  	s2 =	sld [smem:$0x3FC2]  }
0x91: {  	s18 =	sld [smem:$0x3FBB];
	(tm) =	ssettm $0x1  }
0x92: {  	s4 =	sld [smem:$0x3FFB];
	_ =	sdelay $0x3  }
0x93: {  	_ =	strace s4  }
0x94: {  	s4 =	sld [smem:$0x3FFC];
	_ =	sdelay $0x3  }
0x95: {  	_ =	strace s4  }
0x96: {  	s4 =	sld [smem:$0x3FFD];
	_ =	sdelay $0x3  }
0x97: {  	_ =	strace s4  }
0x98: {  	_ =	strace $0x8FFFFFFF  }
0x99: {  	s19 =	sld [smem:$0x3FDB];
	_ =	sdelay $0x1  }
0x9a: {  	s5 =	simm.s32 $_scs_section_size  }
0x9b: {  	s6 =	simm.s32 $_size__tile_overlayer_lowered;
	s7 =	simm.s32 $_tile_overlayer_lowered  }
0x9c: {  	s22 =	simm.s32 $0x1BFF;
	s21 =	sshll.u32 s7, $0x1;
	s4 =	sadd.s32 s5, s19  }
0x9d: {  	s8 =	simm.s32 $0x0;
	s20 =	sshll.u32 s6, $0x1;
	s6 =	sadd.s32 s21, s4  }
0x9e: {  	[timem:s8], [sflag:s22] =	dma.local [hbm:s6], s20  }
0x9f: {  	_ =	swait.ge [sflag:s22], s20  }
0xa0: {  	s5 =	ssub.s32 $0x0, s20;
	[sflag:s22] =	ssyncset.done $0x0  }
0xa1: {  	[sflag:s22] =	ssyncadd.s32 s5;
	_ =	sdelay $0x1  }
0xa2: {  	s23 =	simm.s32 $0x1B8B  }
0xa3: {  	_ =	swait.ge [sflag:s23], $0x1  }
0xa4: {  	[sflag:s23] =	ssyncset.done $0x0  }
0xa5: {  	s25 =	simm.s32 $0x1B8E;
	s24 =	sld [smem:$0x3FFE];
	[sflag:s23] =	ssyncadd.s32 $0xFFFFFFFF  }
0xa6: {  	s26 =	simm.s32 $execute0_lowered;
	[smem:$0x3FD2] =	sst s25  }
0xa7: {  	s6 =	sshll.u32 s26, $0x1;
	_ =	strace $0x80000046;
	[dreg:$0x1] =	wrdreg $0xFFFFFFFF  }
0xa8: {  	s28 =	simm.s32 $_size_execute0_lowered;
	s4 =	sadd.s32 s4, s6;
	[dreg:$0x0] =	wrdreg $0x0  }
0xa9: {  	s6 =	sshll.u32 s28, $0x1;
	[dreg:$0x2] =	wrdreg s4  }
0xaa: {  	[dreg:$0x3] =	wrdreg s6  }
0xab: {  	[dreg:$0x4] =	wrdreg $0xC0  }
0xac: {  	_ =	task [dreg:s8], $0x5FFFF  }
0xad: {  	[dreg:$0x1] =	wrdreg $0xFFFFFFFF  }
0xae: {  	[dreg:$0x0] =	wrdreg $0x60  }
0xaf: {  	[dreg:$0x2] =	wrdreg s2  }
0xb0: {  	[dreg:$0x3] =	wrdreg s18  }
0xb1: {  	[dreg:$0x4] =	wrdreg s24  }
0xb2: {  	[dreg:$0x5] =	wrdreg $0xC4000  }
0xb3: {  	[dreg:$0x6] =	wrdreg $0xC4100  }
0xb4: {  	[dreg:$0x7] =	wrdreg $0x9  }
0xb5: {  	_ =	task.clear_ibuf [dreg:s8], $0x8FFFF;
	_ =	strace $0x90000046  }
0xb6: {  	s29 =	simm.s32 $0x9;
	_ =	strace $0x80000048  }
0xb7: {  	_ =	swait.ge [sflag:s29], $0x1  }
0xb8: {  	[sflag:s29] =	ssyncadd.s32 $0xFFFFFFFF  }
0xb9: {  	_ =	strace $0x90000048  }
0xba: {  	_ =	sfence  }
0xbb: {  	s30 =	sld [smem:$0x0];
	_ =	sdelay $0x2  }
0xbc: {  	s31 =	sshll.u32 s1, $0xD;
	s1 =	sshrl.u32 s1, $0x2  }
0xbd: {  	s3 =	sand.u32 $0x4000, s31;
	s1 =	sadd.s32 s1, s30  }
0xbe: {  	s0 =	sor.u32 s3, s0;
	s1 =	sshll.u32 s1, $0x11  }
0xbf: {  	s0 =	sor.u32 s1, s0  }
0xc0: {  	s0 =	sadd.s32 $0x8F2B, s0  }
0xc1: {  	[sflag:s0] =	ssyncadd.remote.s32 $0x1  }
0xc2: {  	_ =	sfence.sel $0xFFFF  }
0xc3: {  	[dreg:$0x0] =	wrdreg $0xFFFFFFFF;
	(pc) =	sbr.abs _section_cstart, $3  }
0xc4: {  	[dreg:$0x1] =	wrdreg $0xFFFFFFFF  }
0xc5: {  	_ =	task.clear_ibuf [dreg:s8], $0x2FFFF;
	_ =	strace $0x9FFFFFFF  }
0xc6: {  	(tm) =	ssettm $0x7FFFFFFF  }
0xc7: {  	_ =	shalt  }
tec
execute0_lowered:
.L_overlay_start_1:
0x0: {  	(tag) =	ssettag $0x1  }
0x1: {  	s2 =	rddreg [dreg:$0x1]  }
0x2: {  	s1 =	rddreg [dreg:$0x2]  }
0x3: {  	s0 =	rddreg [dreg:$0x3]  }
0x4: {  	s17 =	rddreg [dreg:$0x4];
	s3 =	srdreg.scid  }
0x5: {  	s5 =	simm.s32 $0x0;
	s4 =	stileid.u32;
	s28 =	simm.s32 $0x3  }
0x6: {  	s29 =	simm.s32 $0xC100;
	s30 =	simm.s32 $0xC180;
	s31 =	simm.s32 $0x0  }
0x7: {  	s3 =	sand.u32 $0x1, s3;
	[smem:$0x7FF] =	sst s5;
	s6 =	smul.u32 $0xC40, s4  }
0x8: {  	s14 =	sshll.u32 s4, $0x4;
	p0 =	sne.s32 s4, $0x0;
	s7 =	smul.u32 $0xC350, s3  }
0x9: {  	_ =	strace $0x80000047;
	s8 =	sshll.u32 s3, $0x4;
	s3 =	ssub.s32 $0x2, s3  }
0xa: {  	s1 =	sadd.s32 s8, s1;
	s19 =	sshrl.u32 s3, $0x1;
	s6 =	sadd.s32 s6, s7  }
0xb: {  	s7 =	sadd.s32 $0xC2D0, s7;
	s3 =	ssub.s32 s3, s19;
	s20 =	sadd.s32 $0x3800, s1  }
0xc: {  	s21 =	sadd.s32 $0x3A00, s1;
	s9 =	smin.u32 s6, s7;
	s8 =	sadd.s32 $0x80, s6  }
0xd: {  	s10 =	sadd.s32 $0x100, s6;
	s13 =	sadd.s32 $0xC00, s6;
	[dreg:$0x6] =	wrdreg s20  }
0xe: {  	v0 =	vlaneseq.u32;
	[dreg:$0x7] =	wrdreg s21;
	s18 =	sadd.s32 $0x200, s6;
	s15 =	smin.u32 s13, s7  }
0xf: {  	s20 =	sadd.s32 $0x280, s6;
	s21 =	simm.s32 $0xC000;
	s16 =	sadd.s32 $0x10, s15;
	v1 =	vor.u32 s15, v0  }
0x10: {  	s9 =	sshll.u32 s9, $0x4;
	s11 =	smin.u32 s8, s7;
	s19 =	sadd.s32 $0x20, s15;
	[tilespmem:$0x1FF80] =	vst v1;
	v1 =	vor.u32 s16, v0  }
0x11: {  	s12 =	smin.u32 s10, s7;
	s13 =	sadd.s32 s14, s0;
	s22 =	sadd.s32 $0x30, s15;
	[tilespmem:$0x1FF90] =	vst v1;
	v1 =	vor.u32 s19, v0  }
0x12: {  	s14 =	sadd.s32 s14, s17;
	s17 =	sadd.s32 $0x180, s6;
	s23 =	sadd.s32 $0x40, s15;
	[tilespmem:$0x1FFA0] =	vst v1;
	v1 =	vor.u32 s22, v0  }
.Ltmp0:
0x13: {  	v4 =	vmul.u32 $0x80, v0;
	s9 =	sadd.s32 s2, s9;
	s24 =	sadd.s32 $0x50, s15;
	[tilespmem:$0x1FFB0] =	vst v1;
	v1 =	vor.u32 s23, v0;
	(pc) =	sbr.rel .LBB2_1-.Ltmp0, $4  }
0x14: {  	s11 =	sshll.u32 s11, $0x4;
	s12 =	sshll.u32 s12, $0x4;
	s25 =	sadd.s32 $0x60, s15;
	[tilespmem:$0x1FFC0] =	vst v1;
	v1 =	vor.u32 s24, v0  }
0x15: {  	v10 =	vor.u32 $0x800, v4;
	v11 =	vor.u32 $0x1000, v4;
	s26 =	sadd.s32 $0x70, s15;
	s11 =	sadd.s32 s2, s11;
	s12 =	sadd.s32 s2, s12;
	[tilespmem:$0x1FFD0] =	vst v1;
	v1 =	vor.u32 s25, v0  }
0x16: {  	v12 =	vor.u32 $0x1800, v4;
	v13 =	vor.u32 $0x2000, v4;
	s19 =	smax.u32 s3, $0x1;
	s22 =	simm.s32 $0x4;
	s23 =	simm.s32 $0x4000;
	[tilespmem:$0x1FFE0] =	vst v1;
	v1 =	vor.u32 s26, v0  }
0x17: {  	v14 =	vor.u32 $0x2800, v4;
	v15 =	vor.u32 $0x3000, v4;
	v16 =	vor.u32 $0x3800, v4;
	s24 =	simm.s32 $0x8000;
	s25 =	simm.s32 $0x1;
	s26 =	simm.s32 $0x2;
	[tilespmem:$0x1FFF0] =	vst v1  }
.LBB2_14:
0x18: {  	s31 =	sadd.s32 $0x1, s31  }
0x19: {  	p1 =	sne.s32 s31, s19  }
.Ltmp1:
0x1a: {  	_ = 	snop;
	(pc) =	sbr.rel @!p1 .LBB2_15-.Ltmp1, $1  }
0x1b: {  	_ =	sdelay $0x3  }
.LBB2_1:
0x1c: {  	s0 =	rddreg [dreg:$0x0]  }
0x1d: {  	[tilespmem:s21], [sflag:$0x4] =	stream.linear.gather [hbm4b:s0+s5], $0x80, $0x38;
	[tilespmem:$0xC420] =	vst v63  }
0x1e: {  	_ =	swait.ge [sflag:s22], $0x80  }
0x1f: {  	[sflag:s22] =	ssyncset.done $0x0  }
0x20: {  	[sflag:s22] =	ssyncadd.s32 $0xFFFFFF80  }
0x21: {  	v1 =	vld [tilespmem:$0xC000];
	_ =	sdelay $0x4  }
0x22: {  	[tilespmem:$0xC080] =	vst v1  }
0x23: {  	v1 =	vimm.f32 $3.000000010e+38;
	[tilespmem:s5], [sflag:$0x1] =	stream.linear.gather [hbm4b:s9+s5], $0x4000, $0x38;
	[tilespmem:$0xC420] =	vst v63  }
0x24: {  	[tilespmem:$0x1FF60] =	vst v1  }
0x25: {  	v1 =	vimm.s32 $0x0;
	[tilespmem:s23], [sflag:$0x2] =	stream.linear.gather [hbm4b:s11+s5], $0x4000, $0x38;
	[tilespmem:$0xC420] =	vst v63  }
0x26: {  	s1 =	simm.s32 $0x0;
	[tilespmem:$0x1FF70] =	vst v1  }
0x27: {  	[tilespmem:s24], [sflag:$0x3] =	stream.linear.gather [hbm4b:s12+s5], $0x4000, $0x38;
	[tilespmem:$0xC420] =	vst v63  }
.LBB2_2:
0x28: {  	s3 =	simm.s32 $0x1  }
0x29: {  	_ =	swait.ge [sflag:s25], $0x4000;
	v1 =	vadd.s32 s3, v0  }
0x2a: {  	s15 =	simm.s32 $0x2;
	[sflag:s25] =	ssyncset.done $0x0;
	v1 =	vand.u32 $0x7F, v1  }
0x2b: {  	v5 =	vadd.s32 s15, v0;
	s3 =	simm.s32 $0xC002;
	[sflag:s25] =	ssyncadd.s32 $0xFFFFC000;
	v2 =	vor.u32 v10, v1  }
0x2c: {  	v5 =	vand.u32 $0x7F, v5;
	v3 =	vor.u32 v4, v1;
	v20 =	vld [tilespmem:s3+$0xFFFFFFFF]  }
0x2d: {  	s4 =	simm.s32 $0x3;
	v6 =	vor.u32 v10, v5;
	v19 =	vld [tilespmem:s3+$0xFFFFFFFE]  }
0x2e: {  	v22 =	vadd.s32 s4, v0;
	v7 =	vor.u32 v4, v5;
	v25 =	vld [tilespmem:s3+$0x0]  }
0x2f: {  	v24 =	vand.u32 $0x7F, v22;
	v21 =	vor.u32 v11, v5;
	v22 =	vld [tilespmem:s3+$0x1]  }
0x30: {  	v23 =	vor.u32 v11, v1;
	v2 =	vld.idx.msk [tilespmem:v2+s5+$0x0], $0xffff  }
0x31: {  	v26 =	vor.u32 v11, v24;
	v3 =	vld.idx.msk [tilespmem:v3+s5+$0x0], $0xffff  }
0x32: {  	v27 =	vor.u32 v13, v24;
	v6 =	vld.idx.msk [tilespmem:v6+s5+$0x0], $0xffff  }
0x33: {  	v28 =	vor.u32 v16, v5;
	v7 =	vld.idx.msk [tilespmem:v7+s5+$0x0], $0xffff  }
0x34: {  	v29 =	vor.u32 v16, v1;
	v21 =	vld.idx.msk [tilespmem:v21+s5+$0x0], $0xffff  }
0x35: {  	v30 =	vor.u32 v12, v5;
	v23 =	vld.idx.msk [tilespmem:v23+s5+$0x0], $0xffff  }
0x36: {  	v31 =	vor.u32 v15, v5;
	v32 =	vld.idx.msk [tilespmem:v26+s5+$0x0], $0xffff  }
0x37: {  	v33 =	vor.u32 v14, v24;
	v27 =	vld.idx.msk [tilespmem:v27+s5+$0x0], $0xffff  }
0x38: {  	v35 =	vor.u32 v14, v5;
	v28 =	vld.idx.msk [tilespmem:v28+s5+$0x0], $0xffff  }
0x39: {  	s16 =	simm.s32 $0x0;
	v36 =	vor.u32 v15, v24;
	v29 =	vld.idx.msk [tilespmem:v29+s5+$0x0], $0xffff  }
0x3a: {  	v41 =	vadd.s32 s16, v0;
	v5 =	vor.u32 v13, v5;
	v30 =	vld.idx.msk [tilespmem:v30+s5+$0x0], $0xffff  }
0x3b: {  	v41 =	vand.u32 $0x7F, v41;
	v38 =	vor.u32 v12, v1;
	v31 =	vld.idx.msk [tilespmem:v31+s5+$0x0], $0xffff  }
0x3c: {  	v53 =	vimm.f32 $0.0e+00;
	v34 =	vor.u32 v10, v24;
	v46 =	vor.u32 v16, v41;
	v33 =	vld.idx.msk [tilespmem:v33+s5+$0x0], $0xffff  }
0x3d: {  	v37 =	vor.u32 v13, v1;
	v39 =	vor.u32 v16, v24;
	v63 =	vor.u32 v15, v41;
	v35 =	vld.idx.msk [tilespmem:v35+s5+$0x0], $0xffff  }
0x3e: {  	v43 =	vor.u32 v4, v41;
	v44 =	vor.u32 v10, v41;
	v56 =	vor.u32 v11, v41;
	v36 =	vld.idx.msk [tilespmem:v36+s5+$0x0], $0xffff  }
0x3f: {  	v48 =	vor.u32 v12, v41;
	v45 =	vor.u32 v15, v1;
	v47 =	vor.u32 v13, v41;
	v5 =	vld.idx.msk [tilespmem:v5+s5+$0x0], $0xffff  }
0x40: {  	v42 =	vor.u32 v14, v41;
	v62 =	vld.idx.msk [tilespmem:v38+s5+$0x0], $0xffff;
	v2 =	vsub.f32 v2, v20;
	v3 =	vsub.f32 v3, v20  }
0x41: {  	v57 =	vor.u32 v14, v1;
	v61 =	vld.idx.msk [tilespmem:v46+s5+$0x0], $0xffff;
	v6 =	vsub.f32 v6, v25;
	v7 =	vsub.f32 v7, v25  }
0x42: {  	v26 =	vimm.f32 $0.0e+00;
	v38 =	vld.idx.msk [tilespmem:v63+s5+$0x0], $0xffff;
	v40 =	vsub.f32 v21, v25;
	v23 =	vsub.f32 v23, v20  }
0x43: {  	v46 =	vld.idx.msk [tilespmem:v34+s5+$0x0], $0xffff;
	v34 =	vimm.f32 $0.0e+00;
	v30 =	vsub.f32 v30, v25;
	v32 =	vsub.f32 v32, v22  }
0x44: {  	v63 =	vld.idx.msk [tilespmem:v47+s5+$0x0], $0xffff;
	v21 =	vor.u32 v12, v24;
	v49 =	vsub.f32 v31, v25;
	v29 =	vsub.f32 v29, v20  }
0x45: {  	v50 =	vld.idx.msk [tilespmem:v37+s5+$0x0], $0xffff;
	v24 =	vor.u32 v4, v24;
	v27 =	vsub.f32 v27, v22;
	v33 =	vsub.f32 v33, v22  }
0x46: {  	v52 =	vld.idx.msk [tilespmem:v45+s5+$0x0], $0xffff;
	v1 =	vsub.f32 v36, v22;
	v37 =	vmul.f32 v23, v23;
	v23 =	vmul.f32 v30, v30  }
0x47: {  	v59 =	vld.idx.msk [tilespmem:v44+s5+$0x0], $0xffff;
	v35 =	vsub.f32 v35, v25;
	v31 =	vmul.f32 v32, v32;
	v41 =	vmul.f32 v27, v27  }
0x48: {  	v44 =	vld.idx.msk [tilespmem:v48+s5+$0x0], $0xffff;
	v62 =	vsub.f32 v62, v20;
	v45 =	vmul.f32 v40, v40;
	v27 =	vmul.f32 v1, v1  }
0x49: {  	v48 =	vsub.f32 v63, v19;
	v36 =	vmul.f32 v35, v35;
	v54 =	vmul.f32 v6, v6;
	v51 =	vld.idx.msk [tilespmem:v21+s5+$0x0], $0xffff  }
0x4a: {  	v35 =	vmul.f32 v62, v62;
	v40 =	vimm.f32 $0.0e+00;
	v30 =	vld.idx.msk [tilespmem:v24+s5+$0x0], $0xffff;
	v21 =	vmul.f32 v49, v49  }
0x4b: {  	v24 =	vsub.f32 v28, v25;
	v28 =	vmul.f32 v29, v29;
	v49 =	vsub.f32 v5, v25;
	v5 =	vld.idx.msk [tilespmem:v43+s5+$0x0], $0xffff  }
0x4c: {  	v29 =	vld.idx.msk [tilespmem:v39+s5+$0x0], $0xffff;
	v39 =	vsub.f32 v50, v20;
	v50 =	vmul.f32 v7, v7;
	v25 =	vmul.f32 v33, v33  }
0x4d: {  	v43 =	vsub.f32 v38, v19;
	v38 =	vimm.f32 $0.0e+00;
	v33 =	vimm.f32 $0.0e+00  }
0x4e: {  	v24 =	vmul.f32 v24, v24;
	v55 =	vmul.f32 v39, v39;
	v39 =	vimm.f32 $0.0e+00  }
0x4f: {  	v60 =	vsub.f32 v51, v22;
	v51 =	vmul.f32 v3, v3;
	v3 =	vsub.f32 v52, v20  }
0x50: {  	v30 =	vsub.f32 v30, v22;
	v52 =	vmul.f32 v2, v2;
	v2 =	vsub.f32 v59, v19  }
0x51: {  	v6 =	vld.idx.msk [tilespmem:v56+s5+$0x0], $0xffff;
	v5 =	vsub.f32 v5, v19;
	v1 =	vsub.f32 v29, v22;
	v32 =	vmul.f32 v3, v3  }
0x52: {  	v29 =	vimm.f32 $0.0e+00;
	v47 =	vmul.f32 v30, v30;
	v7 =	vmul.f32 v2, v2;
	v2 =	vld.idx.msk [tilespmem:v57+s5+$0x0], $0xffff  }
0x53: {  	s4 =	simm.s32 $0x4;
	v3 =	vmul.f32 v5, v5;
	v5 =	vsub.f32 v61, v19;
	v30 =	vmul.f32 v60, v60  }
.LBB2_3:
0x54: {  	p1 =	slt.u32 s4, $0x7C  }
0x55: {  	v3 =	vadd.f32 v3, v26;
	v5 =	vmul.f32 v5, v5;
	v26 =	vmul.f32 v49, v49;
	s3 =	sadd.s32 $0x4, s3;
	s15 =	smov.u32 s4;
	s4 =	sadd.s32 $0x4, s4  }
0x56: {  	v49 =	vmul.f32 v1, v1;
	s16 =	sadd.s32 $0x1, s15;
	v7 =	vadd.f32 v7, v53;
	v53 =	vmul.f32 v48, v48  }
0x57: {  	v2 =	vsub.f32 v2, v20;
	v6 =	vsub.f32 v6, v19;
	v1 =	vadd.s32 s16, v0  }
0x58: {  	v48 =	vand.u32 $0x7F, v1;
	v1 =	vadd.f32 v53, v39;
	v39 =	vld.idx.msk [tilespmem:v42+s5+$0x0], $0xffff;
	v7 =	vadd.f32 v52, v7  }
0x59: {  	v6 =	vmul.f32 v6, v6;
	v42 =	vor.u32 v10, v48;
	v53 =	vor.u32 v11, v48  }
0x5a: {  	s16 =	sadd.s32 $0x2, s15;
	v52 =	vor.u32 v4, v48;
	v1 =	vadd.f32 v55, v1;
	v7 =	vadd.f32 v54, v7  }
0x5b: {  	v20 =	vadd.s32 s16, v0;
	v6 =	vadd.f32 v6, v29  }
0x5c: {  	v3 =	vadd.f32 v51, v3;
	v54 =	vand.u32 $0x7F, v20;
	v1 =	vadd.f32 v26, v1  }
0x5d: {  	v26 =	vor.u32 v10, v54;
	v6 =	vadd.f32 v37, v6;
	v37 =	vsub.f32 v46, v22;
	v20 =	vld [tilespmem:s3+$0xFFFFFFFF]  }
0x5e: {  	v3 =	vadd.f32 v50, v3;
	v29 =	vsub.f32 v39, v19;
	v22 =	vld.idx.msk [tilespmem:v42+s5+$0x0], $0xffff;
	v42 =	vor.u32 v4, v54  }
0x5f: {  	s16 =	sadd.s32 $0x3, s15;
	v50 =	vor.u32 v11, v54;
	v6 =	vadd.f32 v45, v6;
	v39 =	vadd.f32 v41, v1;
	v46 =	vld.idx.msk [tilespmem:v52+s5+$0x0], $0xffff  }
0x60: {  	v41 =	vor.u32 v15, v54;
	v45 =	vadd.s32 s16, v0;
	v51 =	vmul.f32 v29, v29;
	v1 =	vld [tilespmem:s3+$0xFFFFFFFE]  }
0x61: {  	v55 =	vor.u32 v16, v48;
	v45 =	vand.u32 $0x7F, v45;
	v29 =	vadd.f32 v31, v6;
	v56 =	vld [tilespmem:s3+$0x0]  }
0x62: {  	v2 =	vmul.f32 v2, v2;
	v31 =	vor.u32 v10, v45;
	v57 =	vor.u32 v11, v45;
	v6 =	vld.idx.msk [tilespmem:v26+s5+$0x0], $0xffff  }
0x63: {  	v58 =	vor.u32 v12, v54;
	v59 =	vor.u32 v13, v45;
	v40 =	vadd.f32 v51, v40;
	v42 =	vld.idx.msk [tilespmem:v42+s5+$0x0], $0xffff  }
0x64: {  	v51 =	vor.u32 v16, v54;
	v26 =	vadd.f32 v47, v3;
	v52 =	vsub.f32 v22, v20;
	v50 =	vld.idx.msk [tilespmem:v50+s5+$0x0], $0xffff  }
0x65: {  	v47 =	vor.u32 v12, v48;
	v2 =	vadd.f32 v2, v40;
	v3 =	vsub.f32 v46, v20;
	v22 =	vld [tilespmem:s3+$0x1]  }
0x66: {  	v60 =	vor.u32 v13, v48;
	v19 =	vsub.f32 v44, v19;
	v46 =	vor.u32 v15, v45;
	v40 =	vld.idx.msk [tilespmem:v53+s5+$0x0], $0xffff  }
0x67: {  	v43 =	vmul.f32 v43, v43;
	v44 =	vor.u32 v14, v54;
	v53 =	vor.u32 v16, v45;
	v57 =	vld.idx.msk [tilespmem:v57+s5+$0x0], $0xffff  }
0x68: {  	v19 =	vmul.f32 v19, v19;
	v61 =	vsub.f32 v6, v56;
	v6 =	vld.idx.msk [tilespmem:v59+s5+$0x0], $0xffff;
	v59 =	vor.u32 v14, v45  }
0x69: {  	v5 =	vadd.f32 v5, v34;
	v54 =	vor.u32 v13, v54;
	v62 =	vsub.f32 v42, v56;
	v51 =	vld.idx.msk [tilespmem:v51+s5+$0x0], $0xffff  }
0x6a: {  	v37 =	vmul.f32 v37, v37;
	v38 =	vadd.f32 v19, v38;
	v50 =	vsub.f32 v50, v56;
	v34 =	vld.idx.msk [tilespmem:v55+s5+$0x0], $0xffff  }
0x6b: {  	v33 =	vadd.f32 v43, v33;
	v2 =	vadd.f32 v36, v2;
	v55 =	vld.idx.msk [tilespmem:v58+s5+$0x0], $0xffff;
	v58 =	vor.u32 v12, v45  }
0x6c: {  	v5 =	vadd.f32 v28, v5;
	v36 =	vadd.s32 s15, v0;
	v19 =	vmovc v1;
	v40 =	vsub.f32 v40, v20;
	v41 =	vld.idx.msk [tilespmem:v41+s5+$0x0], $0xffff  }
0x6d: {  	v32 =	vadd.f32 v32, v33;
	v28 =	vor.u32 v4, v45;
	v1 =	vand.u32 $0x7F, v36;
	v36 =	vld.idx.msk [tilespmem:v59+s5+$0x0], $0xffff  }
0x6e: {  	v33 =	vadd.f32 v35, v38;
	v43 =	vor.u32 v4, v1;
	v45 =	vor.u32 v10, v1;
	v44 =	vld.idx.msk [tilespmem:v44+s5+$0x0], $0xffff  }
0x6f: {  	v35 =	vor.u32 v11, v1;
	v63 =	vor.u32 v16, v1;
	v59 =	vor.u32 v12, v1;
	v8 =	vld.idx.msk [tilespmem:v53+s5+$0x0], $0xffff  }
0x70: {  	v9 =	vor.u32 v13, v1;
	v42 =	vor.u32 v14, v1;
	v53 =	vadd.f32 v37, v7;
	v17 =	vld.idx.msk [tilespmem:v46+s5+$0x0], $0xffff  }
0x71: {  	v5 =	vadd.f32 v24, v5;
	v37 =	vmul.f32 v40, v40;
	v7 =	vsub.f32 v55, v56;
	v38 =	vld.idx.msk [tilespmem:v54+s5+$0x0], $0xffff  }
0x72: {  	v24 =	vor.u32 v15, v48;
	v32 =	vadd.f32 v21, v32;
	v46 =	vld.idx.msk [tilespmem:v31+s5+$0x0], $0xffff;
	v31 =	vsub.f32 v57, v22  }
0x73: {  	v55 =	vsub.f32 v34, v20;
	v21 =	vsub.f32 v41, v56;
	v7 =	vmul.f32 v7, v7;
	v54 =	vld.idx.msk [tilespmem:v60+s5+$0x0], $0xffff  }
0x74: {  	v6 =	vsub.f32 v6, v22;
	v40 =	vadd.f32 v25, v2;
	v31 =	vmul.f32 v31, v31;
	v57 =	vld.idx.msk [tilespmem:v58+s5+$0x0], $0xffff  }
0x75: {  	v34 =	vadd.f32 v49, v5;
	v25 =	vsub.f32 v36, v22;
	v21 =	vmul.f32 v21, v21;
	v2 =	vld.idx.msk [tilespmem:v28+s5+$0x0], $0xffff  }
0x76: {  	v23 =	vadd.f32 v23, v33;
	v1 =	vor.u32 v15, v1;
	v36 =	vsub.f32 v51, v56;
	v5 =	vld.idx.msk [tilespmem:v47+s5+$0x0], $0xffff  }
0x77: {  	v33 =	vadd.f32 v27, v32;
	v28 =	vmul.f32 v55, v55;
	v49 =	vsub.f32 v38, v56;
	v47 =	vld.idx.msk [tilespmem:v24+s5+$0x0], $0xffff  }
0x78: {  	v41 =	vmul.f32 v6, v6;
	v38 =	vadd.f32 v30, v23;
	v24 =	vmul.f32 v36, v36;
	v32 =	vld.idx.msk [tilespmem:v43+s5+$0x0], $0xffff  }
0x79: {  	v30 =	vor.u32 v14, v48;
	v55 =	vsub.f32 v54, v20;
	v6 =	vld.idx.msk [tilespmem:v45+s5+$0x0], $0xffff;
	v45 =	vmul.f32 v50, v50  }
0x7a: {  	v23 =	vmov v7;
	v36 =	vsub.f32 v44, v56;
	v48 =	vsub.f32 v57, v22;
	v43 =	vld.idx.msk [tilespmem:v63+s5+$0x0], $0xffff  }
0x7b: {  	v51 =	vmul.f32 v3, v3;
	v3 =	vsub.f32 v2, v22;
	v2 =	vsub.f32 v17, v22;
	v7 =	vld.idx.msk [tilespmem:v1+s5+$0x0], $0xffff  }
0x7c: {  	v50 =	vmul.f32 v62, v62;
	v17 =	vsub.f32 v5, v20;
	v1 =	vsub.f32 v8, v22;
	v9 =	vld.idx.msk [tilespmem:v9+s5+$0x0], $0xffff  }
0x7d: {  	v25 =	vmul.f32 v25, v25;
	v5 =	vsub.f32 v47, v20;
	v27 =	vmul.f32 v2, v2;
	v44 =	vld.idx.msk [tilespmem:v59+s5+$0x0], $0xffff  }
.Ltmp2:
0x7e: {  	v52 =	vmul.f32 v52, v52;
	v36 =	vmul.f32 v36, v36;
	v8 =	vsub.f32 v32, v19;
	v2 =	vld.idx.msk [tilespmem:v30+s5+$0x0], $0xffff;
	(pc) =	sbr.rel @p1 .LBB2_3-.Ltmp2, $4  }
0x7f: {  	v47 =	vmul.f32 v3, v3;
	v56 =	vsub.f32 v6, v19;
	v32 =	vmul.f32 v5, v5;
	v6 =	vld.idx.msk [tilespmem:v35+s5+$0x0], $0xffff  }
0x80: {  	v54 =	vmul.f32 v61, v61;
	v3 =	vmul.f32 v8, v8;
	v5 =	vsub.f32 v43, v19  }
0x81: {  	v30 =	vmul.f32 v48, v48;
	v35 =	vmul.f32 v17, v17;
	v43 =	vsub.f32 v7, v19  }
0x82: {  	v55 =	vmul.f32 v55, v55;
	v7 =	vmul.f32 v56, v56;
	v48 =	vsub.f32 v9, v19  }
0x83: {  	_ =	sdelay $0x1  }
0x84: {  	s3 =	smul.u32 $0x180, s1;
	v8 =	vmul.f32 v48, v48;
	v6 =	vsub.f32 v6, v19;
	_ =	sdelay $0x1  }
0x85: {  	v3 =	vadd.f32 v3, v26;
	v9 =	vld.idx.msk [tilespmem:v42+s5+$0x0], $0xffff;
	s4 =	sadd.s32 s3, s17;
	v8 =	vadd.f32 v8, v39;
	v6 =	vmul.f32 v6, v6  }
0x86: {  	v17 =	vmul.f32 v49, v49;
	s15 =	smov.u32 s7;
	v2 =	vsub.f32 v2, v20;
	v49 =	vsub.f32 v46, v22;
	p1 =	slt.s32 s4, s7  }
0x87: {  	s15 =	smov.u32 @p1 s4;
	v8 =	vadd.f32 v55, v8;
	v6 =	vadd.f32 v6, v29  }
0x88: {  	v5 =	vmul.f32 v5, v5;
	s0 =	simm.s32 $0x1;
	v7 =	vadd.f32 v7, v53;
	v3 =	vadd.f32 v51, v3;
	s15 =	sshll.u32 s15, $0x4  }
0x89: {  	v20 =	vadd.s32 s0, v0;
	s0 =	simm.s32 $0x0;
	s16 =	sadd.s32 s2, s15;
	v8 =	vadd.f32 v17, v8;
	v6 =	vadd.f32 v37, v6  }
0x8a: {  	v3 =	vadd.f32 v50, v3;
	v9 =	vsub.f32 v9, v19;
	v17 =	vand.u32 $0x7F, v20;
	[tilespmem:s0], [sflag:$0x1] =	stream.linear.gather [hbm4b:s16+s0], $0x4000, $0x38;
	[tilespmem:$0xC420] =	vst v63  }
0x8b: {  	v48 =	vor.u32 v10, v17;
	_ =	swait.ge [sflag:s26], $0x4000;
	v6 =	vadd.f32 v45, v6;
	v8 =	vadd.f32 v41, v8  }
0x8c: {  	v7 =	vadd.f32 v52, v7;
	v3 =	vadd.f32 v47, v3;
	v22 =	vor.u32 v4, v17;
	[sflag:s26] =	ssyncset.done $0x0  }
0x8d: {  	v2 =	vmul.f32 v2, v2;
	s4 =	simm.s32 $0xC002;
	v9 =	vmul.f32 v9, v9;
	[sflag:s26] =	ssyncadd.s32 $0xFFFFC000;
	[tilespmem:$0x1FEF0] =	vst v8;
	v6 =	vadd.f32 v31, v6  }
0x8e: {  	v5 =	vadd.f32 v5, v34;
	v52 =	vmul.f32 v43, v43;
	v7 =	vadd.f32 v54, v7;
	s16 =	simm.s32 $0x2;
	v29 =	vld [tilespmem:s4+$0xFFFFFFFF];
	[tilespmem:$0x1FF10] =	vst v3  }
0x8f: {  	v19 =	vsub.f32 v44, v19;
	v26 =	vadd.s32 s16, v0;
	v9 =	vadd.f32 v9, v40;
	[tilespmem:$0x1FF00] =	vst v6  }
0x90: {  	v33 =	vadd.f32 v52, v33;
	v54 =	vor.u32 v11, v17;
	v8 =	vand.u32 $0x7F, v26;
	v3 =	vld.idx.msk [tilespmem:v48+s23+$0x0], $0xffff  }
0x91: {  	v2 =	vadd.f32 v2, v9;
	v9 =	vmul.f32 v19, v19;
	v50 =	vor.u32 v10, v8;
	v19 =	vld.idx.msk [tilespmem:v22+s23+$0x0], $0xffff  }
0x92: {  	v1 =	vmul.f32 v1, v1;
	v5 =	vadd.f32 v28, v5;
	s16 =	simm.s32 $0x3;
	v51 =	vor.u32 v11, v8;
	v22 =	vld [tilespmem:s4+$0xFFFFFFFE]  }
0x93: {  	v32 =	vadd.f32 v32, v33;
	v53 =	vadd.s32 s16, v0;
	v6 =	vor.u32 v4, v8;
	v42 =	vld [tilespmem:s4+$0x0]  }
0x94: {  	v55 =	vand.u32 $0x7F, v53;
	v9 =	vadd.f32 v9, v38;
	v2 =	vadd.f32 v36, v2;
	v34 =	vld [tilespmem:s4+$0x1]  }
0x95: {  	v5 =	vadd.f32 v24, v5;
	v24 =	vadd.f32 v21, v32;
	v58 =	vor.u32 v11, v55;
	v61 =	vld.idx.msk [tilespmem:v54+s23+$0x0], $0xffff  }
0x96: {  	v9 =	vadd.f32 v35, v9;
	v2 =	vadd.f32 v25, v2;
	v57 =	vld.idx.msk [tilespmem:v50+s23+$0x0], $0xffff  }
0x97: {  	v56 =	vmul.f32 v49, v49;
	v1 =	vadd.f32 v1, v5;
	v28 =	vor.u32 v13, v55;
	v59 =	vld.idx.msk [tilespmem:v51+s23+$0x0], $0xffff  }
0x98: {  	v5 =	vadd.f32 v27, v24;
	v9 =	vadd.f32 v23, v9;
	v6 =	vld.idx.msk [tilespmem:v6+s23+$0x0], $0xffff;
	[tilespmem:$0x1FF20] =	vst v2  }
0x99: {  	v60 =	vor.u32 v16, v8;
	v35 =	vadd.f32 v56, v7;
	[tilespmem:$0x1FF30] =	vst v1  }
0x9a: {  	v7 =	vor.u32 v16, v17;
	v2 =	vld.idx.msk [tilespmem:v58+s23+$0x0], $0xffff;
	[tilespmem:$0x1FF40] =	vst v5;
	v5 =	vadd.f32 v30, v9  }
0x9b: {  	v23 =	vor.u32 v12, v8  }
0x9c: {  	v27 =	vor.u32 v14, v8;
	[tilespmem:$0x1FF50] =	vst v5  }
0x9d: {  	v33 =	vor.u32 v12, v55;
	v5 =	vld.idx.msk [tilespmem:v28+s23+$0x0], $0xffff  }
0x9e: {  	v62 =	vadd.s32 s0, v0;
	v44 =	vimm.f32 $0.0e+00;
	v63 =	vor.u32 v15, v17;
	v30 =	vld.idx.msk [tilespmem:v60+s23+$0x0], $0xffff  }
0x9f: {  	v41 =	vor.u32 v12, v17;
	v40 =	vor.u32 v10, v55;
	v1 =	vor.u32 v15, v8;
	v7 =	vld.idx.msk [tilespmem:v7+s23+$0x0], $0xffff  }
0xa0: {  	v46 =	vor.u32 v16, v55;
	v43 =	vor.u32 v4, v55;
	v8 =	vor.u32 v13, v8;
	v23 =	vld.idx.msk [tilespmem:v23+s23+$0x0], $0xffff  }
0xa1: {  	v48 =	vand.u32 $0x7F, v62;
	v9 =	vor.u32 v14, v55;
	v36 =	vsub.f32 v19, v29;
	v49 =	vld.idx.msk [tilespmem:v27+s23+$0x0], $0xffff  }
0xa2: {  	v19 =	vor.u32 v15, v55;
	v37 =	vsub.f32 v61, v29;
	v55 =	vor.u32 v16, v48;
	v61 =	vld.idx.msk [tilespmem:v33+s23+$0x0], $0xffff  }
0xa3: {  	v52 =	vor.u32 v10, v48;
	v18 =	vor.u32 v11, v48;
	v62 =	vor.u32 v15, v48;
	v63 =	vld.idx.msk [tilespmem:v63+s23+$0x0], $0xffff  }
0xa4: {  	v50 =	vor.u32 v14, v48;
	v3 =	vsub.f32 v3, v29;
	v58 =	vor.u32 v13, v48;
	v1 =	vld.idx.msk [tilespmem:v1+s23+$0x0], $0xffff  }
0xa5: {  	v45 =	vmul.f32 v37, v37;
	v28 =	vor.u32 v13, v17;
	v39 =	vsub.f32 v57, v42;
	v8 =	vld.idx.msk [tilespmem:v8+s23+$0x0], $0xffff  }
0xa6: {  	v47 =	vsub.f32 v59, v42;
	v27 =	vor.u32 v4, v48;
	v60 =	vor.u32 v12, v48;
	v9 =	vld.idx.msk [tilespmem:v9+s23+$0x0], $0xffff  }
0xa7: {  	v17 =	vor.u32 v14, v17;
	v57 =	vmul.f32 v36, v36;
	v6 =	vsub.f32 v6, v42;
	v48 =	vld.idx.msk [tilespmem:v55+s23+$0x0], $0xffff  }
0xa8: {  	v2 =	vsub.f32 v2, v34;
	v53 =	vmul.f32 v47, v47;
	v55 =	vld.idx.msk [tilespmem:v40+s23+$0x0], $0xffff;
	v40 =	vimm.f32 $0.0e+00  }
0xa9: {  	v54 =	vld.idx.msk [tilespmem:v19+s23+$0x0], $0xffff;
	v56 =	vmul.f32 v6, v6;
	v19 =	vsub.f32 v23, v42;
	v7 =	vsub.f32 v7, v29  }
0xaa: {  	v38 =	vmul.f32 v2, v2;
	v2 =	vld.idx.msk [tilespmem:v43+s23+$0x0], $0xffff;
	v5 =	vsub.f32 v5, v34;
	v30 =	vsub.f32 v30, v42  }
0xab: {  	v43 =	vimm.f32 $0.0e+00;
	v23 =	vld.idx.msk [tilespmem:v28+s23+$0x0], $0xffff;
	v47 =	vsub.f32 v61, v34;
	v1 =	vsub.f32 v1, v42  }
0xac: {  	v61 =	vmul.f32 v39, v39;
	v59 =	vsub.f32 v8, v42;
	v42 =	vsub.f32 v49, v42;
	v49 =	vld.idx.msk [tilespmem:v62+s23+$0x0], $0xffff  }
0xad: {  	v6 =	vsub.f32 v63, v29;
	v62 =	vmul.f32 v3, v3;
	v33 =	vmul.f32 v7, v7;
	v7 =	vld.idx.msk [tilespmem:v27+s23+$0x0], $0xffff  }
0xae: {  	v39 =	vimm.f32 $0.0e+00;
	v28 =	vmul.f32 v19, v19;
	v51 =	vmul.f32 v5, v5;
	v5 =	vld.idx.msk [tilespmem:v46+s23+$0x0], $0xffff  }
0xaf: {  	v9 =	vsub.f32 v9, v34;
	v27 =	vmul.f32 v30, v30;
	v19 =	vmul.f32 v1, v1;
	v1 =	vld.idx.msk [tilespmem:v41+s23+$0x0], $0xffff  }
0xb0: {  	v46 =	vld.idx.msk [tilespmem:v52+s23+$0x0], $0xffff;
	v37 =	vmul.f32 v6, v6;
	v6 =	vsub.f32 v48, v22;
	v36 =	vmul.f32 v47, v47  }
0xb1: {  	v52 =	vld.idx.msk [tilespmem:v60+s23+$0x0], $0xffff;
	v60 =	vimm.f32 $0.0e+00;
	v47 =	vimm.f32 $0.0e+00;
	v2 =	vsub.f32 v2, v34  }
0xb2: {  	v41 =	vmul.f32 v42, v42;
	v30 =	vmul.f32 v9, v9;
	v9 =	vld.idx.msk [tilespmem:v58+s23+$0x0], $0xffff;
	v8 =	vsub.f32 v23, v29  }
0xb3: {  	v23 =	vsub.f32 v54, v34;
	v54 =	vmul.f32 v2, v2;
	v48 =	vsub.f32 v49, v22  }
0xb4: {  	v49 =	vimm.f32 $0.0e+00;
	v7 =	vsub.f32 v7, v22;
	v1 =	vsub.f32 v1, v29  }
0xb5: {  	v2 =	vld.idx.msk [tilespmem:v18+s23+$0x0], $0xffff;
	v23 =	vmul.f32 v23, v23;
	v58 =	vsub.f32 v5, v34;
	v3 =	vsub.f32 v46, v22  }
0xb6: {  	v63 =	vmul.f32 v8, v8;
	v46 =	vimm.f32 $0.0e+00;
	v42 =	vmul.f32 v1, v1;
	v1 =	vld.idx.msk [tilespmem:v17+s23+$0x0], $0xffff  }
0xb7: {  	s15 =	simm.s32 $0x4;
	v7 =	vmul.f32 v7, v7;
	v5 =	vmul.f32 v3, v3;
	v3 =	vsub.f32 v9, v22  }
.LBB2_5:
0xb8: {  	p1 =	slt.u32 s15, $0x7C  }
0xb9: {  	v7 =	vadd.f32 v7, v44;
	v6 =	vmul.f32 v6, v6;
	v8 =	vmul.f32 v59, v59;
	s4 =	sadd.s32 $0x4, s4;
	s16 =	smov.u32 s15;
	s15 =	sadd.s32 $0x4, s15  }
0xba: {  	v59 =	vmul.f32 v58, v58;
	s0 =	sadd.s32 $0x1, s16;
	v5 =	vadd.f32 v5, v60;
	v3 =	vmul.f32 v3, v3  }
0xbb: {  	v1 =	vsub.f32 v1, v29;
	v2 =	vsub.f32 v2, v22;
	v9 =	vadd.s32 s0, v0  }
0xbc: {  	v58 =	vand.u32 $0x7F, v9;
	v3 =	vadd.f32 v3, v49;
	v9 =	vld.idx.msk [tilespmem:v50+s23+$0x0], $0xffff;
	v5 =	vadd.f32 v62, v5  }
0xbd: {  	v2 =	vmul.f32 v2, v2;
	v17 =	vor.u32 v10, v58;
	v18 =	vor.u32 v11, v58  }
0xbe: {  	s0 =	sadd.s32 $0x2, s16;
	v44 =	vor.u32 v4, v58;
	v3 =	vadd.f32 v63, v3;
	v5 =	vadd.f32 v61, v5  }
0xbf: {  	v29 =	vadd.s32 s0, v0;
	v2 =	vadd.f32 v2, v46  }
0xc0: {  	v7 =	vadd.f32 v57, v7;
	v50 =	vand.u32 $0x7F, v29;
	v3 =	vadd.f32 v8, v3  }
0xc1: {  	v8 =	vor.u32 v10, v50;
	v2 =	vadd.f32 v45, v2;
	v45 =	vsub.f32 v55, v34;
	v29 =	vld [tilespmem:s4+$0xFFFFFFFF]  }
0xc2: {  	v7 =	vadd.f32 v56, v7;
	v34 =	vor.u32 v4, v50;
	v9 =	vsub.f32 v9, v22;
	v17 =	vld.idx.msk [tilespmem:v17+s23+$0x0], $0xffff  }
0xc3: {  	s0 =	sadd.s32 $0x3, s16;
	v2 =	vadd.f32 v53, v2;
	v49 =	vadd.f32 v51, v3;
	v55 =	vld.idx.msk [tilespmem:v44+s23+$0x0], $0xffff;
	v44 =	vor.u32 v11, v50  }
0xc4: {  	v46 =	vadd.s32 s0, v0;
	v51 =	vor.u32 v15, v50;
	v9 =	vmul.f32 v9, v9;
	v3 =	vld [tilespmem:s4+$0xFFFFFFFE]  }
0xc5: {  	v57 =	vand.u32 $0x7F, v46;
	v53 =	vor.u32 v16, v58;
	v46 =	vadd.f32 v38, v2;
	v56 =	vld [tilespmem:s4+$0x0]  }
0xc6: {  	v1 =	vmul.f32 v1, v1;
	v38 =	vor.u32 v11, v57;
	v2 =	vld.idx.msk [tilespmem:v8+s23+$0x0], $0xffff;
	v8 =	vor.u32 v10, v57  }
0xc7: {  	v62 =	vor.u32 v12, v50;
	v63 =	vor.u32 v13, v57;
	v9 =	vadd.f32 v9, v47;
	v60 =	vld.idx.msk [tilespmem:v34+s23+$0x0], $0xffff  }
0xc8: {  	v47 =	vor.u32 v16, v50;
	v61 =	vsub.f32 v17, v29;
	v17 =	vld.idx.msk [tilespmem:v44+s23+$0x0], $0xffff;
	v44 =	vadd.f32 v54, v7  }
0xc9: {  	v1 =	vadd.f32 v1, v9;
	v7 =	vsub.f32 v55, v29;
	v54 =	vor.u32 v12, v58;
	v34 =	vld [tilespmem:s4+$0x1]  }
0xca: {  	v22 =	vsub.f32 v52, v22;
	v55 =	vor.u32 v15, v57;
	v9 =	vld.idx.msk [tilespmem:v18+s23+$0x0], $0xffff;
	v18 =	vor.u32 v13, v58  }
0xcb: {  	v48 =	vmul.f32 v48, v48;
	v20 =	vor.u32 v16, v57;
	v52 =	vor.u32 v14, v50;
	v38 =	vld.idx.msk [tilespmem:v38+s23+$0x0], $0xffff  }
0xcc: {  	v22 =	vmul.f32 v22, v22;
	v21 =	vsub.f32 v2, v56;
	v2 =	vld.idx.msk [tilespmem:v63+s23+$0x0], $0xffff;
	v63 =	vor.u32 v14, v57  }
0xcd: {  	v6 =	vadd.f32 v6, v40;
	v25 =	vor.u32 v13, v50;
	v24 =	vsub.f32 v60, v56;
	v26 =	vld.idx.msk [tilespmem:v47+s23+$0x0], $0xffff  }
0xce: {  	v45 =	vmul.f32 v45, v45;
	v43 =	vadd.f32 v22, v43;
	v17 =	vsub.f32 v17, v56;
	v40 =	vld.idx.msk [tilespmem:v53+s23+$0x0], $0xffff  }
0xcf: {  	v39 =	vadd.f32 v48, v39;
	v1 =	vadd.f32 v41, v1;
	v53 =	vor.u32 v12, v57;
	v47 =	vld.idx.msk [tilespmem:v62+s23+$0x0], $0xffff  }
0xd0: {  	v6 =	vadd.f32 v33, v6;
	v41 =	vadd.s32 s16, v0;
	v22 =	vmovc v3;
	v9 =	vsub.f32 v9, v29;
	v48 =	vld.idx.msk [tilespmem:v51+s23+$0x0], $0xffff  }
0xd1: {  	v37 =	vadd.f32 v37, v39;
	v33 =	vor.u32 v4, v57;
	v3 =	vand.u32 $0x7F, v41;
	v41 =	vld.idx.msk [tilespmem:v63+s23+$0x0], $0xffff  }
0xd2: {  	v39 =	vadd.f32 v42, v43;
	v57 =	vor.u32 v10, v3;
	v51 =	vor.u32 v4, v3;
	v52 =	vld.idx.msk [tilespmem:v52+s23+$0x0], $0xffff  }
0xd3: {  	v42 =	vor.u32 v11, v3;
	v62 =	vor.u32 v12, v3;
	v63 =	vor.u32 v16, v3;
	v20 =	vld.idx.msk [tilespmem:v20+s23+$0x0], $0xffff  }
0xd4: {  	v31 =	vor.u32 v13, v3;
	v50 =	vor.u32 v14, v3;
	v60 =	vadd.f32 v45, v5;
	v32 =	vld.idx.msk [tilespmem:v55+s23+$0x0], $0xffff  }
0xd5: {  	v6 =	vadd.f32 v27, v6;
	v45 =	vmul.f32 v9, v9;
	v5 =	vsub.f32 v47, v56;
	v9 =	vld.idx.msk [tilespmem:v25+s23+$0x0], $0xffff  }
0xd6: {  	v27 =	vadd.f32 v19, v37;
	v25 =	vor.u32 v15, v58;
	v55 =	vld.idx.msk [tilespmem:v8+s23+$0x0], $0xffff;
	v8 =	vsub.f32 v38, v34  }
0xd7: {  	v37 =	vsub.f32 v40, v29;
	v19 =	vsub.f32 v48, v56;
	v5 =	vmul.f32 v5, v5;
	v18 =	vld.idx.msk [tilespmem:v18+s23+$0x0], $0xffff  }
0xd8: {  	v2 =	vsub.f32 v2, v34;
	v47 =	vadd.f32 v30, v1;
	v38 =	vmul.f32 v8, v8;
	v8 =	vld.idx.msk [tilespmem:v53+s23+$0x0], $0xffff  }
0xd9: {  	v40 =	vadd.f32 v59, v6;
	v30 =	vsub.f32 v41, v34;
	v19 =	vmul.f32 v19, v19;
	v1 =	vld.idx.msk [tilespmem:v33+s23+$0x0], $0xffff  }
0xda: {  	v28 =	vadd.f32 v28, v39;
	v3 =	vor.u32 v15, v3;
	v26 =	vsub.f32 v26, v56;
	v6 =	vld.idx.msk [tilespmem:v54+s23+$0x0], $0xffff  }
0xdb: {  	v39 =	vadd.f32 v23, v27;
	v33 =	vmul.f32 v37, v37;
	v59 =	vsub.f32 v9, v56;
	v25 =	vld.idx.msk [tilespmem:v25+s23+$0x0], $0xffff  }
0xdc: {  	v43 =	vadd.f32 v36, v28;
	v27 =	vmul.f32 v26, v26;
	v9 =	vld.idx.msk [tilespmem:v51+s23+$0x0], $0xffff;
	v51 =	vmul.f32 v2, v2  }
0xdd: {  	v26 =	vor.u32 v14, v58;
	v53 =	vmul.f32 v17, v17;
	v18 =	vsub.f32 v18, v29;
	v2 =	vld.idx.msk [tilespmem:v57+s23+$0x0], $0xffff  }
0xde: {  	v36 =	vsub.f32 v52, v56;
	v28 =	vmov v5;
	v8 =	vsub.f32 v8, v34;
	v17 =	vld.idx.msk [tilespmem:v63+s23+$0x0], $0xffff  }
0xdf: {  	v57 =	vmul.f32 v7, v7;
	v5 =	vsub.f32 v1, v34;
	v1 =	vsub.f32 v32, v34;
	v3 =	vld.idx.msk [tilespmem:v3+s23+$0x0], $0xffff  }
0xe0: {  	v58 =	vsub.f32 v20, v34;
	v56 =	vmul.f32 v24, v24;
	v32 =	vsub.f32 v6, v29;
	v31 =	vld.idx.msk [tilespmem:v31+s23+$0x0], $0xffff  }
0xe1: {  	v30 =	vmul.f32 v30, v30;
	v6 =	vsub.f32 v25, v29;
	v23 =	vmul.f32 v1, v1;
	v52 =	vld.idx.msk [tilespmem:v62+s23+$0x0], $0xffff  }
.Ltmp3:
0xe2: {  	v41 =	vmul.f32 v36, v36;
	v7 =	vsub.f32 v9, v22;
	v62 =	vmul.f32 v61, v61;
	v1 =	vld.idx.msk [tilespmem:v26+s23+$0x0], $0xffff;
	(pc) =	sbr.rel @p1 .LBB2_5-.Ltmp3, $4  }
0xe3: {  	v54 =	vmul.f32 v5, v5;
	v9 =	vsub.f32 v2, v22;
	v37 =	vmul.f32 v6, v6;
	v2 =	vld.idx.msk [tilespmem:v42+s23+$0x0], $0xffff  }
0xe4: {  	v61 =	vmul.f32 v21, v21;
	v7 =	vmul.f32 v7, v7;
	v6 =	vsub.f32 v17, v22  }
0xe5: {  	v36 =	vmul.f32 v8, v8;
	v42 =	vmul.f32 v32, v32;
	v48 =	vsub.f32 v3, v22  }
0xe6: {  	v63 =	vmul.f32 v18, v18;
	v5 =	vmul.f32 v9, v9;
	v3 =	vsub.f32 v31, v22  }
0xe7: {  	v9 =	vld [tilespmem:$0x1FF60]  }
0xe8: {  	v18 =	vld [tilespmem:$0x1FF10]  }
0xe9: {  	v17 =	vld [tilespmem:$0x1FF70]  }
0xea: {  	s0 =	sadd.s32 s6, s3  }
0xeb: {  	s4 =	smov.u32 s7;
	p1 =	slt.s32 s0, s7  }
0xec: {  	s4 =	smov.u32 @p1 s0  }
0xed: {  	v8 =	vor.u32 s4, v0  }
0xee: {  	vm0 =	veq.f32 v18, v9;
	vm1 =	vlt.s32 v8, v17  }
0xef: {  	vm7 =	vlt.f32 v18, v9;
	vm0 =	vmand vm1, vm0  }
0xf0: {  	s0 =	sadd.s32 $0x10, s4;
	vm0 =	vmor vm7, vm0  }
0xf1: {  	v21 =	vld [tilespmem:$0x1FF00];
	v9 =	vsel vm0, v18, v9;
	v8 =	vsel vm0, v8, v17;
	v17 =	vor.u32 s0, v0  }
0xf2: {  	vm8 =	veq.f32 v35, v9;
	vm9 =	vlt.s32 v17, v8  }
0xf3: {  	vm10 =	vlt.f32 v35, v9;
	vm0 =	vmand vm8, vm9  }
0xf4: {  	s16 =	sadd.s32 $0x20, s4;
	vm0 =	vmor vm10, vm0  }
0xf5: {  	v18 =	vor.u32 s16, v0;
	v9 =	vsel vm0, v35, v9;
	v8 =	vsel vm0, v17, v8  }
0xf6: {  	vm11 =	veq.f32 v21, v9;
	vm12 =	vlt.s32 v18, v8  }
0xf7: {  	vm2 =	vlt.f32 v21, v9;
	vm0 =	vmand vm11, vm12  }
0xf8: {  	vm0 =	vmor vm2, vm0  }
0xf9: {  	v9 =	vsel vm0, v21, v9;
	v21 =	vld [tilespmem:$0x1FF50];
	_ =	sdelay $0x2  }
0xfa: {  	s15 =	sadd.s32 $0x30, s4  }
0xfb: {  	v24 =	vld [tilespmem:$0x1FEF0];
	v8 =	vsel vm0, v18, v8;
	v18 =	vor.u32 s15, v0  }
0xfc: {  	vm14 =	vlt.s32 v18, v8;
	vm13 =	veq.f32 v21, v9  }
0xfd: {  	vm15 =	vlt.f32 v21, v9;
	vm0 =	vmand vm13, vm14  }
0xfe: {  	s16 =	sadd.s32 $0x40, s4;
	vm0 =	vmor vm15, vm0  }
0xff: {  	v9 =	vsel vm0, v21, v9;
	v8 =	vsel vm0, v18, v8;
	v18 =	vor.u32 s16, v0  }
0x100: {  	vm4 =	veq.f32 v24, v9;
	vm5 =	vlt.s32 v18, v8  }
0x101: {  	vm6 =	vlt.f32 v24, v9;
	vm0 =	vmand vm4, vm5  }
0x102: {  	vm0 =	vmor vm6, vm0  }
0x103: {  	v9 =	vsel vm0, v24, v9;
	v24 =	vld [tilespmem:$0x1FF20];
	_ =	sdelay $0x2  }
0x104: {  	s15 =	sadd.s32 $0x50, s4  }
0x105: {  	v8 =	vsel vm0, v18, v8;
	v18 =	vor.u32 s15, v0  }
0x106: {  	vm8 =	vlt.s32 v18, v8;
	vm7 =	veq.f32 v24, v9  }
0x107: {  	vm9 =	vlt.f32 v24, v9;
	vm0 =	vmand vm7, vm8  }
0x108: {  	vm0 =	vmor vm9, vm0  }
0x109: {  	v9 =	vsel vm0, v24, v9;
	v24 =	vld [tilespmem:$0x1FF40];
	_ =	sdelay $0x1  }
0x10a: {  	v7 =	vadd.f32 v7, v44;
	v6 =	vmul.f32 v6, v6;
	v1 =	vsub.f32 v1, v29  }
0x10b: {  	v5 =	vadd.f32 v5, v60;
	v3 =	vmul.f32 v3, v3;
	v2 =	vsub.f32 v2, v22;
	s16 =	sadd.s32 $0x60, s4  }
0x10c: {  	v7 =	vadd.f32 v57, v7;
	v8 =	vsel vm0, v18, v8;
	v18 =	vor.u32 s16, v0  }
0x10d: {  	v6 =	vadd.f32 v6, v40;
	vm11 =	vlt.s32 v18, v8;
	vm10 =	veq.f32 v24, v9  }
0x10e: {  	v3 =	vadd.f32 v3, v49;
	vm12 =	vlt.f32 v24, v9;
	vm0 =	vmand vm10, vm11  }
0x10f: {  	v5 =	vadd.f32 v62, v5;
	v2 =	vmul.f32 v2, v2;
	vm0 =	vmor vm12, vm0  }
0x110: {  	v7 =	vadd.f32 v56, v7;
	v6 =	vadd.f32 v33, v6;
	v9 =	vsel vm0, v24, v9;
	v24 =	vld [tilespmem:$0x1FF30]  }
0x111: {  	v20 =	vmul.f32 v59, v59;
	v3 =	vadd.f32 v63, v3;
	v5 =	vadd.f32 v61, v5  }
0x112: {  	v2 =	vadd.f32 v2, v46;
	v7 =	vadd.f32 v54, v7;
	v21 =	vld.idx.msk [tilespmem:v50+s23+$0x0], $0xffff  }
0x113: {  	v1 =	vmul.f32 v1, v1;
	v6 =	vadd.f32 v27, v6;
	v3 =	vadd.f32 v20, v3;
	s15 =	sadd.s32 $0x70, s4  }
0x114: {  	v2 =	vadd.f32 v45, v2;
	v8 =	vsel vm0, v18, v8;
	v18 =	vor.u32 s15, v0  }
0x115: {  	v20 =	vsub.f32 v55, v34;
	s0 =	sadd.s32 s3, s8;
	vm14 =	vlt.s32 v18, v8;
	vm13 =	veq.f32 v24, v9  }
0x116: {  	v2 =	vadd.f32 v53, v2;
	p1 =	slt.s32 s0, s7;
	s15 =	smov.u32 s7;
	vm15 =	vlt.f32 v24, v9;
	vm0 =	vmand vm13, vm14  }
0x117: {  	v20 =	vmul.f32 v20, v20;
	v21 =	vsub.f32 v21, v22;
	s15 =	smov.u32 @p1 s0;
	vm0 =	vmor vm15, vm0  }
0x118: {  	v9 =	vsel vm0, v24, v9;
	v8 =	vsel vm0, v18, v8;
	v18 =	vor.u32 s15, v0  }
0x119: {  	v22 =	vsub.f32 v52, v22;
	vm4 =	veq.f32 v7, v9;
	vm5 =	vlt.s32 v18, v8  }
0x11a: {  	v5 =	vadd.f32 v20, v5;
	vm6 =	vlt.f32 v7, v9;
	vm0 =	vmand vm5, vm4  }
0x11b: {  	v2 =	vadd.f32 v38, v2;
	v22 =	vmul.f32 v22, v22;
	s0 =	sadd.s32 $0x10, s15;
	vm0 =	vmor vm6, vm0  }
0x11c: {  	v7 =	vsel vm0, v7, v9;
	v8 =	vsel vm0, v18, v8;
	v9 =	vor.u32 s0, v0  }
0x11d: {  	v18 =	vadd.f32 v22, v43;
	vm7 =	veq.f32 v5, v7;
	vm8 =	vlt.s32 v9, v8  }
0x11e: {  	v17 =	vmul.f32 v58, v58;
	vm9 =	vlt.f32 v5, v7;
	vm0 =	vmand vm7, vm8  }
0x11f: {  	v21 =	vmul.f32 v21, v21;
	s16 =	sadd.s32 $0x20, s15;
	v18 =	vadd.f32 v42, v18;
	vm0 =	vmor vm9, vm0  }
0x120: {  	v5 =	vsel vm0, v5, v7;
	v7 =	vsel vm0, v9, v8;
	v8 =	vor.u32 s16, v0  }
0x121: {  	v9 =	vadd.f32 v28, v18;
	vm10 =	veq.f32 v2, v5;
	vm11 =	vlt.s32 v8, v7  }
0x122: {  	v21 =	vadd.f32 v21, v47;
	vm12 =	vlt.f32 v2, v5;
	vm0 =	vmand vm10, vm11  }
0x123: {  	p1 =	seq.s32 s1, $0x7;
	s4 =	sadd.s32 $0x30, s15;
	v18 =	vmul.f32 v48, v48;
	v9 =	vadd.f32 v36, v9;
	vm0 =	vmor vm12, vm0  }
0x124: {  	s0 =	sadd.s32 @!p1 s3, s18;
	v2 =	vsel vm0, v2, v5;
	v5 =	vsel vm0, v8, v7;
	v7 =	vor.u32 s4, v0  }
0x125: {  	v1 =	vadd.f32 v1, v21;
	p2 =	slt.s32 @!p1 s0, s7;
	vm13 =	veq.f32 v9, v2;
	vm14 =	vlt.s32 v7, v5  }
0x126: {  	p2 =	por !p2, p1;
	v8 =	vadd.f32 v18, v39;
	vm15 =	vlt.f32 v9, v2;
	vm0 =	vmand vm13, vm14  }
0x127: {  	v3 =	vadd.f32 v51, v3;
	v6 =	vadd.f32 v17, v6;
	s0 =	smov.u32 @p2 s7;
	vm0 =	vmor vm15, vm0  }
0x128: {  	v1 =	vadd.f32 v41, v1;
	s16 =	sadd.s32 $0x40, s15;
	s0 =	sshll.u32 @!p1 s0, $0x4;
	s4 =	simm.s32 $0x1;
	v8 =	vadd.f32 v37, v8;
	v2 =	vsel vm0, v9, v2  }
0x129: {  	s0 =	sadd.s32 @!p1 s2, s0;
	v5 =	vsel vm0, v7, v5;
	v7 =	vor.u32 s16, v0;
	s16 =	simm.s32 @!p1 $0x0;
	v9 =	vadd.s32 s4, v0;
	s4 =	simm.s32 @!p1 $0x4000  }
0x12a: {  	v1 =	vadd.f32 v30, v1;
	v8 =	vadd.f32 v19, v8;
	vm4 =	veq.f32 v3, v2;
	[tilespmem:s4], [sflag:$0x2] =	stream.linear.gather @!p1 [hbm4b:s0+s16], $0x4000, $0x38;
	[tilespmem:$0xC420] =	vst v63  }
0x12b: {  	vm5 =	vlt.s32 v7, v5;
	vm6 =	vlt.f32 v3, v2;
	v9 =	vand.u32 $0x7F, v9;
	s4 =	simm.s32 $0x2  }
0x12c: {  	vm0 =	vmand vm4, vm5;
	v18 =	vor.u32 v4, v9;
	v19 =	vadd.s32 s4, v0  }
0x12d: {  	s16 =	sadd.s32 $0x50, s15;
	v8 =	vadd.f32 v23, v8;
	v25 =	vor.u32 v11, v9;
	vm0 =	vmor vm6, vm0  }
0x12e: {  	_ =	swait.ge [sflag:s28], $0x4000;
	v2 =	vsel vm0, v3, v2;
	v5 =	vsel vm0, v7, v5;
	v7 =	vor.u32 s16, v0  }
0x12f: {  	[sflag:s28] =	ssyncset.done $0x0;
	v19 =	vand.u32 $0x7F, v19;
	vm7 =	veq.f32 v1, v2;
	vm8 =	vlt.s32 v7, v5  }
0x130: {  	v3 =	vor.u32 v10, v9;
	[sflag:s28] =	ssyncadd.s32 $0xFFFFC000;
	vm9 =	vlt.f32 v1, v2;
	vm0 =	vmand vm7, vm8  }
0x131: {  	s4 =	simm.s32 $0xC002;
	v22 =	vor.u32 v10, v19;
	s16 =	sadd.s32 $0x60, s15;
	vm0 =	vmor vm9, vm0;
	v23 =	vld.idx.msk [tilespmem:v18+s24+$0x0], $0xffff;
	v18 =	vor.u32 v11, v19  }
0x132: {  	v20 =	vld [tilespmem:s4+$0xFFFFFFFF];
	v1 =	vsel vm0, v1, v2;
	v2 =	vsel vm0, v7, v5;
	v7 =	vor.u32 s16, v0;
	s16 =	simm.s32 $0x3  }
0x133: {  	v21 =	vld [tilespmem:s4+$0xFFFFFFFE];
	vm11 =	veq.f32 v8, v1;
	vm12 =	vlt.s32 v7, v2;
	v24 =	vadd.s32 s16, v0  }
0x134: {  	v27 =	vld [tilespmem:s4+$0x0];
	vm10 =	vlt.f32 v8, v1;
	vm1 =	vmand vm11, vm12;
	v26 =	vand.u32 $0x7F, v24  }
0x135: {  	s15 =	sadd.s32 $0x70, s15;
	v25 =	vld.idx.msk [tilespmem:v25+s24+$0x0], $0xffff;
	v5 =	vor.u32 v4, v19;
	vm0 =	vmor vm10, vm1;
	v28 =	vor.u32 v11, v26  }
0x136: {  	v3 =	vld.idx.msk [tilespmem:v3+s24+$0x0], $0xffff;
	v1 =	vsel vm0, v8, v1;
	v2 =	vsel vm0, v7, v2;
	v7 =	vor.u32 s15, v0  }
0x137: {  	v22 =	vld.idx.msk [tilespmem:v22+s24+$0x0], $0xffff;
	v8 =	vor.u32 v13, v26;
	vm13 =	veq.f32 v6, v1;
	vm14 =	vlt.s32 v7, v2  }
0x138: {  	v31 =	vor.u32 v16, v19;
	v24 =	vld [tilespmem:s4+$0x1];
	vm15 =	vlt.f32 v6, v1;
	vm0 =	vmand vm13, vm14  }
0x139: {  	v32 =	vor.u32 v16, v9;
	v30 =	vld.idx.msk [tilespmem:v18+s24+$0x0], $0xffff;
	vm0 =	vmor vm15, vm0  }
0x13a: {  	v56 =	vor.u32 v12, v19;
	v5 =	vld.idx.msk [tilespmem:v5+s24+$0x0], $0xffff;
	v17 =	vsel vm0, v6, v1;
	v1 =	vsel vm0, v7, v2  }
0x13b: {  	v57 =	vor.u32 v15, v19;
	v28 =	vld.idx.msk [tilespmem:v28+s24+$0x0], $0xffff;
	[tilespmem:$0x1FEE0] =	vst v1  }
0x13c: {  	v58 =	vor.u32 v13, v9;
	v1 =	vld.idx.msk [tilespmem:v8+s24+$0x0], $0xffff  }
0x13d: {  	s16 =	simm.s32 $0x0;
	v59 =	vor.u32 v12, v26;
	v8 =	vld.idx.msk [tilespmem:v31+s24+$0x0], $0xffff  }
0x13e: {  	v35 =	vor.u32 v12, v9;
	v60 =	vadd.s32 s16, v0;
	v32 =	vld.idx.msk [tilespmem:v32+s24+$0x0], $0xffff  }
0x13f: {  	v29 =	vimm.f32 $0.0e+00;
	v55 =	vor.u32 v15, v9;
	v61 =	vand.u32 $0x7F, v60;
	v33 =	vld.idx.msk [tilespmem:v56+s24+$0x0], $0xffff  }
0x140: {  	v41 =	vimm.f32 $0.0e+00;
	v63 =	vor.u32 v4, v61;
	v39 =	vsub.f32 v22, v27;
	v22 =	vld.idx.msk [tilespmem:v57+s24+$0x0], $0xffff  }
0x141: {  	v9 =	vor.u32 v14, v9;
	v38 =	vor.u32 v16, v26;
	v52 =	vor.u32 v10, v61;
	v57 =	vld.idx.msk [tilespmem:v58+s24+$0x0], $0xffff  }
0x142: {  	v62 =	vor.u32 v4, v26;
	v23 =	vsub.f32 v23, v20;
	v53 =	vor.u32 v16, v61;
	v34 =	vld.idx.msk [tilespmem:v59+s24+$0x0], $0xffff  }
0x143: {  	v25 =	vsub.f32 v25, v20;
	v50 =	vor.u32 v11, v61;
	v2 =	vor.u32 v14, v26;
	v58 =	vld.idx.msk [tilespmem:v35+s24+$0x0], $0xffff  }
0x144: {  	v47 =	vor.u32 v12, v61;
	v7 =	vor.u32 v14, v19;
	v19 =	vor.u32 v13, v19;
	v59 =	vld.idx.msk [tilespmem:v55+s24+$0x0], $0xffff  }
0x145: {  	v42 =	vor.u32 v14, v61;
	v40 =	vor.u32 v15, v61;
	v3 =	vsub.f32 v3, v20;
	v43 =	vld.idx.msk [tilespmem:v63+s24+$0x0], $0xffff  }
0x146: {  	v37 =	vmul.f32 v25, v25;
	v6 =	vor.u32 v10, v26;
	v30 =	vsub.f32 v30, v27;
	v60 =	vld.idx.msk [tilespmem:v52+s24+$0x0], $0xffff  }
0x147: {  	v31 =	vor.u32 v15, v26;
	v5 =	vsub.f32 v5, v27;
	v56 =	vor.u32 v13, v61;
	v61 =	vld.idx.msk [tilespmem:v53+s24+$0x0], $0xffff  }
0x148: {  	v52 =	vmul.f32 v23, v23;
	v53 =	vimm.f32 $0.0e+00;
	v2 =	vld.idx.msk [tilespmem:v2+s24+$0x0], $0xffff;
	v28 =	vsub.f32 v28, v24  }
0x149: {  	v44 =	vmul.f32 v30, v30;
	v54 =	vld.idx.msk [tilespmem:v19+s24+$0x0], $0xffff;
	v19 =	vsub.f32 v33, v27;
	v22 =	vsub.f32 v22, v27  }
0x14a: {  	v51 =	vmul.f32 v5, v5;
	v7 =	vld.idx.msk [tilespmem:v7+s24+$0x0], $0xffff;
	v25 =	vsub.f32 v32, v20;
	v1 =	vsub.f32 v1, v24  }
0x14b: {  	v32 =	vmul.f32 v28, v28;
	v28 =	vld.idx.msk [tilespmem:v62+s24+$0x0], $0xffff;
	v8 =	vsub.f32 v8, v27;
	v33 =	vsub.f32 v57, v20  }
0x14c: {  	v31 =	vld.idx.msk [tilespmem:v31+s24+$0x0], $0xffff;
	v36 =	vsub.f32 v58, v20;
	v26 =	vmul.f32 v19, v19;
	v19 =	vmul.f32 v22, v22  }
0x14d: {  	v30 =	vsub.f32 v34, v24;
	v62 =	vld.idx.msk [tilespmem:v40+s24+$0x0], $0xffff;
	v25 =	vmul.f32 v25, v25;
	v22 =	vmul.f32 v8, v8  }
0x14e: {  	v5 =	vsub.f32 v59, v20;
	v63 =	vld.idx.msk [tilespmem:v56+s24+$0x0], $0xffff;
	v35 =	vmul.f32 v1, v1;
	v40 =	vmul.f32 v36, v36  }
0x14f: {  	v8 =	vld.idx.msk [tilespmem:v38+s24+$0x0], $0xffff;
	v38 =	vimm.f32 $0.0e+00;
	v2 =	vsub.f32 v2, v24;
	v48 =	vsub.f32 v54, v27  }
0x150: {  	v36 =	vimm.f32 $0.0e+00;
	v7 =	vsub.f32 v7, v27;
	v28 =	vsub.f32 v28, v24  }
0x151: {  	v1 =	vsub.f32 v31, v24;
	v27 =	vmul.f32 v2, v2;
	v2 =	vsub.f32 v43, v21  }
0x152: {  	v34 =	vmul.f32 v7, v7;
	v31 =	vmul.f32 v5, v5;
	v5 =	vsub.f32 v60, v21  }
0x153: {  	v43 =	vsub.f32 v62, v21;
	v23 =	vmul.f32 v1, v1;
	v1 =	vmul.f32 v3, v3  }
0x154: {  	v50 =	vld.idx.msk [tilespmem:v50+s24+$0x0], $0xffff;
	v55 =	vsub.f32 v63, v21;
	v49 =	vmul.f32 v28, v28;
	v7 =	vmul.f32 v2, v2  }
0x155: {  	v46 =	vld.idx.msk [tilespmem:v6+s24+$0x0], $0xffff;
	v45 =	vsub.f32 v8, v24;
	v2 =	vmul.f32 v39, v39;
	v28 =	vmul.f32 v30, v30  }
0x156: {  	v6 =	vld.idx.msk [tilespmem:v9+s24+$0x0], $0xffff;
	v3 =	vsub.f32 v61, v21;
	v54 =	vmul.f32 v5, v5;
	v5 =	vmul.f32 v33, v33  }
0x157: {  	s15 =	simm.s32 $0x4;
	v47 =	vld.idx.msk [tilespmem:v47+s24+$0x0], $0xffff;
	v39 =	vimm.f32 $0.0e+00;
	v30 =	vimm.f32 $0.0e+00;
	v33 =	vimm.f32 $0.0e+00  }
.LBB2_7:
0x158: {  	p2 =	slt.u32 s15, $0x7C  }
0x159: {  	v7 =	vadd.f32 v7, v29;
	v3 =	vmul.f32 v3, v3;
	v8 =	vmul.f32 v48, v48;
	s4 =	sadd.s32 $0x4, s4;
	s16 =	smov.u32 s15;
	s15 =	sadd.s32 $0x4, s15  }
0x15a: {  	v48 =	vmul.f32 v45, v45;
	s0 =	sadd.s32 $0x1, s16;
	v9 =	vadd.f32 v54, v53;
	v29 =	vmul.f32 v55, v55  }
0x15b: {  	v6 =	vsub.f32 v6, v20;
	v50 =	vsub.f32 v50, v21;
	v45 =	vadd.s32 s0, v0  }
0x15c: {  	v45 =	vand.u32 $0x7F, v45;
	v20 =	vadd.f32 v29, v38;
	v29 =	vld.idx.msk [tilespmem:v42+s24+$0x0], $0xffff;
	v1 =	vadd.f32 v1, v9  }
0x15d: {  	v38 =	vmul.f32 v50, v50;
	v9 =	vor.u32 v10, v45;
	v42 =	vor.u32 v11, v45  }
0x15e: {  	s0 =	sadd.s32 $0x2, s16;
	v50 =	vor.u32 v4, v45;
	v5 =	vadd.f32 v5, v20;
	v1 =	vadd.f32 v2, v1  }
0x15f: {  	v2 =	vadd.s32 s0, v0;
	v36 =	vadd.f32 v38, v36  }
0x160: {  	v7 =	vadd.f32 v52, v7;
	v2 =	vand.u32 $0x7F, v2;
	v5 =	vadd.f32 v8, v5  }
0x161: {  	v8 =	vor.u32 v10, v2;
	v36 =	vadd.f32 v37, v36;
	v37 =	vsub.f32 v46, v24;
	v20 =	vld [tilespmem:s4+$0xFFFFFFFF]  }
0x162: {  	v7 =	vadd.f32 v51, v7;
	v24 =	vor.u32 v4, v2;
	v29 =	vsub.f32 v29, v21;
	v9 =	vld.idx.msk [tilespmem:v9+s24+$0x0], $0xffff  }
0x163: {  	s0 =	sadd.s32 $0x3, s16;
	v51 =	vor.u32 v11, v2;
	v36 =	vadd.f32 v44, v36;
	v38 =	vadd.f32 v35, v5;
	v46 =	vld.idx.msk [tilespmem:v50+s24+$0x0], $0xffff  }
0x164: {  	v35 =	vor.u32 v15, v2;
	v44 =	vadd.s32 s0, v0;
	v29 =	vmul.f32 v29, v29;
	v5 =	vld [tilespmem:s4+$0xFFFFFFFE]  }
0x165: {  	v52 =	vor.u32 v16, v45;
	v44 =	vand.u32 $0x7F, v44;
	v36 =	vadd.f32 v32, v36;
	v54 =	vld [tilespmem:s4+$0x0]  }
0x166: {  	v6 =	vmul.f32 v6, v6;
	v32 =	vor.u32 v10, v44;
	v53 =	vor.u32 v11, v44;
	v8 =	vld.idx.msk [tilespmem:v8+s24+$0x0], $0xffff  }
0x167: {  	v56 =	vor.u32 v12, v2;
	v57 =	vor.u32 v13, v44;
	v39 =	vadd.f32 v29, v39;
	v55 =	vld.idx.msk [tilespmem:v24+s24+$0x0], $0xffff  }
0x168: {  	v29 =	vadd.f32 v49, v7;
	v50 =	vsub.f32 v9, v20;
	v9 =	vld.idx.msk [tilespmem:v51+s24+$0x0], $0xffff;
	v51 =	vor.u32 v16, v2  }
0x169: {  	v49 =	vor.u32 v12, v45;
	v6 =	vadd.f32 v6, v39;
	v7 =	vsub.f32 v46, v20;
	v24 =	vld [tilespmem:s4+$0x1]  }
0x16a: {  	v58 =	vor.u32 v13, v45;
	v21 =	vsub.f32 v47, v21;
	v46 =	vor.u32 v15, v44;
	v39 =	vld.idx.msk [tilespmem:v42+s24+$0x0], $0xffff  }
0x16b: {  	v43 =	vmul.f32 v43, v43;
	v42 =	vor.u32 v14, v2;
	v47 =	vld.idx.msk [tilespmem:v53+s24+$0x0], $0xffff;
	v53 =	vor.u32 v16, v44  }
0x16c: {  	v21 =	vmul.f32 v21, v21;
	v59 =	vor.u32 v14, v44;
	v8 =	vsub.f32 v8, v54;
	v57 =	vld.idx.msk [tilespmem:v57+s24+$0x0], $0xffff  }
0x16d: {  	v3 =	vadd.f32 v3, v30;
	v2 =	vor.u32 v13, v2;
	v55 =	vsub.f32 v55, v54;
	v51 =	vld.idx.msk [tilespmem:v51+s24+$0x0], $0xffff  }
0x16e: {  	v37 =	vmul.f32 v37, v37;
	v41 =	vadd.f32 v21, v41;
	v9 =	vsub.f32 v9, v54;
	v30 =	vld.idx.msk [tilespmem:v52+s24+$0x0], $0xffff  }
0x16f: {  	v33 =	vadd.f32 v43, v33;
	v6 =	vadd.f32 v34, v6;
	v52 =	vld.idx.msk [tilespmem:v56+s24+$0x0], $0xffff;
	v56 =	vor.u32 v12, v44  }
0x170: {  	v3 =	vadd.f32 v25, v3;
	v34 =	vadd.s32 s16, v0;
	v21 =	vmovc v5;
	v39 =	vsub.f32 v39, v20;
	v35 =	vld.idx.msk [tilespmem:v35+s24+$0x0], $0xffff  }
0x171: {  	v31 =	vadd.f32 v31, v33;
	v25 =	vor.u32 v4, v44;
	v5 =	vand.u32 $0x7F, v34;
	v34 =	vld.idx.msk [tilespmem:v59+s24+$0x0], $0xffff  }
0x172: {  	v33 =	vadd.f32 v40, v41;
	v43 =	vor.u32 v4, v5;
	v44 =	vor.u32 v10, v5;
	v59 =	vld.idx.msk [tilespmem:v42+s24+$0x0], $0xffff  }
0x173: {  	v40 =	vor.u32 v11, v5;
	v60 =	vor.u32 v12, v5;
	v61 =	vor.u32 v16, v5;
	v62 =	vld.idx.msk [tilespmem:v53+s24+$0x0], $0xffff  }
0x174: {  	v63 =	vor.u32 v13, v5;
	v42 =	vor.u32 v14, v5;
	v53 =	vadd.f32 v37, v1;
	v18 =	vld.idx.msk [tilespmem:v46+s24+$0x0], $0xffff  }
0x175: {  	v3 =	vadd.f32 v22, v3;
	v37 =	vmul.f32 v39, v39;
	v1 =	vsub.f32 v52, v54;
	v2 =	vld.idx.msk [tilespmem:v2+s24+$0x0], $0xffff  }
0x176: {  	v22 =	vor.u32 v15, v45;
	v31 =	vadd.f32 v19, v31;
	v46 =	vld.idx.msk [tilespmem:v32+s24+$0x0], $0xffff;
	v32 =	vsub.f32 v47, v24  }
0x177: {  	v41 =	vsub.f32 v30, v20;
	v19 =	vsub.f32 v35, v54;
	v1 =	vmul.f32 v1, v1;
	v47 =	vld.idx.msk [tilespmem:v58+s24+$0x0], $0xffff  }
0x178: {  	v39 =	vadd.f32 v27, v6;
	v35 =	vsub.f32 v57, v24;
	v32 =	vmul.f32 v32, v32;
	v52 =	vld.idx.msk [tilespmem:v56+s24+$0x0], $0xffff  }
0x179: {  	v30 =	vadd.f32 v48, v3;
	v27 =	vsub.f32 v34, v24;
	v19 =	vmul.f32 v19, v19;
	v6 =	vld.idx.msk [tilespmem:v25+s24+$0x0], $0xffff  }
0x17a: {  	v26 =	vadd.f32 v26, v33;
	v3 =	vor.u32 v15, v5;
	v34 =	vsub.f32 v51, v54;
	v5 =	vld.idx.msk [tilespmem:v49+s24+$0x0], $0xffff  }
0x17b: {  	v33 =	vadd.f32 v23, v31;
	v25 =	vmul.f32 v41, v41;
	v48 =	vsub.f32 v2, v54;
	v49 =	vld.idx.msk [tilespmem:v22+s24+$0x0], $0xffff  }
0x17c: {  	v35 =	vmul.f32 v35, v35;
	v41 =	vadd.f32 v28, v26;
	v22 =	vmul.f32 v34, v34;
	v2 =	vld.idx.msk [tilespmem:v43+s24+$0x0], $0xffff  }
0x17d: {  	v31 =	vor.u32 v14, v45;
	v56 =	vsub.f32 v47, v20;
	v28 =	vld.idx.msk [tilespmem:v44+s24+$0x0], $0xffff;
	v44 =	vmul.f32 v9, v9  }
0x17e: {  	v26 =	vmov v1;
	v34 =	vsub.f32 v59, v54;
	v54 =	vsub.f32 v52, v24;
	v9 =	vld.idx.msk [tilespmem:v61+s24+$0x0], $0xffff  }
0x17f: {  	v1 =	vsub.f32 v18, v24;
	v52 =	vmul.f32 v7, v7;
	v43 =	vld.idx.msk [tilespmem:v3+s24+$0x0], $0xffff;
	v3 =	vsub.f32 v6, v24  }
0x180: {  	v51 =	vmul.f32 v55, v55;
	v45 =	vsub.f32 v62, v24;
	v5 =	vsub.f32 v5, v20;
	v18 =	vld.idx.msk [tilespmem:v63+s24+$0x0], $0xffff  }
0x181: {  	v27 =	vmul.f32 v27, v27;
	v23 =	vmul.f32 v1, v1;
	v7 =	vsub.f32 v49, v20;
	v47 =	vld.idx.msk [tilespmem:v60+s24+$0x0], $0xffff  }
.Ltmp4:
0x182: {  	v1 =	vmul.f32 v50, v50;
	v34 =	vmul.f32 v34, v34;
	v2 =	vsub.f32 v2, v21;
	v6 =	vld.idx.msk [tilespmem:v31+s24+$0x0], $0xffff;
	(pc) =	sbr.rel @p2 .LBB2_7-.Ltmp4, $4  }
0x183: {  	v49 =	vmul.f32 v3, v3;
	v55 =	vsub.f32 v28, v21;
	v31 =	vmul.f32 v7, v7;
	v50 =	vld.idx.msk [tilespmem:v40+s24+$0x0], $0xffff  }
0x184: {  	v7 =	vmul.f32 v2, v2;
	v3 =	vsub.f32 v9, v21;
	v2 =	vmul.f32 v8, v8  }
0x185: {  	v28 =	vmul.f32 v54, v54;
	v40 =	vmul.f32 v5, v5;
	v43 =	vsub.f32 v43, v21  }
0x186: {  	v5 =	vmul.f32 v56, v56;
	v54 =	vmul.f32 v55, v55;
	v55 =	vsub.f32 v18, v21  }
0x187: {  	_ =	sdelay $0x1  }
0x188: {  	v8 =	vmul.f32 v55, v55;
	v9 =	vsub.f32 v50, v21  }
0x189: {  	v7 =	vadd.f32 v7, v29;
	v18 =	vadd.f32 v54, v53  }
0x18a: {  	v6 =	vsub.f32 v6, v20;
	v61 =	vld.idx.msk [tilespmem:v42+s24+$0x0], $0xffff;
	v8 =	vadd.f32 v8, v38;
	v9 =	vmul.f32 v9, v9  }
0x18b: {  	v63 =	vld [tilespmem:$0x1FEE0];
	v7 =	vadd.f32 v52, v7;
	v1 =	vadd.f32 v1, v18  }
0x18c: {  	s0 =	sadd.s32 s3, s10;
	v5 =	vadd.f32 v5, v8;
	v8 =	vadd.f32 v9, v36  }
0x18d: {  	s4 =	smov.u32 s7;
	v3 =	vmul.f32 v3, v3;
	p2 =	slt.s32 s0, s7;
	v1 =	vadd.f32 v2, v1;
	v2 =	vadd.f32 v51, v7  }
0x18e: {  	s4 =	smov.u32 @p2 s0;
	v6 =	vmul.f32 v6, v6;
	v18 =	vmul.f32 v48, v48;
	v7 =	vadd.f32 v37, v8  }
0x18f: {  	v62 =	vor.u32 s4, v0;
	v8 =	vsub.f32 v46, v24;
	v2 =	vadd.f32 v49, v2  }
0x190: {  	v9 =	vsub.f32 v61, v21;
	vm1 =	vlt.s32 v62, v63;
	v5 =	vadd.f32 v18, v5  }
0x191: {  	v18 =	vsub.f32 v47, v21;
	v8 =	vmul.f32 v8, v8;
	vm0 =	veq.f32 v2, v17  }
0x192: {  	v7 =	vadd.f32 v44, v7;
	vm2 =	vlt.f32 v2, v17;
	vm0 =	vmand vm1, vm0  }
0x193: {  	s0 =	sadd.s32 $0x10, s4;
	v18 =	vmul.f32 v18, v18;
	v1 =	vadd.f32 v8, v1;
	vm0 =	vmor vm2, vm0  }
0x194: {  	v2 =	vsel vm0, v2, v17;
	v8 =	vsel vm0, v62, v63;
	v17 =	vor.u32 s0, v0  }
0x195: {  	v18 =	vadd.f32 v18, v41;
	vm7 =	veq.f32 v1, v2;
	vm8 =	vlt.s32 v17, v8  }
0x196: {  	v9 =	vmul.f32 v9, v9;
	vm9 =	vlt.f32 v1, v2;
	vm0 =	vmand vm7, vm8  }
0x197: {  	s15 =	sadd.s32 $0x20, s4;
	v7 =	vadd.f32 v32, v7;
	v18 =	vadd.f32 v40, v18;
	vm0 =	vmor vm9, vm0  }
0x198: {  	v1 =	vsel vm0, v1, v2;
	v2 =	vsel vm0, v17, v8;
	v8 =	vor.u32 s15, v0  }
0x199: {  	v17 =	vadd.f32 v26, v18;
	vm10 =	veq.f32 v7, v1;
	vm11 =	vlt.s32 v8, v2  }
0x19a: {  	v3 =	vadd.f32 v3, v30;
	vm12 =	vlt.f32 v7, v1;
	vm0 =	vmand vm10, vm11  }
0x19b: {  	s16 =	sadd.s32 $0x30, s4;
	v9 =	vadd.f32 v9, v39;
	v17 =	vadd.f32 v28, v17;
	vm0 =	vmor vm12, vm0  }
0x19c: {  	v1 =	vsel vm0, v7, v1;
	v2 =	vsel vm0, v8, v2;
	v7 =	vor.u32 s16, v0  }
0x19d: {  	v6 =	vadd.f32 v6, v9;
	vm13 =	veq.f32 v17, v1;
	vm14 =	vlt.s32 v7, v2  }
0x19e: {  	v5 =	vadd.f32 v35, v5;
	vm15 =	vlt.f32 v17, v1;
	vm0 =	vmand vm13, vm14  }
0x19f: {  	v6 =	vadd.f32 v34, v6;
	s15 =	sadd.s32 $0x40, s4;
	v8 =	vmul.f32 v43, v43;
	vm0 =	vmor vm15, vm0  }
0x1a0: {  	v1 =	vsel vm0, v17, v1;
	v2 =	vsel vm0, v7, v2;
	v7 =	vor.u32 s15, v0  }
0x1a1: {  	v8 =	vadd.f32 v8, v33;
	vm4 =	veq.f32 v5, v1;
	vm5 =	vlt.s32 v7, v2  }
0x1a2: {  	v3 =	vadd.f32 v25, v3;
	vm6 =	vlt.f32 v5, v1;
	vm0 =	vmand vm4, vm5  }
0x1a3: {  	v6 =	vadd.f32 v27, v6;
	s16 =	sadd.s32 $0x50, s4;
	v8 =	vadd.f32 v31, v8;
	vm0 =	vmor vm6, vm0  }
0x1a4: {  	v1 =	vsel vm0, v5, v1;
	v2 =	vsel vm0, v7, v2;
	v5 =	vor.u32 s16, v0  }
0x1a5: {  	v7 =	vadd.f32 v19, v8;
	vm7 =	veq.f32 v6, v1;
	vm8 =	vlt.s32 v5, v2  }
0x1a6: {  	vm9 =	vlt.f32 v6, v1;
	vm0 =	vmand vm7, vm8  }
0x1a7: {  	v3 =	vadd.f32 v22, v3;
	s15 =	sadd.s32 $0x60, s4;
	v7 =	vadd.f32 v23, v7;
	vm0 =	vmor vm9, vm0  }
0x1a8: {  	v1 =	vsel vm0, v6, v1;
	v2 =	vsel vm0, v5, v2;
	v5 =	vor.u32 s15, v0  }
0x1a9: {  	v8 =	vmul.f32 v45, v45;
	vm10 =	veq.f32 v7, v1;
	vm11 =	vlt.s32 v5, v2  }
0x1aa: {  	vm12 =	vlt.f32 v7, v1;
	vm0 =	vmand vm10, vm11  }
0x1ab: {  	s16 =	sadd.s32 $0x70, s4;
	v3 =	vadd.f32 v8, v3;
	vm0 =	vmor vm12, vm0  }
0x1ac: {  	v1 =	vsel vm0, v7, v1;
	v2 =	vsel vm0, v5, v2;
	v5 =	vor.u32 s16, v0  }
.Ltmp5:
0x1ad: {  	vm13 =	veq.f32 v3, v1;
	vm14 =	vlt.s32 v5, v2;
	(pc) =	sbr.rel @p1 .LBB2_10-.Ltmp5, $4  }
0x1ae: {  	vm15 =	vlt.f32 v3, v1;
	vm0 =	vmand vm13, vm14  }
0x1af: {  	vm0 =	vmor vm15, vm0  }
0x1b0: {  	v1 =	vsel vm0, v3, v1  }
0x1b1: {  	v63 =	vsel vm0, v5, v2;
	[tilespmem:$0x1FF60] =	vst v1  }
0x1b2: {  	s0 =	sadd.s32 s3, s20  }
.Ltmp6:
0x1b3: {  	s3 =	smov.u32 s7;
	p1 =	slt.s32 s0, s7;
	(pc) =	sbr.rel .LBB2_2-.Ltmp6, $4  }
0x1b4: {  	s3 =	smov.u32 @p1 s0  }
0x1b5: {  	s0 =	sshll.u32 s3, $0x4  }
0x1b6: {  	[tilespmem:$0x1FF70] =	vst v63;
	s1 =	sadd.s32 $0x1, s1;
	s0 =	sadd.s32 s2, s0  }
0x1b7: {  	[tilespmem:s24], [sflag:$0x3] =	stream.linear.gather [hbm4b:s0+s5], $0x4000, $0x38;
	[tilespmem:$0xC420] =	vst v63  }
.LBB2_10:
0x1b8: {  	s0 =	simm.s32 $0x1  }
0x1b9: {  	_ =	swait.ge [sflag:s25], $0x4000;
	v1 =	vadd.s32 s0, v0  }
0x1ba: {  	s4 =	simm.s32 $0x2;
	[sflag:s25] =	ssyncset.done $0x0;
	v1 =	vand.u32 $0x7F, v1  }
0x1bb: {  	s1 =	simm.s32 $0xC002;
	v5 =	vadd.s32 s4, v0;
	[sflag:s25] =	ssyncadd.s32 $0xFFFFC000;
	v2 =	vor.u32 v10, v1  }
0x1bc: {  	v5 =	vand.u32 $0x7F, v5;
	v3 =	vor.u32 v4, v1;
	v21 =	vld [tilespmem:s1+$0xFFFFFFFF]  }
0x1bd: {  	v6 =	vor.u32 v10, v5;
	v19 =	vld [tilespmem:s1+$0xFFFFFFFE]  }
0x1be: {  	s15 =	simm.s32 $0x3;
	v7 =	vor.u32 v4, v5;
	v18 =	vld [tilespmem:s1+$0x0]  }
0x1bf: {  	v9 =	vadd.s32 s15, v0;
	v8 =	vor.u32 v11, v5;
	v25 =	vld [tilespmem:s1+$0x1]  }
0x1c0: {  	v9 =	vand.u32 $0x7F, v9;
	v17 =	vor.u32 v11, v1;
	v2 =	vld.idx.msk [tilespmem:v2+s5+$0x0], $0xffff  }
0x1c1: {  	v20 =	vor.u32 v11, v9;
	v3 =	vld.idx.msk [tilespmem:v3+s5+$0x0], $0xffff  }
0x1c2: {  	v22 =	vor.u32 v13, v9;
	v6 =	vld.idx.msk [tilespmem:v6+s5+$0x0], $0xffff  }
0x1c3: {  	v23 =	vor.u32 v16, v5;
	v7 =	vld.idx.msk [tilespmem:v7+s5+$0x0], $0xffff  }
0x1c4: {  	v24 =	vor.u32 v16, v1;
	v8 =	vld.idx.msk [tilespmem:v8+s5+$0x0], $0xffff  }
0x1c5: {  	v26 =	vor.u32 v12, v5;
	v17 =	vld.idx.msk [tilespmem:v17+s5+$0x0], $0xffff  }
0x1c6: {  	v29 =	vor.u32 v14, v9;
	v20 =	vld.idx.msk [tilespmem:v20+s5+$0x0], $0xffff  }
0x1c7: {  	s16 =	simm.s32 $0x0;
	v27 =	vor.u32 v15, v5;
	v31 =	vor.u32 v14, v5;
	v5 =	vor.u32 v13, v5;
	v22 =	vld.idx.msk [tilespmem:v22+s5+$0x0], $0xffff  }
0x1c8: {  	v36 =	vadd.s32 s16, v0;
	v32 =	vor.u32 v13, v1;
	v33 =	vld.idx.msk [tilespmem:v23+s5+$0x0], $0xffff  }
0x1c9: {  	v38 =	vand.u32 $0x7F, v36;
	v44 =	vor.u32 v15, v1;
	v24 =	vld.idx.msk [tilespmem:v24+s5+$0x0], $0xffff  }
0x1ca: {  	v28 =	vimm.f32 $0.0e+00;
	v53 =	vimm.f32 $0.0e+00;
	v46 =	vor.u32 v13, v38;
	v26 =	vld.idx.msk [tilespmem:v26+s5+$0x0], $0xffff  }
0x1cb: {  	v30 =	vor.u32 v10, v9;
	v34 =	vor.u32 v12, v1;
	v35 =	vor.u32 v16, v9;
	v29 =	vld.idx.msk [tilespmem:v29+s5+$0x0], $0xffff  }
0x1cc: {  	v39 =	vor.u32 v4, v38;
	v41 =	vor.u32 v10, v38;
	v23 =	vor.u32 v15, v9;
	v5 =	vld.idx.msk [tilespmem:v5+s5+$0x0], $0xffff  }
0x1cd: {  	v42 =	vor.u32 v11, v38;
	v48 =	vor.u32 v12, v38;
	v45 =	vor.u32 v16, v38;
	v49 =	vld.idx.msk [tilespmem:v32+s5+$0x0], $0xffff  }
0x1ce: {  	v40 =	vor.u32 v14, v38;
	v60 =	vld.idx.msk [tilespmem:v44+s5+$0x0], $0xffff;
	v2 =	vsub.f32 v2, v21;
	v3 =	vsub.f32 v3, v21  }
0x1cf: {  	v50 =	vor.u32 v15, v38;
	v62 =	vld.idx.msk [tilespmem:v46+s5+$0x0], $0xffff;
	v37 =	vsub.f32 v6, v18;
	v6 =	vsub.f32 v7, v18  }
0x1d0: {  	v56 =	vor.u32 v14, v1;
	v7 =	vld.idx.msk [tilespmem:v27+s5+$0x0], $0xffff;
	v8 =	vsub.f32 v8, v18;
	v17 =	vsub.f32 v17, v21  }
0x1d1: {  	v27 =	vor.u32 v12, v9;
	v43 =	vld.idx.msk [tilespmem:v23+s5+$0x0], $0xffff;
	v23 =	vsub.f32 v26, v18;
	v20 =	vsub.f32 v20, v25  }
0x1d2: {  	v46 =	vld.idx.msk [tilespmem:v30+s5+$0x0], $0xffff;
	v30 =	vimm.f32 $0.0e+00;
	v24 =	vsub.f32 v24, v21;
	v29 =	vsub.f32 v29, v25  }
0x1d3: {  	v31 =	vld.idx.msk [tilespmem:v31+s5+$0x0], $0xffff;
	v9 =	vor.u32 v4, v9;
	v47 =	vsub.f32 v5, v18;
	v61 =	vsub.f32 v49, v21  }
0x1d4: {  	v5 =	vld.idx.msk [tilespmem:v39+s5+$0x0], $0xffff;
	v55 =	vsub.f32 v62, v19;
	v36 =	vmul.f32 v17, v17;
	v23 =	vmul.f32 v23, v23  }
0x1d5: {  	v41 =	vld.idx.msk [tilespmem:v41+s5+$0x0], $0xffff;
	v32 =	vmul.f32 v20, v20;
	v26 =	vmul.f32 v24, v24;
	v7 =	vsub.f32 v7, v18  }
0x1d6: {  	v39 =	vimm.f32 $0.0e+00;
	v44 =	vmul.f32 v8, v8;
	v51 =	vmul.f32 v6, v6;
	v17 =	vld.idx.msk [tilespmem:v27+s5+$0x0], $0xffff  }
0x1d7: {  	v6 =	vsub.f32 v60, v21;
	v27 =	vsub.f32 v22, v25;
	v20 =	vmul.f32 v7, v7;
	v7 =	vld.idx.msk [tilespmem:v34+s5+$0x0], $0xffff  }
0x1d8: {  	v52 =	vmul.f32 v3, v3;
	v9 =	vld.idx.msk [tilespmem:v9+s5+$0x0], $0xffff;
	v22 =	vsub.f32 v33, v18;
	v18 =	vsub.f32 v31, v18  }
0x1d9: {  	v54 =	vmul.f32 v61, v61;
	v1 =	vsub.f32 v43, v25;
	v5 =	vsub.f32 v5, v19  }
0x1da: {  	v35 =	vld.idx.msk [tilespmem:v35+s5+$0x0], $0xffff;
	v31 =	vmul.f32 v6, v6;
	v33 =	vimm.f32 $0.0e+00;
	v22 =	vmul.f32 v22, v22  }
0x1db: {  	v38 =	vmul.f32 v27, v27;
	v27 =	vmul.f32 v29, v29;
	v8 =	vsub.f32 v17, v25;
	v17 =	vld.idx.msk [tilespmem:v45+s5+$0x0], $0xffff  }
0x1dc: {  	v24 =	vmul.f32 v1, v1;
	v1 =	vmul.f32 v2, v2;
	v3 =	vsub.f32 v7, v21;
	v7 =	vld.idx.msk [tilespmem:v50+s5+$0x0], $0xffff  }
0x1dd: {  	v34 =	vmul.f32 v18, v18;
	v18 =	vsub.f32 v41, v19;
	v9 =	vsub.f32 v9, v25  }
0x1de: {  	v6 =	vmul.f32 v5, v5;
	v2 =	vmul.f32 v37, v37;
	v37 =	vimm.f32 $0.0e+00  }
0x1df: {  	v5 =	vld.idx.msk [tilespmem:v42+s5+$0x0], $0xffff;
	v42 =	vimm.f32 $0.0e+00;
	v45 =	vsub.f32 v35, v25;
	v50 =	vmul.f32 v9, v9  }
0x1e0: {  	v35 =	vimm.f32 $0.0e+00;
	v29 =	vmul.f32 v8, v8;
	v41 =	vmul.f32 v3, v3;
	v3 =	vld.idx.msk [tilespmem:v56+s5+$0x0], $0xffff  }
0x1e1: {  	s3 =	simm.s32 $0x4;
	v48 =	vld.idx.msk [tilespmem:v48+s5+$0x0], $0xffff;
	v49 =	vsub.f32 v17, v19;
	v43 =	vsub.f32 v7, v19;
	v7 =	vmul.f32 v18, v18  }
.LBB2_11:
0x1e2: {  	p1 =	slt.u32 s3, $0x7C  }
0x1e3: {  	v6 =	vadd.f32 v6, v28;
	v8 =	vmul.f32 v49, v49;
	v9 =	vmul.f32 v47, v47;
	s1 =	sadd.s32 $0x4, s1;
	s4 =	smov.u32 s3;
	s3 =	sadd.s32 $0x4, s3  }
0x1e4: {  	v47 =	vmul.f32 v45, v45;
	s0 =	sadd.s32 $0x1, s4;
	v7 =	vadd.f32 v7, v53;
	v17 =	vmul.f32 v55, v55  }
0x1e5: {  	v3 =	vsub.f32 v3, v21;
	v5 =	vsub.f32 v5, v19;
	v18 =	vadd.s32 s0, v0  }
0x1e6: {  	v45 =	vand.u32 $0x7F, v18;
	v17 =	vadd.f32 v17, v37;
	v18 =	vld.idx.msk [tilespmem:v40+s5+$0x0], $0xffff;
	v1 =	vadd.f32 v1, v7  }
0x1e7: {  	v5 =	vmul.f32 v5, v5;
	v7 =	vor.u32 v10, v45;
	v40 =	vor.u32 v11, v45  }
0x1e8: {  	s0 =	sadd.s32 $0x2, s4;
	v28 =	vor.u32 v4, v45;
	v17 =	vadd.f32 v54, v17;
	v1 =	vadd.f32 v2, v1  }
0x1e9: {  	v2 =	vadd.s32 s0, v0;
	v5 =	vadd.f32 v5, v35  }
0x1ea: {  	v6 =	vadd.f32 v52, v6;
	v2 =	vand.u32 $0x7F, v2;
	v9 =	vadd.f32 v9, v17  }
0x1eb: {  	v17 =	vor.u32 v10, v2;
	v5 =	vadd.f32 v36, v5;
	v36 =	vsub.f32 v46, v25;
	v21 =	vld [tilespmem:s1+$0xFFFFFFFF]  }
0x1ec: {  	v6 =	vadd.f32 v51, v6;
	v25 =	vor.u32 v4, v2;
	v18 =	vsub.f32 v18, v19;
	v7 =	vld.idx.msk [tilespmem:v7+s5+$0x0], $0xffff  }
0x1ed: {  	s0 =	sadd.s32 $0x3, s4;
	v5 =	vadd.f32 v44, v5;
	v37 =	vadd.f32 v38, v9;
	v46 =	vld.idx.msk [tilespmem:v28+s5+$0x0], $0xffff;
	v28 =	vor.u32 v11, v2  }
0x1ee: {  	v35 =	vadd.s32 s0, v0;
	v38 =	vor.u32 v15, v2;
	v18 =	vmul.f32 v18, v18;
	v9 =	vld [tilespmem:s1+$0xFFFFFFFE]  }
0x1ef: {  	v52 =	vand.u32 $0x7F, v35;
	v44 =	vor.u32 v16, v45;
	v35 =	vadd.f32 v32, v5;
	v51 =	vld [tilespmem:s1+$0x0]  }
0x1f0: {  	v3 =	vmul.f32 v3, v3;
	v32 =	vor.u32 v11, v52;
	v5 =	vld.idx.msk [tilespmem:v17+s5+$0x0], $0xffff;
	v17 =	vor.u32 v10, v52  }
0x1f1: {  	v54 =	vor.u32 v12, v2;
	v55 =	vor.u32 v13, v52;
	v18 =	vadd.f32 v18, v39;
	v53 =	vld.idx.msk [tilespmem:v25+s5+$0x0], $0xffff  }
0x1f2: {  	v39 =	vor.u32 v16, v2;
	v49 =	vsub.f32 v7, v21;
	v7 =	vld.idx.msk [tilespmem:v28+s5+$0x0], $0xffff;
	v28 =	vadd.f32 v50, v6  }
0x1f3: {  	v3 =	vadd.f32 v3, v18;
	v6 =	vsub.f32 v46, v21;
	v50 =	vor.u32 v12, v45;
	v25 =	vld [tilespmem:s1+$0x1]  }
0x1f4: {  	v56 =	vor.u32 v13, v45;
	v19 =	vsub.f32 v48, v19;
	v46 =	vor.u32 v15, v52;
	v18 =	vld.idx.msk [tilespmem:v40+s5+$0x0], $0xffff  }
0x1f5: {  	v43 =	vmul.f32 v43, v43;
	v48 =	vor.u32 v16, v52;
	v40 =	vor.u32 v14, v2;
	v32 =	vld.idx.msk [tilespmem:v32+s5+$0x0], $0xffff  }
0x1f6: {  	v19 =	vmul.f32 v19, v19;
	v57 =	vsub.f32 v5, v51;
	v5 =	vld.idx.msk [tilespmem:v55+s5+$0x0], $0xffff;
	v55 =	vor.u32 v14, v52  }
0x1f7: {  	v8 =	vadd.f32 v8, v30;
	v2 =	vor.u32 v13, v2;
	v58 =	vsub.f32 v53, v51;
	v59 =	vld.idx.msk [tilespmem:v39+s5+$0x0], $0xffff  }
0x1f8: {  	v36 =	vmul.f32 v36, v36;
	v7 =	vsub.f32 v7, v51;
	v39 =	vadd.f32 v19, v42;
	v30 =	vld.idx.msk [tilespmem:v44+s5+$0x0], $0xffff  }
0x1f9: {  	v33 =	vadd.f32 v43, v33;
	v3 =	vadd.f32 v34, v3;
	v44 =	vor.u32 v12, v52;
	v42 =	vld.idx.msk [tilespmem:v54+s5+$0x0], $0xffff  }
0x1fa: {  	v8 =	vadd.f32 v26, v8;
	v34 =	vadd.s32 s4, v0;
	v19 =	vmovc v9;
	v18 =	vsub.f32 v18, v21;
	v38 =	vld.idx.msk [tilespmem:v38+s5+$0x0], $0xffff  }
0x1fb: {  	v31 =	vadd.f32 v31, v33;
	v26 =	vor.u32 v4, v52;
	v9 =	vand.u32 $0x7F, v34;
	v34 =	vld.idx.msk [tilespmem:v55+s5+$0x0], $0xffff  }
0x1fc: {  	v43 =	vor.u32 v4, v9;
	v52 =	vor.u32 v10, v9;
	v33 =	vadd.f32 v41, v39;
	v54 =	vld.idx.msk [tilespmem:v40+s5+$0x0], $0xffff  }
0x1fd: {  	v60 =	vor.u32 v16, v9;
	v41 =	vor.u32 v11, v9;
	v55 =	vor.u32 v12, v9;
	v48 =	vld.idx.msk [tilespmem:v48+s5+$0x0], $0xffff  }
0x1fe: {  	v53 =	vadd.f32 v36, v1;
	v61 =	vor.u32 v13, v9;
	v40 =	vor.u32 v14, v9;
	v62 =	vld.idx.msk [tilespmem:v46+s5+$0x0], $0xffff  }
0x1ff: {  	v8 =	vadd.f32 v22, v8;
	v36 =	vmul.f32 v18, v18;
	v1 =	vsub.f32 v42, v51;
	v2 =	vld.idx.msk [tilespmem:v2+s5+$0x0], $0xffff  }
0x200: {  	v22 =	vadd.f32 v20, v31;
	v18 =	vor.u32 v15, v45;
	v46 =	vld.idx.msk [tilespmem:v17+s5+$0x0], $0xffff;
	v17 =	vsub.f32 v32, v25  }
0x201: {  	v42 =	vsub.f32 v30, v21;
	v20 =	vsub.f32 v38, v51;
	v1 =	vmul.f32 v1, v1;
	v31 =	vld.idx.msk [tilespmem:v56+s5+$0x0], $0xffff  }
0x202: {  	v39 =	vadd.f32 v27, v3;
	v5 =	vsub.f32 v5, v25;
	v32 =	vmul.f32 v17, v17;
	v17 =	vld.idx.msk [tilespmem:v44+s5+$0x0], $0xffff  }
0x203: {  	v30 =	vadd.f32 v47, v8;
	v27 =	vsub.f32 v34, v25;
	v20 =	vmul.f32 v20, v20;
	v3 =	vld.idx.msk [tilespmem:v26+s5+$0x0], $0xffff  }
0x204: {  	v23 =	vadd.f32 v23, v33;
	v8 =	vor.u32 v15, v9;
	v34 =	vsub.f32 v59, v51;
	v9 =	vld.idx.msk [tilespmem:v50+s5+$0x0], $0xffff  }
0x205: {  	v33 =	vadd.f32 v24, v22;
	v26 =	vmul.f32 v42, v42;
	v47 =	vsub.f32 v2, v51;
	v18 =	vld.idx.msk [tilespmem:v18+s5+$0x0], $0xffff  }
0x206: {  	v38 =	vmul.f32 v5, v5;
	v22 =	vmul.f32 v34, v34;
	v42 =	vadd.f32 v29, v23;
	v2 =	vld.idx.msk [tilespmem:v43+s5+$0x0], $0xffff  }
0x207: {  	v44 =	vmul.f32 v7, v7;
	v29 =	vor.u32 v14, v45;
	v56 =	vsub.f32 v31, v21;
	v5 =	vld.idx.msk [tilespmem:v52+s5+$0x0], $0xffff  }
0x208: {  	v23 =	vmov v1;
	v31 =	vsub.f32 v54, v51;
	v17 =	vsub.f32 v17, v25;
	v7 =	vld.idx.msk [tilespmem:v60+s5+$0x0], $0xffff  }
0x209: {  	v1 =	vsub.f32 v62, v25;
	v52 =	vmul.f32 v6, v6;
	v6 =	vsub.f32 v3, v25;
	v8 =	vld.idx.msk [tilespmem:v8+s5+$0x0], $0xffff  }
0x20a: {  	v45 =	vsub.f32 v48, v25;
	v51 =	vmul.f32 v58, v58;
	v9 =	vsub.f32 v9, v21;
	v54 =	vld.idx.msk [tilespmem:v61+s5+$0x0], $0xffff  }
0x20b: {  	v27 =	vmul.f32 v27, v27;
	v24 =	vmul.f32 v1, v1;
	v18 =	vsub.f32 v18, v21;
	v48 =	vld.idx.msk [tilespmem:v55+s5+$0x0], $0xffff  }
.Ltmp7:
0x20c: {  	v1 =	vmul.f32 v49, v49;
	v34 =	vmul.f32 v31, v31;
	v2 =	vsub.f32 v2, v19;
	v3 =	vld.idx.msk [tilespmem:v29+s5+$0x0], $0xffff;
	(pc) =	sbr.rel @p1 .LBB2_11-.Ltmp7, $4  }
0x20d: {  	v50 =	vmul.f32 v6, v6;
	v55 =	vsub.f32 v5, v19;
	v31 =	vmul.f32 v18, v18;
	v5 =	vld.idx.msk [tilespmem:v41+s5+$0x0], $0xffff  }
0x20e: {  	v6 =	vmul.f32 v2, v2;
	v49 =	vsub.f32 v7, v19;
	v2 =	vmul.f32 v57, v57  }
0x20f: {  	v29 =	vmul.f32 v17, v17;
	v41 =	vmul.f32 v9, v9;
	v43 =	vsub.f32 v8, v19  }
0x210: {  	v7 =	vmul.f32 v55, v55;
	v55 =	vsub.f32 v54, v19;
	v54 =	vmul.f32 v56, v56  }
0x211: {  	v6 =	vadd.f32 v6, v28  }
0x212: {  	v7 =	vadd.f32 v7, v53  }
0x213: {  	v62 =	vld [tilespmem:$0x1FF60];
	v6 =	vadd.f32 v52, v6  }
0x214: {  	v18 =	vld [tilespmem:$0x1FF80];
	v5 =	vsub.f32 v5, v19;
	v1 =	vadd.f32 v1, v7  }
0x215: {  	v6 =	vadd.f32 v51, v6  }
0x216: {  	v5 =	vmul.f32 v5, v5;
	v1 =	vadd.f32 v2, v1  }
0x217: {  	v2 =	vsub.f32 v46, v25;
	v6 =	vadd.f32 v50, v6  }
0x218: {  	v5 =	vadd.f32 v5, v35  }
0x219: {  	vm1 =	vlt.s32 v18, v63;
	v2 =	vmul.f32 v2, v2;
	vm0 =	veq.f32 v6, v62  }
0x21a: {  	v5 =	vadd.f32 v36, v5;
	vm2 =	vlt.f32 v6, v62;
	vm0 =	vmand vm1, vm0  }
0x21b: {  	v9 =	vsub.f32 v48, v19;
	v1 =	vadd.f32 v2, v1;
	vm0 =	vmor vm2, vm0  }
0x21c: {  	v2 =	vadd.f32 v44, v5;
	v5 =	vsel vm0, v6, v62;
	v6 =	vsel vm0, v18, v63;
	v18 =	vld [tilespmem:$0x1FF90];
	_ =	sdelay $0x1  }
0x21d: {  	v9 =	vmul.f32 v9, v9;
	_ =	sdelay $0x1  }
0x21e: {  	v9 =	vadd.f32 v9, v42  }
0x21f: {  	vm7 =	veq.f32 v1, v5;
	vm8 =	vlt.s32 v18, v6  }
0x220: {  	v9 =	vadd.f32 v41, v9;
	vm9 =	vlt.f32 v1, v5;
	vm0 =	vmand vm7, vm8  }
0x221: {  	vm0 =	vmor vm9, vm0  }
0x222: {  	v1 =	vsel vm0, v1, v5;
	v5 =	vsel vm0, v18, v6;
	v6 =	vadd.f32 v23, v9;
	v9 =	vld [tilespmem:$0x1FFA0]  }
0x223: {  	v17 =	vld.idx.msk [tilespmem:v40+s5+$0x0], $0xffff;
	v8 =	vmul.f32 v55, v55;
	_ =	sdelay $0x1  }
0x224: {  	v7 =	vadd.f32 v8, v37;
	v2 =	vadd.f32 v32, v2  }
0x225: {  	v8 =	vmul.f32 v47, v47  }
0x226: {  	v7 =	vadd.f32 v54, v7;
	vm10 =	veq.f32 v2, v1;
	vm11 =	vlt.s32 v9, v5  }
0x227: {  	v17 =	vsub.f32 v17, v19;
	vm12 =	vlt.f32 v2, v1;
	vm0 =	vmand vm10, vm11  }
0x228: {  	v3 =	vsub.f32 v3, v21;
	v7 =	vadd.f32 v8, v7;
	vm0 =	vmor vm12, vm0  }
0x229: {  	v8 =	vmul.f32 v17, v17;
	v1 =	vsel vm0, v2, v1;
	v2 =	vsel vm0, v9, v5;
	v9 =	vld [tilespmem:$0x1FFB0];
	_ =	sdelay $0x1  }
0x22a: {  	v3 =	vmul.f32 v3, v3;
	v5 =	vadd.f32 v8, v39;
	v8 =	vmul.f32 v43, v43  }
0x22b: {  	v6 =	vadd.f32 v29, v6  }
0x22c: {  	v3 =	vadd.f32 v3, v5;
	v5 =	vadd.f32 v8, v33;
	v8 =	vld [tilespmem:$0x1FFC0]  }
0x22d: {  	vm13 =	veq.f32 v6, v1;
	vm14 =	vlt.s32 v9, v2  }
0x22e: {  	vm15 =	vlt.f32 v6, v1;
	vm0 =	vmand vm13, vm14  }
0x22f: {  	v7 =	vadd.f32 v38, v7;
	vm0 =	vmor vm15, vm0  }
0x230: {  	v1 =	vsel vm0, v6, v1;
	v2 =	vsel vm0, v9, v2  }
0x231: {  	vm4 =	veq.f32 v7, v1;
	vm5 =	vlt.s32 v8, v2  }
0x232: {  	vm6 =	vlt.f32 v7, v1;
	vm0 =	vmand vm4, vm5  }
0x233: {  	vm0 =	vmor vm6, vm0  }
0x234: {  	v2 =	vsel vm0, v8, v2;
	v8 =	vld [tilespmem:$0x1FFD0]  }
0x235: {  	v3 =	vadd.f32 v34, v3  }
0x236: {  	v6 =	vmul.f32 v49, v49  }
0x237: {  	v3 =	vadd.f32 v27, v3  }
0x238: {  	v6 =	vadd.f32 v6, v30;
	v1 =	vsel vm0, v7, v1  }
0x239: {  	vm7 =	veq.f32 v3, v1;
	vm8 =	vlt.s32 v8, v2  }
0x23a: {  	v6 =	vadd.f32 v26, v6;
	vm9 =	vlt.f32 v3, v1;
	vm0 =	vmand vm7, vm8  }
0x23b: {  	v5 =	vadd.f32 v31, v5;
	vm0 =	vmor vm9, vm0  }
0x23c: {  	v1 =	vsel vm0, v3, v1;
	v3 =	vadd.f32 v22, v6;
	v6 =	vld [tilespmem:$0x1FFE0]  }
0x23d: {  	v5 =	vadd.f32 v20, v5;
	_ =	sdelay $0x1  }
0x23e: {  	v5 =	vadd.f32 v24, v5  }
0x23f: {  	v2 =	vsel vm0, v8, v2  }
0x240: {  	vm10 =	veq.f32 v5, v1;
	vm11 =	vlt.s32 v6, v2  }
0x241: {  	vm12 =	vlt.f32 v5, v1;
	vm0 =	vmand vm10, vm11  }
0x242: {  	vm0 =	vmor vm12, vm0  }
0x243: {  	v1 =	vsel vm0, v5, v1;
	v5 =	vld [tilespmem:$0x1FFF0]  }
0x244: {  	v7 =	vmul.f32 v45, v45;
	_ =	sdelay $0x1  }
0x245: {  	v3 =	vadd.f32 v7, v3  }
0x246: {  	v2 =	vsel vm0, v6, v2  }
0x247: {  	vm13 =	veq.f32 v3, v1;
	vm14 =	vlt.s32 v5, v2  }
0x248: {  	vm15 =	vlt.f32 v3, v1;
	vm0 =	vmand vm13, vm14  }
0x249: {  	vm0 =	vmor vm15, vm0  }
0x24a: {  	v1 =	vsel vm0, v3, v1  }
0x24b: {  	v2 =	vsel vm0, v5, v2;
	[tilespmem:$0xC100] =	vst v1  }
0x24c: {  	[tilespmem:$0xC180] =	vst v2  }
0x24d: {  	[spmem:s13] =	stream.linear.scatter [tilespmem:s29], [sflag:$0x4], $0x10, $0x38;
	[tilespmem:$0xC420] =	vst v63  }
0x24e: {  	_ =	swait.ge [sflag:s22], $0x10  }
0x24f: {  	[sflag:s22] =	ssyncset.done $0x0  }
0x250: {  	[sflag:s22] =	ssyncadd.s32 $0xFFFFFFF0  }
0x251: {  	[spmem:s14] =	stream.linear.scatter [tilespmem:s30], [sflag:$0x4], $0x10, $0x38;
	[tilespmem:$0xC420] =	vst v63  }
.Ltmp8:
0x252: {  	_ =	swait.ge [sflag:s22], $0x10;
	(pc) =	sbr.rel @p0 .LBB2_14-.Ltmp8, $3  }
0x253: {  	[sflag:s22] =	ssyncset.done $0x0  }
0x254: {  	[sflag:s22] =	ssyncadd.s32 $0xFFFFFFF0  }
0x255: {  	[bflag:$0x0] =	sbarrier.arrive $0xFFFF;
	_ =	sdelay $0x1  }
0x256: {  	s0 =	rddreg [dreg:$0x3];
	s1 =	simm.s32 $0xC200  }
0x257: {  	[tilespmem:s1], [sflag:$0x4] =	stream.linear.gather [spmem:s0], $0x100, $0x38;
	[tilespmem:$0xC420] =	vst v63  }
0x258: {  	_ =	swait.ge [sflag:s22], $0x100  }
0x259: {  	[sflag:s22] =	ssyncset.done $0x0  }
0x25a: {  	[sflag:s22] =	ssyncadd.s32 $0xFFFFFF00  }
0x25b: {  	s3 =	simm.s32 $0xC300;
	s1 =	rddreg [dreg:$0x4]  }
0x25c: {  	[tilespmem:s3], [sflag:$0x4] =	stream.linear.gather [spmem:s1], $0x100, $0x38;
	[tilespmem:$0xC420] =	vst v63  }
0x25d: {  	_ =	swait.ge [sflag:s22], $0x100  }
0x25e: {  	[sflag:s22] =	ssyncset.done $0x0  }
0x25f: {  	[sflag:s22] =	ssyncadd.s32 $0xFFFFFF00  }
0x260: {  	v1 =	vld [tilespmem:$0xC200]  }
0x261: {  	v2 =	vld [tilespmem:$0xC300];
	_ =	sdelay $0x2  }
0x262: {  	v3 =	vld [tilespmem:$0xC210]  }
0x263: {  	v5 =	vld [tilespmem:$0xC310]  }
0x264: {  	vm0 =	veq.f32 v1, $3.000000010e+38;
	vm1 =	vne.s32 v2, $0x7FFFFFFF  }
0x265: {  	vm2 =	vlt.f32 v1, $3.000000010e+38;
	vm0 =	vmand vm0, vm1  }
0x266: {  	v6 =	vld [tilespmem:$0xC220];
	vm0 =	vmor vm2, vm0  }
0x267: {  	v7 =	vld [tilespmem:$0xC320];
	v1 =	vnsel vm0, $0x7F61B1E6, v1;
	v2 =	vnsel vm0, $0x7FFFFFFF, v2  }
0x268: {  	vm6 =	veq.f32 v3, v1;
	vm7 =	vlt.s32 v5, v2  }
0x269: {  	vm8 =	vlt.f32 v3, v1;
	vm0 =	vmand vm6, vm7  }
0x26a: {  	v8 =	vld [tilespmem:$0xC230];
	vm0 =	vmor vm8, vm0  }
0x26b: {  	v1 =	vsel vm0, v3, v1;
	v2 =	vsel vm0, v5, v2;
	v3 =	vld [tilespmem:$0xC330]  }
0x26c: {  	vm9 =	veq.f32 v6, v1;
	vm10 =	vlt.s32 v7, v2  }
0x26d: {  	vm11 =	vlt.f32 v6, v1;
	vm0 =	vmand vm9, vm10  }
0x26e: {  	v5 =	vld [tilespmem:$0xC240];
	vm0 =	vmor vm11, vm0  }
0x26f: {  	v1 =	vsel vm0, v6, v1;
	v2 =	vsel vm0, v7, v2;
	v6 =	vld [tilespmem:$0xC340]  }
0x270: {  	vm12 =	veq.f32 v8, v1;
	vm13 =	vlt.s32 v3, v2  }
0x271: {  	vm14 =	vlt.f32 v8, v1;
	vm0 =	vmand vm12, vm13  }
0x272: {  	v7 =	vld [tilespmem:$0xC250];
	vm0 =	vmor vm14, vm0  }
0x273: {  	v1 =	vsel vm0, v8, v1;
	v2 =	vsel vm0, v3, v2;
	v3 =	vld [tilespmem:$0xC350]  }
0x274: {  	vm15 =	veq.f32 v5, v1;
	vm4 =	vlt.s32 v6, v2  }
0x275: {  	vm5 =	vlt.f32 v5, v1;
	vm0 =	vmand vm15, vm4  }
0x276: {  	v8 =	vld [tilespmem:$0xC260];
	vm0 =	vmor vm5, vm0  }
0x277: {  	v1 =	vsel vm0, v5, v1;
	v2 =	vsel vm0, v6, v2;
	v5 =	vld [tilespmem:$0xC360]  }
0x278: {  	vm6 =	veq.f32 v7, v1;
	vm7 =	vlt.s32 v3, v2  }
0x279: {  	vm8 =	vlt.f32 v7, v1;
	vm0 =	vmand vm6, vm7  }
0x27a: {  	v6 =	vld [tilespmem:$0xC270];
	vm0 =	vmor vm8, vm0  }
0x27b: {  	v1 =	vsel vm0, v7, v1;
	v2 =	vsel vm0, v3, v2;
	v3 =	vld [tilespmem:$0xC370]  }
0x27c: {  	vm9 =	veq.f32 v8, v1;
	vm10 =	vlt.s32 v5, v2  }
0x27d: {  	vm11 =	vlt.f32 v8, v1;
	vm0 =	vmand vm9, vm10  }
0x27e: {  	v7 =	vld [tilespmem:$0xC280];
	vm0 =	vmor vm11, vm0  }
0x27f: {  	v1 =	vsel vm0, v8, v1;
	v2 =	vsel vm0, v5, v2;
	v5 =	vld [tilespmem:$0xC380]  }
0x280: {  	vm12 =	veq.f32 v6, v1;
	vm13 =	vlt.s32 v3, v2  }
0x281: {  	vm14 =	vlt.f32 v6, v1;
	vm0 =	vmand vm12, vm13  }
0x282: {  	v8 =	vld [tilespmem:$0xC290];
	vm0 =	vmor vm14, vm0  }
0x283: {  	v1 =	vsel vm0, v6, v1;
	v2 =	vsel vm0, v3, v2;
	v3 =	vld [tilespmem:$0xC390]  }
0x284: {  	vm15 =	veq.f32 v7, v1;
	vm4 =	vlt.s32 v5, v2  }
0x285: {  	vm5 =	vlt.f32 v7, v1;
	vm0 =	vmand vm15, vm4  }
0x286: {  	v6 =	vld [tilespmem:$0xC2A0];
	vm0 =	vmor vm5, vm0  }
0x287: {  	v1 =	vsel vm0, v7, v1;
	v2 =	vsel vm0, v5, v2;
	v5 =	vld [tilespmem:$0xC3A0]  }
0x288: {  	vm6 =	veq.f32 v8, v1;
	vm7 =	vlt.s32 v3, v2  }
0x289: {  	vm8 =	vlt.f32 v8, v1;
	vm0 =	vmand vm6, vm7  }
0x28a: {  	v7 =	vld [tilespmem:$0xC2B0];
	vm0 =	vmor vm8, vm0  }
0x28b: {  	v1 =	vsel vm0, v8, v1;
	v2 =	vsel vm0, v3, v2;
	v3 =	vld [tilespmem:$0xC3B0]  }
0x28c: {  	vm9 =	veq.f32 v6, v1;
	vm10 =	vlt.s32 v5, v2  }
0x28d: {  	vm11 =	vlt.f32 v6, v1;
	vm0 =	vmand vm9, vm10  }
0x28e: {  	v8 =	vld [tilespmem:$0xC2C0];
	vm0 =	vmor vm11, vm0  }
0x28f: {  	v1 =	vsel vm0, v6, v1;
	v2 =	vsel vm0, v5, v2;
	v5 =	vld [tilespmem:$0xC3C0]  }
0x290: {  	vm12 =	veq.f32 v7, v1;
	vm13 =	vlt.s32 v3, v2  }
0x291: {  	vm14 =	vlt.f32 v7, v1;
	vm0 =	vmand vm12, vm13  }
0x292: {  	v6 =	vld [tilespmem:$0xC2D0];
	vm0 =	vmor vm14, vm0  }
0x293: {  	v1 =	vsel vm0, v7, v1;
	v2 =	vsel vm0, v3, v2;
	v3 =	vld [tilespmem:$0xC3D0]  }
0x294: {  	vm15 =	veq.f32 v8, v1;
	vm4 =	vlt.s32 v5, v2  }
0x295: {  	vm5 =	vlt.f32 v8, v1;
	vm0 =	vmand vm15, vm4  }
0x296: {  	v7 =	vld [tilespmem:$0xC2E0];
	vm0 =	vmor vm5, vm0  }
0x297: {  	v1 =	vsel vm0, v8, v1;
	v2 =	vsel vm0, v5, v2;
	v5 =	vld [tilespmem:$0xC3E0]  }
0x298: {  	vm6 =	veq.f32 v6, v1;
	vm7 =	vlt.s32 v3, v2  }
0x299: {  	vm8 =	vlt.f32 v6, v1;
	vm0 =	vmand vm6, vm7  }
0x29a: {  	v8 =	vld [tilespmem:$0xC2F0];
	vm0 =	vmor vm8, vm0  }
0x29b: {  	v1 =	vsel vm0, v6, v1;
	v2 =	vsel vm0, v3, v2;
	v3 =	vld [tilespmem:$0xC3F0]  }
0x29c: {  	vm9 =	veq.f32 v7, v1;
	vm10 =	vlt.s32 v5, v2  }
0x29d: {  	vm11 =	vlt.f32 v7, v1;
	vm0 =	vmand vm9, vm10  }
0x29e: {  	vm0 =	vmor vm11, vm0  }
0x29f: {  	v1 =	vsel vm0, v7, v1;
	v2 =	vsel vm0, v5, v2  }
0x2a0: {  	vm12 =	veq.f32 v8, v1;
	vm13 =	vlt.s32 v3, v2  }
0x2a1: {  	vm14 =	vlt.f32 v8, v1;
	vm0 =	vmand vm12, vm13  }
0x2a2: {  	vm0 =	vmor vm14, vm0  }
0x2a3: {  	v1 =	vsel vm0, v8, v1  }
0x2a4: {  	(xrf0) =	vmin.scan.msk.f32 $0xffff, v1;
	_ =	sdelay $0x5  }
0x2a5: {  	v5, _, _ =	vpop (xrf0)  }
0x2a6: {  	v5 =	vbroadcast v5, $0xF  }
0x2a7: {  	v2 =	vsel vm0, v3, v2  }
0x2a8: {  	vm15 =	veq.f32 v1, v5;
	v1 =	vxor.u32 $0x80000000, v2  }
0x2a9: {  	v1 =	vnsel vm15, $0xFFFFFFFF, v1  }
0x2aa: {  	(xrf0) =	vmin.scan.msk.u32 $0xffff, v1;
	_ =	sdelay $0x5  }
0x2ab: {  	v1, _, _ =	vpop (xrf0)  }
0x2ac: {  	(v2sf) =	vpush v1, $0xF;
	_ =	sdelay $0xe  }
0x2ad: {  	s4 =	spop (v2sf)  }
0x2ae: {  	s0 =	sxor.u32 $0x80000000, s4  }
0x2af: {  	[tilespmem:$0xC100] =	vst v5;
	v1 =	vmov s0  }
0x2b0: {  	s15 =	rddreg [dreg:$0x6];
	[tilespmem:$0xC180] =	vst v1  }
0x2b1: {  	[hbm4b:s15+s5] =	stream.linear.scatter [tilespmem:s29], [sflag:$0x4], $0x80, $0x38;
	[tilespmem:$0xC420] =	vst v63  }
0x2b2: {  	_ =	swait.ge [sflag:s22], $0x80  }
0x2b3: {  	[sflag:s22] =	ssyncset.done $0x0  }
.Ltmp9:
0x2b4: {  	s16 =	rddreg [dreg:$0x7];
	[sflag:s22] =	ssyncadd.s32 $0xFFFFFF80;
	(pc) =	sbr.rel .LBB2_14-.Ltmp9, $4  }
0x2b5: {  	[hbm4b:s16+s5] =	stream.linear.scatter [tilespmem:s30], [sflag:$0x4], $0x80, $0x38;
	[tilespmem:$0xC420] =	vst v63  }
0x2b6: {  	_ =	swait.ge [sflag:s22], $0x80  }
0x2b7: {  	[sflag:s22] =	ssyncset.done $0x0  }
0x2b8: {  	[sflag:s22] =	ssyncadd.s32 $0xFFFFFF80  }
.LBB2_15:
0x2b9: {  	_ =	sfence.sel $0x180000  }
0x2ba: {  	[bflag:$0x0] =	sbarrier.arrive $0xFFFF  }
0x2bb: {  	_ =	strace $0x90000047  }
0x2bc: {  	[bflag:$0x2] =	sbarrier.arrive $0xFFFF  }
0x2bd: {  	s0 =	rddreg [dreg:$0x5]  }
0x2be: {  	s0 =	sadd.s32 @!p0 $0x100000, s0  }
0x2bf: {  	[sflag:s0] =	ssyncadd.tile.s32 @!p0 $0x1;
	_ =	shalt  }
.Lfunc_end2:
_tile_overlayer_lowered:
.L_overlay_start_2:
0x2c0: {  	(tag) =	ssettag $0x2  }
0x2c1: {  	s0 =	rddreg [dreg:$0x0];
	s2 =	stileid.u32  }
0x2c2: {  	s1 =	rddreg [dreg:$0x1];
	p0 =	sne.s32 s2, $0x0  }
0x2c3: {  	s3 =	rddreg [dreg:$0x2];
	[bflag:$0x3] =	sbarrier.arrive $0xFFFF;
	s2 =	simm.s32 @!p0 $0x1C04  }
0x2c4: {  	[timem:s3], [sflag:s2] =	dma.local @!p0 [hbm:s0], s1  }
0x2c5: {  	s0 =	simm.s32 @!p0 $0x4  }
0x2c6: {  	_ =	swait.ge @!p0 [sflag:s0], s1  }
0x2c7: {  	s1 =	ssub.s32 @!p0 $0x0, s1;
	[sflag:s0] =	ssyncset.done @!p0 $0x0  }
0x2c8: {  	[sflag:s0] =	ssyncadd.s32 @!p0 s1  }
0x2c9: {  	[bflag:$0x3] =	sbarrier.arrive $0xFFFF  }
0x2ca: {  	_ =	shalt  }

</sc_bundles>
